<compile_context>
chip_gen: v7x
topology: tpu7x:2x2x1
jax: 0.10.2.dev20260603
libtpu: 0.0.44.dev20260713+nightly
codegen_flags: <defaults>
</compile_context>

<pallas_src>
import functools

import jax
import jax.numpy as jnp
from jax import lax
from jax.experimental import pallas as pl
from jax.experimental.pallas import tpu as pltpu
from jax.experimental.pallas import tpu_sc as plsc

_B = 8
_N = 50000
_R = 400000
_S0 = _N // 2
_S1 = (3 * _N) // 4
_L = 16
_W = 256
_RSH = 8
_RMASK = _W - 1
_ROWS = 224
_NPAD = _ROWS * _W
_CH = 2000
_QUARTER = _R // 4
_NCHUNK = _QUARTER // _CH
_NTILES = 32

_mesh = plsc.VectorSubcoreMesh(core_axis_name="c", subcore_axis_name="s")


@functools.partial(
    pl.kernel,
    mesh=_mesh,
    out_type=(
        jax.ShapeDtypeStruct((_NTILES, _ROWS, _W), jnp.float32),
        jax.ShapeDtypeStruct((_NTILES, 2, _L), jnp.float32),
    ),
    compiler_params=pltpu.CompilerParams(needs_layout_passes=False),
    scratch_types=[
        pltpu.VMEM((_N,), jnp.float32),
        pltpu.VMEM((_ROWS, _W), jnp.float32),
        pltpu.VMEM((_CH,), jnp.int32),
        pltpu.VMEM((_CH,), jnp.int32),
        pltpu.VMEM((_CH,), jnp.int32),
        pltpu.VMEM((_CH,), jnp.float32),
        pltpu.VMEM((_CH,), jnp.int32),
        pltpu.VMEM((_CH,), jnp.int32),
        pltpu.VMEM((_CH,), jnp.int32),
        pltpu.VMEM((_CH,), jnp.float32),
        pltpu.VMEM((2, _L), jnp.float32),
        pltpu.SemaphoreType.DMA,
        pltpu.SemaphoreType.DMA,
    ],
)
def _sc_three_phase(y_hbm, reac1_hbm, prod1_hbm, k1_hbm,
                    r2a_hbm, r2b_hbm, p2_hbm, k2_hbm,
                    pout_hbm, sout_hbm,
                    y_buf, p_buf,
                    i0a, i1a, i2a, f0a,
                    i0b, i1b, i2b, f0b,
                    out_v, sema, semb):
    c = lax.axis_index("c")
    s = lax.axis_index("s")
    b = c * 4 + (s // 4)
    q = s % 4
    slot = c * 16 + s
    zero16 = jnp.zeros((_L,), jnp.float32)
    iota16 = lax.iota(jnp.int32, _L)

    def _zero(t, carry):
        p_buf[t // (_W // _L), pl.ds((t % (_W // _L)) * _L, _L)] = zero16
        return carry
    lax.fori_loop(0, _ROWS * (_W // _L), _zero, 0, unroll=8)

    pltpu.sync_copy(y_hbm.at[b], y_buf)

    base = q * _QUARTER
    set1a = (i0a, i1a, f0a)
    set1b = (i0b, i1b, f0b)
    set2a = (i0a, i1a, i2a, f0a)
    set2b = (i0b, i1b, i2b, f0b)

    r1_src = (reac1_hbm, prod1_hbm, k1_hbm)
    r2_src = (r2a_hbm, r2b_hbm, p2_hbm, k2_hbm)

    kbase = b * _R

    def _fire(srcs, bufs, sem, off):
        for src_hbm, buf in zip(srcs, bufs):
            if src_hbm is k1_hbm or src_hbm is k2_hbm:
                pltpu.async_copy(src_hbm.at[pl.ds(kbase + off, _CH)], buf, sem)
            else:
                pltpu.async_copy(src_hbm.at[pl.ds(off, _CH)], buf, sem)

    def _drain(srcs, bufs, sem):
        for src_hbm, buf in zip(srcs, bufs):
            pltpu.make_async_copy(src_hbm.at[pl.ds(0, _CH)], buf, sem).wait()

    def _proc1(bufs):
        @plsc.parallel_loop(0, _CH // _L, unroll=8)
        def _inner(j):
            o = j * _L
            i1 = bufs[0][pl.ds(o, _L)]
            p1 = bufs[1][pl.ds(o, _L)]
            kk = bufs[2][pl.ds(o, _L)]
            r = kk * plsc.load_gather(y_buf, [i1])
            plsc.addupdate_scatter(p_buf, [p1 >> _RSH, p1 & _RMASK], r)
            plsc.addupdate_scatter(p_buf, [i1 >> _RSH, i1 & _RMASK], -r)

    def _proc2(bufs):
        @plsc.parallel_loop(0, _CH // _L, unroll=8)
        def _inner(j):
            o = j * _L
            ia = bufs[0][pl.ds(o, _L)]
            ib = bufs[1][pl.ds(o, _L)]
            p2 = bufs[2][pl.ds(o, _L)]
            kk = bufs[3][pl.ds(o, _L)]
            r = (kk * plsc.load_gather(y_buf, [ia])
                 * plsc.load_gather(y_buf, [ib]))
            plsc.addupdate_scatter(p_buf, [p2 >> _RSH, p2 & _RMASK], r)
            plsc.addupdate_scatter(p_buf, [ia >> _RSH, ia & _RMASK], -r)
            plsc.addupdate_scatter(p_buf, [ib >> _RSH, ib & _RMASK], -r)

    def _phase(srcs, bufs_a, bufs_b, proc):
        _fire(srcs, bufs_a, sema, base)

        def _pair(k, carry2):
            off1 = base + (2 * k + 1) * _CH
            off2 = base + jnp.minimum(2 * k + 2, _NCHUNK - 1) * _CH
            _fire(srcs, bufs_b, semb, off1)
            _drain(srcs, bufs_a, sema)
            proc(bufs_a)
            _fire(srcs, bufs_a, sema, off2)
            _drain(srcs, bufs_b, semb)
            proc(bufs_b)
            return carry2

        lax.fori_loop(0, _NCHUNK // 2, _pair, 0)
        _drain(srcs, bufs_a, sema)

    _phase(r1_src, set1a, set1b, _proc1)
    _phase(r2_src, set2a, set2b, _proc2)

    def _ysum(i, carry):
        ys, ym = carry
        v = y_buf[pl.ds(i * _L, _L)]
        ii = iota16 + i * _L
        ys = ys + jnp.where((ii >= _S0) & (ii < _S1), v, 0.0)
        ym = ym + jnp.where(ii >= _S1, v, 0.0)
        return ys, ym
    ys, ym = lax.fori_loop(_S0 // _L, _N // _L, _ysum, (zero16, zero16), unroll=8)

    out_v[0, :] = ys
    out_v[1, :] = ym
    pltpu.sync_copy(out_v, sout_hbm.at[slot])
    pltpu.sync_copy(p_buf, pout_hbm.at[slot])


_KR = 3125


def _tc_coeff_body(med_ref, a1_ref, g1_ref, a2_ref, g2_ref, k1_ref, k2_ref):
    bi = pl.program_id(0)
    ninvT = med_ref[bi, 0]
    den = med_ref[bi, 1]
    k1_ref[0] = a1_ref[...] * jnp.exp(g1_ref[...] * ninvT)
    k2_ref[0] = a2_ref[...] * jnp.exp(g2_ref[...] * ninvT) * den


_tc_coeff = pl.pallas_call(
    _tc_coeff_body,
    grid=(_B,),
    in_specs=[
        pl.BlockSpec((_B, 2), lambda i: (0, 0)),
        pl.BlockSpec((_KR, 128), lambda i: (0, 0)),
        pl.BlockSpec((_KR, 128), lambda i: (0, 0)),
        pl.BlockSpec((_KR, 128), lambda i: (0, 0)),
        pl.BlockSpec((_KR, 128), lambda i: (0, 0)),
    ],
    out_specs=[
        pl.BlockSpec((1, _KR, 128), lambda i: (i, 0, 0)),
        pl.BlockSpec((1, _KR, 128), lambda i: (i, 0, 0)),
    ],
    out_shape=[
        jax.ShapeDtypeStruct((_B, _KR, 128), jnp.float32),
        jax.ShapeDtypeStruct((_B, _KR, 128), jnp.float32),
    ],
)


def _tc_combine_body(s_ref, p_ref, o_ref):
    sums = s_ref[0]
    ys = jnp.sum(sums[0, 0, :])
    ym = jnp.sum(sums[0, 1, :])
    psum = jnp.sum(p_ref[0], axis=0)
    n = (lax.broadcasted_iota(jnp.int32, (_ROWS, _W), 0) * _W
         + lax.broadcasted_iota(jnp.int32, (_ROWS, _W), 1))
    m = (n >= _S0) & (n < _S1)
    x = jnp.sum(jnp.where(m, psum, 0.0)) * 1.0e6
    decay = jnp.minimum(2.0 / (1.0e6 * (ys + ym) + 1e-30), 1.0)
    smt = decay / (1.0 + jnp.exp(-x))
    o_ref[0] = smt * psum


_tc_combine = pl.pallas_call(
    _tc_combine_body,
    grid=(_B,),
    in_specs=[
        pl.BlockSpec((1, 4, 2, _L), lambda i: (i, 0, 0, 0)),
        pl.BlockSpec((1, 4, _ROWS, _W), lambda i: (i, 0, 0, 0)),
    ],
    out_specs=pl.BlockSpec((1, _ROWS, _W), lambda i: (i, 0, 0)),
    out_shape=jax.ShapeDtypeStruct((_B, _ROWS, _W), jnp.float32),
)


def kernel(t_in, y_in, reac1, prod1, reac2a, reac2b, prod2,
           alpha1, gamma1, alpha2, gamma2):
    t32 = t_in.astype(jnp.float32)
    T = 10.0 + 5.0 * jnp.abs(jnp.sin(t32 * 1e-5))
    den = 1.0e4 * (1.0 + 0.1 * jnp.cos(t32 * 1e-5))
    med = jnp.stack([-1.0 / T, den], axis=1).astype(jnp.float32)
    i32 = lambda a: a.astype(jnp.int32)
    f32 = lambda a: a.astype(jnp.float32)
    k1, k2 = _tc_coeff(med,
                       f32(alpha1).reshape(_KR, 128),
                       f32(gamma1).reshape(_KR, 128),
                       f32(alpha2).reshape(_KR, 128),
                       f32(gamma2).reshape(_KR, 128))
    pout, sout = _sc_three_phase(
        y_in.astype(jnp.float32),
        i32(reac1), i32(prod1), k1.reshape(_B * _R),
        i32(reac2a), i32(reac2b), i32(prod2), k2.reshape(_B * _R),
    )
    dy = _tc_combine(sout.reshape(_B, 4, 2, _L),
                     pout.reshape(_B, 4, _ROWS, _W))
    return dy.reshape(_B, _NPAD)[:, :_N]

# --- scband reference (transcript-rebuilt; emitter-appended) ---
"""Pipeline reference for scband-three-phase-term-49091476193862 (READ-ONLY COPY).

The authoritative reference and input builder live on the scoring server;
editing this copy changes nothing except your own understanding.
"""

import jax, jax.numpy as jnp
import numpy as np

B = 8
N = 50000
R1 = 400000
R2 = 400000
S0 = N // 2
S1 = (3 * N) // 4
LAYER_FACTOR = 1.0e6
NUM_ACTIVE_LAYERS = 2.0


def setup_inputs(seed: int = 0) -> dict:
    key = jax.random.key(seed)
    ks = jax.random.split(key, 11)
    t_in = jax.random.uniform(ks[0], (B,), dtype=jnp.float32) * 1.0e5
    y_in = jax.random.uniform(ks[1], (B, N), dtype=jnp.float32) * 1e-6 + 1e-12
    reac1 = jax.random.randint(ks[2], (R1,), 0, N)
    prod1 = jax.random.randint(ks[3], (R1,), 0, N)
    reac2a = jax.random.randint(ks[4], (R2,), 0, N)
    reac2b = jax.random.randint(ks[5], (R2,), 0, N)
    prod2 = jax.random.randint(ks[6], (R2,), 0, N)
    alpha1 = jax.random.uniform(ks[7], (R1,), dtype=jnp.float32) * 1e-9 + 1e-12
    gamma1 = jax.random.uniform(ks[8], (R1,), dtype=jnp.float32) * 100.0
    alpha2 = jax.random.uniform(ks[9], (R2,), dtype=jnp.float32) * 1e-10 + 1e-13
    gamma2 = jax.random.uniform(ks[10], (R2,), dtype=jnp.float32) * 1000.0
    return {
        't_in': t_in, 'y_in': y_in,
        'reac1': reac1, 'prod1': prod1,
        'reac2a': reac2a, 'reac2b': reac2b, 'prod2': prod2,
        'alpha1': alpha1, 'gamma1': gamma1,
        'alpha2': alpha2, 'gamma2': gamma2,
    }


def _three_phase(t_in, y_in, alpha1, gamma1, alpha2, gamma2,
                 reac1, prod1, reac2a, reac2b, prod2):
    # module_med: medium parameters from time
    T = 10.0 + 5.0 * jnp.abs(jnp.sin(t_in * 1e-5))[:, None]            # [B,1]
    den_norm = (1.0e4 * (1.0 + 0.1 * jnp.cos(t_in * 1e-5)))[:, None]   # [B,1]
    # rmod.assign_rate_coeffs: Arrhenius-like coefficients per reaction
    k1 = alpha1[None, :] * jnp.exp(-gamma1[None, :] / T)               # [B,R1]
    k2 = alpha2[None, :] * jnp.exp(-gamma2[None, :] / T)               # [B,R2]
    # surface / mantle layer bookkeeping
    y_surf = jnp.sum(y_in[:, S0:S1], axis=-1, keepdims=True)
    y_mant = jnp.sum(y_in[:, S1:], axis=-1, keepdims=True)
    n_layer_surf = LAYER_FACTOR * y_surf
    n_layer_mant = LAYER_FACTOR * y_mant
    decay = jnp.minimum(NUM_ACTIVE_LAYERS / (n_layer_surf + n_layer_mant + 1e-30), 1.0)
    # asm_*_surf_gain / asm_*_surf_loss: batched scatter-adds (segment reduce over reactions)
    rate1 = k1 * y_in[:, reac1]
    gain1 = jnp.zeros_like(y_in).at[:, prod1].add(rate1)
    loss1 = jnp.zeros_like(y_in).at[:, reac1].add(rate1)
    rate2 = k2 * y_in[:, reac2a] * y_in[:, reac2b] * den_norm
    gain2 = jnp.zeros_like(y_in).at[:, prod2].add(rate2)
    loss2 = jnp.zeros_like(y_in).at[:, reac2a].add(rate2).at[:, reac2b].add(rate2)
    dy_surf_gain = jnp.sum((gain1 + gain2)[:, S0:S1], axis=-1, keepdims=True)
    dy_surf_loss = -jnp.sum((loss1 + loss2)[:, S0:S1], axis=-1, keepdims=True)
    # rmod_smt.assign_rate_coeffs: smooth three-phase transfer correction
    smt = decay * jax.nn.sigmoid((dy_surf_gain + dy_surf_loss) * 1.0e6)
    k1s = k1 * smt
    k2s = k2 * smt
    # asm_1st + asm_2nd: full scatter-add assembly of dy/dt
    rate1s = k1s * y_in[:, reac1]
    dy1 = jnp.zeros_like(y_in).at[:, prod1].add(rate1s).at[:, reac1].add(-rate1s)
    rate2s = k2s * y_in[:, reac2a] * y_in[:, reac2b] * den_norm
    dy2 = (jnp.zeros_like(y_in)
           .at[:, prod2].add(rate2s)
           .at[:, reac2a].add(-rate2s)
           .at[:, reac2b].add(-rate2s))
    return dy1 + dy2


def reference(t_in, y_in, reac1, prod1, reac2a, reac2b, prod2,
              alpha1, gamma1, alpha2, gamma2):
    return _three_phase(t_in, y_in, alpha1, gamma1, alpha2, gamma2,
                        reac1, prod1, reac2a, reac2b, prod2)

if __name__ == "__main__":
    import jax
    _d = setup_inputs()
    print(jax.jit(kernel)(*tuple(_d.values())))

</pallas_src>

<mosaic_0001>
#map = affine_map<(d0, d1) -> (0, 0)>
#map1 = affine_map<(d0, d1) -> (0)>
#map2 = affine_map<(d0, d1) -> (0, 0, 0)>
module attributes {stable_mosaic.version = 14 : i64} {
  func.func @_sc_three_phase(%arg0: i32, %arg1: i32, %arg2: memref<8x50000xf32, #tpu.memory_space<hbm>>, %arg3: memref<400000xi32, #tpu.memory_space<hbm>>, %arg4: memref<400000xi32, #tpu.memory_space<hbm>>, %arg5: memref<3200000xf32, #tpu.memory_space<hbm>>, %arg6: memref<400000xi32, #tpu.memory_space<hbm>>, %arg7: memref<400000xi32, #tpu.memory_space<hbm>>, %arg8: memref<400000xi32, #tpu.memory_space<hbm>>, %arg9: memref<3200000xf32, #tpu.memory_space<hbm>>, %arg10: memref<32x224x256xf32, #tpu.memory_space<hbm>>, %arg11: memref<32x2x16xf32, #tpu.memory_space<hbm>>, %arg12: memref<50000xf32, #tpu.memory_space<vmem>>, %arg13: memref<224x256xf32, #tpu.memory_space<vmem>>, %arg14: memref<2000xi32, #tpu.memory_space<vmem>>, %arg15: memref<2000xi32, #tpu.memory_space<vmem>>, %arg16: memref<2000xi32, #tpu.memory_space<vmem>>, %arg17: memref<2000xf32, #tpu.memory_space<vmem>>, %arg18: memref<2000xi32, #tpu.memory_space<vmem>>, %arg19: memref<2000xi32, #tpu.memory_space<vmem>>, %arg20: memref<2000xi32, #tpu.memory_space<vmem>>, %arg21: memref<2000xf32, #tpu.memory_space<vmem>>, %arg22: memref<2x16xf32, #tpu.memory_space<vmem>>, %arg23: memref<!tpu.dma_semaphore, #tpu.memory_space<semaphore_mem>>, %arg24: memref<!tpu.dma_semaphore, #tpu.memory_space<semaphore_mem>>) attributes {dimension_semantics = [#tpu.dimension_semantics<core_parallel>, #tpu.dimension_semantics<subcore_parallel>], iteration_bounds = array<i64: 2, 16>, scalar_prefetch = 0 : i64, scratch_operands = 13 : i64, tpu.core_type = #tpu.core_type<sc_vector_subcore>, window_params = [{transform_indices = #map}, {transform_indices = #map1}, {transform_indices = #map1}, {transform_indices = #map1}, {transform_indices = #map1}, {transform_indices = #map1}, {transform_indices = #map1}, {transform_indices = #map1}, {transform_indices = #map2}, {transform_indices = #map2}]} {
    %mul3A = arith.constant 4 : i32
    %mul3A_0 = arith.muli %arg0, %mul3A : i32
    %jit3A = arith.constant 4 : i32
    %div3A = arith.divsi %arg1, %jit3A : i32
    %sign3A = arith.constant 0 : i32
    %sign3A_1 = arith.cmpi sgt, %arg1, %sign3A : i32
    %sign3A_2 = arith.extui %sign3A_1 : i1 to i32
    %sign3A_3 = arith.constant 0 : i32
    %sign3A_4 = arith.cmpi slt, %arg1, %sign3A_3 : i32
    %sign3A_5 = arith.extui %sign3A_4 : i1 to i32
    %sign3A_6 = arith.subi %sign3A_2, %sign3A_5 : i32
    %sign3A_7 = arith.constant 0 : i32
    %sign3A_8 = arith.cmpi sgt, %jit3A, %sign3A_7 : i32
    %sign3A_9 = arith.extui %sign3A_8 : i1 to i32
    %sign3A_10 = arith.constant 0 : i32
    %sign3A_11 = arith.cmpi slt, %jit3A, %sign3A_10 : i32
    %sign3A_12 = arith.extui %sign3A_11 : i1 to i32
    %sign3A_13 = arith.subi %sign3A_9, %sign3A_12 : i32
    %ne3A = arith.cmpi ne, %sign3A_6, %sign3A_13 : i32
    %rem3A = arith.remsi %arg1, %jit3A : i32
    %ne3A_14 = arith.constant 0 : i32
    %ne3A_15 = arith.cmpi ne, %rem3A, %ne3A_14 : i32
    %and3A = arith.andi %ne3A, %ne3A_15 : i1
    %sub3A = arith.constant 1 : i32
    %sub3A_16 = arith.subi %div3A, %sub3A : i32
    %select_n3A = arith.select %and3A, %sub3A_16, %div3A : i32
    %add3A = arith.addi %mul3A_0, %select_n3A : i32
    %jit3A_17 = arith.constant 4 : i32
    %eq3A = arith.constant 0 : i32
    %eq3A_18 = arith.cmpi eq, %jit3A_17, %eq3A : i32
    %jit3A_19 = arith.constant 1 : i32
    %select_n3A_20 = arith.select %eq3A_18, %jit3A_19, %jit3A_17 : i32
    %rem3A_21 = arith.remsi %arg1, %select_n3A_20 : i32
    %ne3A_22 = arith.constant 0 : i32
    %ne3A_23 = arith.cmpi ne, %rem3A_21, %ne3A_22 : i32
    %lt3A = arith.constant 0 : i32
    %lt3A_24 = arith.cmpi slt, %rem3A_21, %lt3A : i32
    %lt3A_25 = arith.constant 0 : i32
    %lt3A_26 = arith.cmpi slt, %select_n3A_20, %lt3A_25 : i32
    %ne3A_27 = arith.xori %lt3A_24, %lt3A_26 : i1
    %and3A_28 = arith.andi %ne3A_27, %ne3A_23 : i1
    %add3A_29 = arith.addi %rem3A_21, %select_n3A_20 : i32
    %select_n3A_30 = arith.select %and3A_28, %add3A_29, %rem3A_21 : i32
    %mul3A_31 = arith.constant 16 : i32
    %mul3A_32 = arith.muli %arg0, %mul3A_31 : i32
    %add3A_33 = arith.addi %mul3A_32, %arg1 : i32
    %broadcast_in_dim3A = arith.constant 0.000000e+00 : f32
    %broadcast_in_dim3A_34 = vector.broadcast %broadcast_in_dim3A : f32 to vector<16xf32>
    %iota3A = tpu.iota {dimensions = array<i32: 0>} : vector<16xi32>
    %scan3A = arith.constant 0 : i32
    %scan3A_35 = arith.constant 0 : i32
    %scan3A_36 = arith.constant 3584 : i32
    %scan3A_37 = arith.addi %scan3A_35, %scan3A_36 : i32
    %scan3A_38 = arith.constant 8 : i32
    scf.for %scan3A_193 = %scan3A_35 to %scan3A_37 step %scan3A_38  : i32 {
      %jit3A_194 = arith.constant 16 : i32
      %div3A_195 = arith.divsi %scan3A_193, %jit3A_194 : i32
      %sign3A_196 = arith.constant 0 : i32
      %sign3A_197 = arith.cmpi sgt, %scan3A_193, %sign3A_196 : i32
      %sign3A_198 = arith.extui %sign3A_197 : i1 to i32
      %sign3A_199 = arith.constant 0 : i32
      %sign3A_200 = arith.cmpi slt, %scan3A_193, %sign3A_199 : i32
      %sign3A_201 = arith.extui %sign3A_200 : i1 to i32
      %sign3A_202 = arith.subi %sign3A_198, %sign3A_201 : i32
      %sign3A_203 = arith.constant 0 : i32
      %sign3A_204 = arith.cmpi sgt, %jit3A_194, %sign3A_203 : i32
      %sign3A_205 = arith.extui %sign3A_204 : i1 to i32
      %sign3A_206 = arith.constant 0 : i32
      %sign3A_207 = arith.cmpi slt, %jit3A_194, %sign3A_206 : i32
      %sign3A_208 = arith.extui %sign3A_207 : i1 to i32
      %sign3A_209 = arith.subi %sign3A_205, %sign3A_208 : i32
      %ne3A_210 = arith.cmpi ne, %sign3A_202, %sign3A_209 : i32
      %rem3A_211 = arith.remsi %scan3A_193, %jit3A_194 : i32
      %ne3A_212 = arith.constant 0 : i32
      %ne3A_213 = arith.cmpi ne, %rem3A_211, %ne3A_212 : i32
      %and3A_214 = arith.andi %ne3A_210, %ne3A_213 : i1
      %sub3A_215 = arith.constant 1 : i32
      %sub3A_216 = arith.subi %div3A_195, %sub3A_215 : i32
      %select_n3A_217 = arith.select %and3A_214, %sub3A_216, %div3A_195 : i32
      %jit3A_218 = arith.constant 16 : i32
      %eq3A_219 = arith.constant 0 : i32
      %eq3A_220 = arith.cmpi eq, %jit3A_218, %eq3A_219 : i32
      %jit3A_221 = arith.constant 1 : i32
      %select_n3A_222 = arith.select %eq3A_220, %jit3A_221, %jit3A_218 : i32
      %rem3A_223 = arith.remsi %scan3A_193, %select_n3A_222 : i32
      %ne3A_224 = arith.constant 0 : i32
      %ne3A_225 = arith.cmpi ne, %rem3A_223, %ne3A_224 : i32
      %lt3A_226 = arith.constant 0 : i32
      %lt3A_227 = arith.cmpi slt, %rem3A_223, %lt3A_226 : i32
      %lt3A_228 = arith.constant 0 : i32
      %lt3A_229 = arith.cmpi slt, %select_n3A_222, %lt3A_228 : i32
      %ne3A_230 = arith.xori %lt3A_227, %lt3A_229 : i1
      %and3A_231 = arith.andi %ne3A_230, %ne3A_225 : i1
      %add3A_232 = arith.addi %rem3A_223, %select_n3A_222 : i32
      %select_n3A_233 = arith.select %and3A_231, %add3A_232, %rem3A_223 : i32
      %mul3A_234 = arith.constant 16 : i32
      %mul3A_235 = arith.muli %select_n3A_233, %mul3A_234 : i32
      %swap3A_236 = arith.index_cast %select_n3A_217 : i32 to index
      %swap3A_237 = arith.index_cast %mul3A_235 : i32 to index
      %swap3A_238 = tpu.vector_load %arg13[%swap3A_236, %swap3A_237] {strides = array<i32>} : memref<224x256xf32, #tpu.memory_space<vmem>>, vector<16xf32>,
      tpu.vector_store %arg13[%swap3A_236, %swap3A_237], %broadcast_in_dim3A_34 {strides = array<i32>} : memref<224x256xf32, #tpu.memory_space<vmem>>, vector<16xf32>,
      %scan3A_239 = arith.constant 1 : i32
      %scan3A_240 = arith.addi %scan3A_193, %scan3A_239 : i32
      %jit3A_241 = arith.constant 16 : i32
      %div3A_242 = arith.divsi %scan3A_240, %jit3A_241 : i32
      %sign3A_243 = arith.constant 0 : i32
      %sign3A_244 = arith.cmpi sgt, %scan3A_240, %sign3A_243 : i32
      %sign3A_245 = arith.extui %sign3A_244 : i1 to i32
      %sign3A_246 = arith.constant 0 : i32
      %sign3A_247 = arith.cmpi slt, %scan3A_240, %sign3A_246 : i32
      %sign3A_248 = arith.extui %sign3A_247 : i1 to i32
      %sign3A_249 = arith.subi %sign3A_245, %sign3A_248 : i32
      %sign3A_250 = arith.constant 0 : i32
      %sign3A_251 = arith.cmpi sgt, %jit3A_241, %sign3A_250 : i32
      %sign3A_252 = arith.extui %sign3A_251 : i1 to i32
      %sign3A_253 = arith.constant 0 : i32
      %sign3A_254 = arith.cmpi slt, %jit3A_241, %sign3A_253 : i32
      %sign3A_255 = arith.extui %sign3A_254 : i1 to i32
      %sign3A_256 = arith.subi %sign3A_252, %sign3A_255 : i32
      %ne3A_257 = arith.cmpi ne, %sign3A_249, %sign3A_256 : i32
      %rem3A_258 = arith.remsi %scan3A_240, %jit3A_241 : i32
      %ne3A_259 = arith.constant 0 : i32
      %ne3A_260 = arith.cmpi ne, %rem3A_258, %ne3A_259 : i32
      %and3A_261 = arith.andi %ne3A_257, %ne3A_260 : i1
      %sub3A_262 = arith.constant 1 : i32
      %sub3A_263 = arith.subi %div3A_242, %sub3A_262 : i32
      %select_n3A_264 = arith.select %and3A_261, %sub3A_263, %div3A_242 : i32
      %jit3A_265 = arith.constant 16 : i32
      %eq3A_266 = arith.constant 0 : i32
      %eq3A_267 = arith.cmpi eq, %jit3A_265, %eq3A_266 : i32
      %jit3A_268 = arith.constant 1 : i32
      %select_n3A_269 = arith.select %eq3A_267, %jit3A_268, %jit3A_265 : i32
      %rem3A_270 = arith.remsi %scan3A_240, %select_n3A_269 : i32
      %ne3A_271 = arith.constant 0 : i32
      %ne3A_272 = arith.cmpi ne, %rem3A_270, %ne3A_271 : i32
      %lt3A_273 = arith.constant 0 : i32
      %lt3A_274 = arith.cmpi slt, %rem3A_270, %lt3A_273 : i32
      %lt3A_275 = arith.constant 0 : i32
      %lt3A_276 = arith.cmpi slt, %select_n3A_269, %lt3A_275 : i32
      %ne3A_277 = arith.xori %lt3A_274, %lt3A_276 : i1
      %and3A_278 = arith.andi %ne3A_277, %ne3A_272 : i1
      %add3A_279 = arith.addi %rem3A_270, %select_n3A_269 : i32
      %select_n3A_280 = arith.select %and3A_278, %add3A_279, %rem3A_270 : i32
      %mul3A_281 = arith.constant 16 : i32
      %mul3A_282 = arith.muli %select_n3A_280, %mul3A_281 : i32
      %swap3A_283 = arith.index_cast %select_n3A_264 : i32 to index
      %swap3A_284 = arith.index_cast %mul3A_282 : i32 to index
      %swap3A_285 = tpu.vector_load %arg13[%swap3A_283, %swap3A_284] {strides = array<i32>} : memref<224x256xf32, #tpu.memory_space<vmem>>, vector<16xf32>,
      tpu.vector_store %arg13[%swap3A_283, %swap3A_284], %broadcast_in_dim3A_34 {strides = array<i32>} : memref<224x256xf32, #tpu.memory_space<vmem>>, vector<16xf32>,
      %scan3A_286 = arith.constant 2 : i32
      %scan3A_287 = arith.addi %scan3A_193, %scan3A_286 : i32
      %jit3A_288 = arith.constant 16 : i32
      %div3A_289 = arith.divsi %scan3A_287, %jit3A_288 : i32
      %sign3A_290 = arith.constant 0 : i32
      %sign3A_291 = arith.cmpi sgt, %scan3A_287, %sign3A_290 : i32
      %sign3A_292 = arith.extui %sign3A_291 : i1 to i32
      %sign3A_293 = arith.constant 0 : i32
      %sign3A_294 = arith.cmpi slt, %scan3A_287, %sign3A_293 : i32
      %sign3A_295 = arith.extui %sign3A_294 : i1 to i32
      %sign3A_296 = arith.subi %sign3A_292, %sign3A_295 : i32
      %sign3A_297 = arith.constant 0 : i32
      %sign3A_298 = arith.cmpi sgt, %jit3A_288, %sign3A_297 : i32
      %sign3A_299 = arith.extui %sign3A_298 : i1 to i32
      %sign3A_300 = arith.constant 0 : i32
      %sign3A_301 = arith.cmpi slt, %jit3A_288, %sign3A_300 : i32
      %sign3A_302 = arith.extui %sign3A_301 : i1 to i32
      %sign3A_303 = arith.subi %sign3A_299, %sign3A_302 : i32
      %ne3A_304 = arith.cmpi ne, %sign3A_296, %sign3A_303 : i32
      %rem3A_305 = arith.remsi %scan3A_287, %jit3A_288 : i32
      %ne3A_306 = arith.constant 0 : i32
      %ne3A_307 = arith.cmpi ne, %rem3A_305, %ne3A_306 : i32
      %and3A_308 = arith.andi %ne3A_304, %ne3A_307 : i1
      %sub3A_309 = arith.constant 1 : i32
      %sub3A_310 = arith.subi %div3A_289, %sub3A_309 : i32
      %select_n3A_311 = arith.select %and3A_308, %sub3A_310, %div3A_289 : i32
      %jit3A_312 = arith.constant 16 : i32
      %eq3A_313 = arith.constant 0 : i32
      %eq3A_314 = arith.cmpi eq, %jit3A_312, %eq3A_313 : i32
      %jit3A_315 = arith.constant 1 : i32
      %select_n3A_316 = arith.select %eq3A_314, %jit3A_315, %jit3A_312 : i32
      %rem3A_317 = arith.remsi %scan3A_287, %select_n3A_316 : i32
      %ne3A_318 = arith.constant 0 : i32
      %ne3A_319 = arith.cmpi ne, %rem3A_317, %ne3A_318 : i32
      %lt3A_320 = arith.constant 0 : i32
      %lt3A_321 = arith.cmpi slt, %rem3A_317, %lt3A_320 : i32
      %lt3A_322 = arith.constant 0 : i32
      %lt3A_323 = arith.cmpi slt, %select_n3A_316, %lt3A_322 : i32
      %ne3A_324 = arith.xori %lt3A_321, %lt3A_323 : i1
      %and3A_325 = arith.andi %ne3A_324, %ne3A_319 : i1
      %add3A_326 = arith.addi %rem3A_317, %select_n3A_316 : i32
      %select_n3A_327 = arith.select %and3A_325, %add3A_326, %rem3A_317 : i32
      %mul3A_328 = arith.constant 16 : i32
      %mul3A_329 = arith.muli %select_n3A_327, %mul3A_328 : i32
      %swap3A_330 = arith.index_cast %select_n3A_311 : i32 to index
      %swap3A_331 = arith.index_cast %mul3A_329 : i32 to index
      %swap3A_332 = tpu.vector_load %arg13[%swap3A_330, %swap3A_331] {strides = array<i32>} : memref<224x256xf32, #tpu.memory_space<vmem>>, vector<16xf32>,
      tpu.vector_store %arg13[%swap3A_330, %swap3A_331], %broadcast_in_dim3A_34 {strides = array<i32>} : memref<224x256xf32, #tpu.memory_space<vmem>>, vector<16xf32>,
      %scan3A_333 = arith.constant 3 : i32
      %scan3A_334 = arith.addi %scan3A_193, %scan3A_333 : i32
      %jit3A_335 = arith.constant 16 : i32
      %div3A_336 = arith.divsi %scan3A_334, %jit3A_335 : i32
      %sign3A_337 = arith.constant 0 : i32
      %sign3A_338 = arith.cmpi sgt, %scan3A_334, %sign3A_337 : i32
      %sign3A_339 = arith.extui %sign3A_338 : i1 to i32
      %sign3A_340 = arith.constant 0 : i32
      %sign3A_341 = arith.cmpi slt, %scan3A_334, %sign3A_340 : i32
      %sign3A_342 = arith.extui %sign3A_341 : i1 to i32
      %sign3A_343 = arith.subi %sign3A_339, %sign3A_342 : i32
      %sign3A_344 = arith.constant 0 : i32
      %sign3A_345 = arith.cmpi sgt, %jit3A_335, %sign3A_344 : i32
      %sign3A_346 = arith.extui %sign3A_345 : i1 to i32
      %sign3A_347 = arith.constant 0 : i32
      %sign3A_348 = arith.cmpi slt, %jit3A_335, %sign3A_347 : i32
      %sign3A_349 = arith.extui %sign3A_348 : i1 to i32
      %sign3A_350 = arith.subi %sign3A_346, %sign3A_349 : i32
      %ne3A_351 = arith.cmpi ne, %sign3A_343, %sign3A_350 : i32
      %rem3A_352 = arith.remsi %scan3A_334, %jit3A_335 : i32
      %ne3A_353 = arith.constant 0 : i32
      %ne3A_354 = arith.cmpi ne, %rem3A_352, %ne3A_353 : i32
      %and3A_355 = arith.andi %ne3A_351, %ne3A_354 : i1
      %sub3A_356 = arith.constant 1 : i32
      %sub3A_357 = arith.subi %div3A_336, %sub3A_356 : i32
      %select_n3A_358 = arith.select %and3A_355, %sub3A_357, %div3A_336 : i32
      %jit3A_359 = arith.constant 16 : i32
      %eq3A_360 = arith.constant 0 : i32
      %eq3A_361 = arith.cmpi eq, %jit3A_359, %eq3A_360 : i32
      %jit3A_362 = arith.constant 1 : i32
      %select_n3A_363 = arith.select %eq3A_361, %jit3A_362, %jit3A_359 : i32
      %rem3A_364 = arith.remsi %scan3A_334, %select_n3A_363 : i32
      %ne3A_365 = arith.constant 0 : i32
      %ne3A_366 = arith.cmpi ne, %rem3A_364, %ne3A_365 : i32
      %lt3A_367 = arith.constant 0 : i32
      %lt3A_368 = arith.cmpi slt, %rem3A_364, %lt3A_367 : i32
      %lt3A_369 = arith.constant 0 : i32
      %lt3A_370 = arith.cmpi slt, %select_n3A_363, %lt3A_369 : i32
      %ne3A_371 = arith.xori %lt3A_368, %lt3A_370 : i1
      %and3A_372 = arith.andi %ne3A_371, %ne3A_366 : i1
      %add3A_373 = arith.addi %rem3A_364, %select_n3A_363 : i32
      %select_n3A_374 = arith.select %and3A_372, %add3A_373, %rem3A_364 : i32
      %mul3A_375 = arith.constant 16 : i32
      %mul3A_376 = arith.muli %select_n3A_374, %mul3A_375 : i32
      %swap3A_377 = arith.index_cast %select_n3A_358 : i32 to index
      %swap3A_378 = arith.index_cast %mul3A_376 : i32 to index
      %swap3A_379 = tpu.vector_load %arg13[%swap3A_377, %swap3A_378] {strides = array<i32>} : memref<224x256xf32, #tpu.memory_space<vmem>>, vector<16xf32>,
      tpu.vector_store %arg13[%swap3A_377, %swap3A_378], %broadcast_in_dim3A_34 {strides = array<i32>} : memref<224x256xf32, #tpu.memory_space<vmem>>, vector<16xf32>,
      %scan3A_380 = arith.constant 4 : i32
      %scan3A_381 = arith.addi %scan3A_193, %scan3A_380 : i32
      %jit3A_382 = arith.constant 16 : i32
      %div3A_383 = arith.divsi %scan3A_381, %jit3A_382 : i32
      %sign3A_384 = arith.constant 0 : i32
      %sign3A_385 = arith.cmpi sgt, %scan3A_381, %sign3A_384 : i32
      %sign3A_386 = arith.extui %sign3A_385 : i1 to i32
      %sign3A_387 = arith.constant 0 : i32
      %sign3A_388 = arith.cmpi slt, %scan3A_381, %sign3A_387 : i32
      %sign3A_389 = arith.extui %sign3A_388 : i1 to i32
      %sign3A_390 = arith.subi %sign3A_386, %sign3A_389 : i32
      %sign3A_391 = arith.constant 0 : i32
      %sign3A_392 = arith.cmpi sgt, %jit3A_382, %sign3A_391 : i32
      %sign3A_393 = arith.extui %sign3A_392 : i1 to i32
      %sign3A_394 = arith.constant 0 : i32
      %sign3A_395 = arith.cmpi slt, %jit3A_382, %sign3A_394 : i32
      %sign3A_396 = arith.extui %sign3A_395 : i1 to i32
      %sign3A_397 = arith.subi %sign3A_393, %sign3A_396 : i32
      %ne3A_398 = arith.cmpi ne, %sign3A_390, %sign3A_397 : i32
      %rem3A_399 = arith.remsi %scan3A_381, %jit3A_382 : i32
      %ne3A_400 = arith.constant 0 : i32
      %ne3A_401 = arith.cmpi ne, %rem3A_399, %ne3A_400 : i32
      %and3A_402 = arith.andi %ne3A_398, %ne3A_401 : i1
      %sub3A_403 = arith.constant 1 : i32
      %sub3A_404 = arith.subi %div3A_383, %sub3A_403 : i32
      %select_n3A_405 = arith.select %and3A_402, %sub3A_404, %div3A_383 : i32
      %jit3A_406 = arith.constant 16 : i32
      %eq3A_407 = arith.constant 0 : i32
      %eq3A_408 = arith.cmpi eq, %jit3A_406, %eq3A_407 : i32
      %jit3A_409 = arith.constant 1 : i32
      %select_n3A_410 = arith.select %eq3A_408, %jit3A_409, %jit3A_406 : i32
      %rem3A_411 = arith.remsi %scan3A_381, %select_n3A_410 : i32
      %ne3A_412 = arith.constant 0 : i32
      %ne3A_413 = arith.cmpi ne, %rem3A_411, %ne3A_412 : i32
      %lt3A_414 = arith.constant 0 : i32
      %lt3A_415 = arith.cmpi slt, %rem3A_411, %lt3A_414 : i32
      %lt3A_416 = arith.constant 0 : i32
      %lt3A_417 = arith.cmpi slt, %select_n3A_410, %lt3A_416 : i32
      %ne3A_418 = arith.xori %lt3A_415, %lt3A_417 : i1
      %and3A_419 = arith.andi %ne3A_418, %ne3A_413 : i1
      %add3A_420 = arith.addi %rem3A_411, %select_n3A_410 : i32
      %select_n3A_421 = arith.select %and3A_419, %add3A_420, %rem3A_411 : i32
      %mul3A_422 = arith.constant 16 : i32
      %mul3A_423 = arith.muli %select_n3A_421, %mul3A_422 : i32
      %swap3A_424 = arith.index_cast %select_n3A_405 : i32 to index
      %swap3A_425 = arith.index_cast %mul3A_423 : i32 to index
      %swap3A_426 = tpu.vector_load %arg13[%swap3A_424, %swap3A_425] {strides = array<i32>} : memref<224x256xf32, #tpu.memory_space<vmem>>, vector<16xf32>,
      tpu.vector_store %arg13[%swap3A_424, %swap3A_425], %broadcast_in_dim3A_34 {strides = array<i32>} : memref<224x256xf32, #tpu.memory_space<vmem>>, vector<16xf32>,
      %scan3A_427 = arith.constant 5 : i32
      %scan3A_428 = arith.addi %scan3A_193, %scan3A_427 : i32
      %jit3A_429 = arith.constant 16 : i32
      %div3A_430 = arith.divsi %scan3A_428, %jit3A_429 : i32
      %sign3A_431 = arith.constant 0 : i32
      %sign3A_432 = arith.cmpi sgt, %scan3A_428, %sign3A_431 : i32
      %sign3A_433 = arith.extui %sign3A_432 : i1 to i32
      %sign3A_434 = arith.constant 0 : i32
      %sign3A_435 = arith.cmpi slt, %scan3A_428, %sign3A_434 : i32
      %sign3A_436 = arith.extui %sign3A_435 : i1 to i32
      %sign3A_437 = arith.subi %sign3A_433, %sign3A_436 : i32
      %sign3A_438 = arith.constant 0 : i32
      %sign3A_439 = arith.cmpi sgt, %jit3A_429, %sign3A_438 : i32
      %sign3A_440 = arith.extui %sign3A_439 : i1 to i32
      %sign3A_441 = arith.constant 0 : i32
      %sign3A_442 = arith.cmpi slt, %jit3A_429, %sign3A_441 : i32
      %sign3A_443 = arith.extui %sign3A_442 : i1 to i32
      %sign3A_444 = arith.subi %sign3A_440, %sign3A_443 : i32
      %ne3A_445 = arith.cmpi ne, %sign3A_437, %sign3A_444 : i32
      %rem3A_446 = arith.remsi %scan3A_428, %jit3A_429 : i32
      %ne3A_447 = arith.constant 0 : i32
      %ne3A_448 = arith.cmpi ne, %rem3A_446, %ne3A_447 : i32
      %and3A_449 = arith.andi %ne3A_445, %ne3A_448 : i1
      %sub3A_450 = arith.constant 1 : i32
      %sub3A_451 = arith.subi %div3A_430, %sub3A_450 : i32
      %select_n3A_452 = arith.select %and3A_449, %sub3A_451, %div3A_430 : i32
      %jit3A_453 = arith.constant 16 : i32
      %eq3A_454 = arith.constant 0 : i32
      %eq3A_455 = arith.cmpi eq, %jit3A_453, %eq3A_454 : i32
      %jit3A_456 = arith.constant 1 : i32
      %select_n3A_457 = arith.select %eq3A_455, %jit3A_456, %jit3A_453 : i32
      %rem3A_458 = arith.remsi %scan3A_428, %select_n3A_457 : i32
      %ne3A_459 = arith.constant 0 : i32
      %ne3A_460 = arith.cmpi ne, %rem3A_458, %ne3A_459 : i32
      %lt3A_461 = arith.constant 0 : i32
      %lt3A_462 = arith.cmpi slt, %rem3A_458, %lt3A_461 : i32
      %lt3A_463 = arith.constant 0 : i32
      %lt3A_464 = arith.cmpi slt, %select_n3A_457, %lt3A_463 : i32
      %ne3A_465 = arith.xori %lt3A_462, %lt3A_464 : i1
      %and3A_466 = arith.andi %ne3A_465, %ne3A_460 : i1
      %add3A_467 = arith.addi %rem3A_458, %select_n3A_457 : i32
      %select_n3A_468 = arith.select %and3A_466, %add3A_467, %rem3A_458 : i32
      %mul3A_469 = arith.constant 16 : i32
      %mul3A_470 = arith.muli %select_n3A_468, %mul3A_469 : i32
      %swap3A_471 = arith.index_cast %select_n3A_452 : i32 to index
      %swap3A_472 = arith.index_cast %mul3A_470 : i32 to index
      %swap3A_473 = tpu.vector_load %arg13[%swap3A_471, %swap3A_472] {strides = array<i32>} : memref<224x256xf32, #tpu.memory_space<vmem>>, vector<16xf32>,
      tpu.vector_store %arg13[%swap3A_471, %swap3A_472], %broadcast_in_dim3A_34 {strides = array<i32>} : memref<224x256xf32, #tpu.memory_space<vmem>>, vector<16xf32>,
      %scan3A_474 = arith.constant 6 : i32
      %scan3A_475 = arith.addi %scan3A_193, %scan3A_474 : i32
      %jit3A_476 = arith.constant 16 : i32
      %div3A_477 = arith.divsi %scan3A_475, %jit3A_476 : i32
      %sign3A_478 = arith.constant 0 : i32
      %sign3A_479 = arith.cmpi sgt, %scan3A_475, %sign3A_478 : i32
      %sign3A_480 = arith.extui %sign3A_479 : i1 to i32
      %sign3A_481 = arith.constant 0 : i32
      %sign3A_482 = arith.cmpi slt, %scan3A_475, %sign3A_481 : i32
      %sign3A_483 = arith.extui %sign3A_482 : i1 to i32
      %sign3A_484 = arith.subi %sign3A_480, %sign3A_483 : i32
      %sign3A_485 = arith.constant 0 : i32
      %sign3A_486 = arith.cmpi sgt, %jit3A_476, %sign3A_485 : i32
      %sign3A_487 = arith.extui %sign3A_486 : i1 to i32
      %sign3A_488 = arith.constant 0 : i32
      %sign3A_489 = arith.cmpi slt, %jit3A_476, %sign3A_488 : i32
      %sign3A_490 = arith.extui %sign3A_489 : i1 to i32
      %sign3A_491 = arith.subi %sign3A_487, %sign3A_490 : i32
      %ne3A_492 = arith.cmpi ne, %sign3A_484, %sign3A_491 : i32
      %rem3A_493 = arith.remsi %scan3A_475, %jit3A_476 : i32
      %ne3A_494 = arith.constant 0 : i32
      %ne3A_495 = arith.cmpi ne, %rem3A_493, %ne3A_494 : i32
      %and3A_496 = arith.andi %ne3A_492, %ne3A_495 : i1
      %sub3A_497 = arith.constant 1 : i32
      %sub3A_498 = arith.subi %div3A_477, %sub3A_497 : i32
      %select_n3A_499 = arith.select %and3A_496, %sub3A_498, %div3A_477 : i32
      %jit3A_500 = arith.constant 16 : i32
      %eq3A_501 = arith.constant 0 : i32
      %eq3A_502 = arith.cmpi eq, %jit3A_500, %eq3A_501 : i32
      %jit3A_503 = arith.constant 1 : i32
      %select_n3A_504 = arith.select %eq3A_502, %jit3A_503, %jit3A_500 : i32
      %rem3A_505 = arith.remsi %scan3A_475, %select_n3A_504 : i32
      %ne3A_506 = arith.constant 0 : i32
      %ne3A_507 = arith.cmpi ne, %rem3A_505, %ne3A_506 : i32
      %lt3A_508 = arith.constant 0 : i32
      %lt3A_509 = arith.cmpi slt, %rem3A_505, %lt3A_508 : i32
      %lt3A_510 = arith.constant 0 : i32
      %lt3A_511 = arith.cmpi slt, %select_n3A_504, %lt3A_510 : i32
      %ne3A_512 = arith.xori %lt3A_509, %lt3A_511 : i1
      %and3A_513 = arith.andi %ne3A_512, %ne3A_507 : i1
      %add3A_514 = arith.addi %rem3A_505, %select_n3A_504 : i32
      %select_n3A_515 = arith.select %and3A_513, %add3A_514, %rem3A_505 : i32
      %mul3A_516 = arith.constant 16 : i32
      %mul3A_517 = arith.muli %select_n3A_515, %mul3A_516 : i32
      %swap3A_518 = arith.index_cast %select_n3A_499 : i32 to index
      %swap3A_519 = arith.index_cast %mul3A_517 : i32 to index
      %swap3A_520 = tpu.vector_load %arg13[%swap3A_518, %swap3A_519] {strides = array<i32>} : memref<224x256xf32, #tpu.memory_space<vmem>>, vector<16xf32>,
      tpu.vector_store %arg13[%swap3A_518, %swap3A_519], %broadcast_in_dim3A_34 {strides = array<i32>} : memref<224x256xf32, #tpu.memory_space<vmem>>, vector<16xf32>,
      %scan3A_521 = arith.constant 7 : i32
      %scan3A_522 = arith.addi %scan3A_193, %scan3A_521 : i32
      %jit3A_523 = arith.constant 16 : i32
      %div3A_524 = arith.divsi %scan3A_522, %jit3A_523 : i32
      %sign3A_525 = arith.constant 0 : i32
      %sign3A_526 = arith.cmpi sgt, %scan3A_522, %sign3A_525 : i32
      %sign3A_527 = arith.extui %sign3A_526 : i1 to i32
      %sign3A_528 = arith.constant 0 : i32
      %sign3A_529 = arith.cmpi slt, %scan3A_522, %sign3A_528 : i32
      %sign3A_530 = arith.extui %sign3A_529 : i1 to i32
      %sign3A_531 = arith.subi %sign3A_527, %sign3A_530 : i32
      %sign3A_532 = arith.constant 0 : i32
      %sign3A_533 = arith.cmpi sgt, %jit3A_523, %sign3A_532 : i32
      %sign3A_534 = arith.extui %sign3A_533 : i1 to i32
      %sign3A_535 = arith.constant 0 : i32
      %sign3A_536 = arith.cmpi slt, %jit3A_523, %sign3A_535 : i32
      %sign3A_537 = arith.extui %sign3A_536 : i1 to i32
      %sign3A_538 = arith.subi %sign3A_534, %sign3A_537 : i32
      %ne3A_539 = arith.cmpi ne, %sign3A_531, %sign3A_538 : i32
      %rem3A_540 = arith.remsi %scan3A_522, %jit3A_523 : i32
      %ne3A_541 = arith.constant 0 : i32
      %ne3A_542 = arith.cmpi ne, %rem3A_540, %ne3A_541 : i32
      %and3A_543 = arith.andi %ne3A_539, %ne3A_542 : i1
      %sub3A_544 = arith.constant 1 : i32
      %sub3A_545 = arith.subi %div3A_524, %sub3A_544 : i32
      %select_n3A_546 = arith.select %and3A_543, %sub3A_545, %div3A_524 : i32
      %jit3A_547 = arith.constant 16 : i32
      %eq3A_548 = arith.constant 0 : i32
      %eq3A_549 = arith.cmpi eq, %jit3A_547, %eq3A_548 : i32
      %jit3A_550 = arith.constant 1 : i32
      %select_n3A_551 = arith.select %eq3A_549, %jit3A_550, %jit3A_547 : i32
      %rem3A_552 = arith.remsi %scan3A_522, %select_n3A_551 : i32
      %ne3A_553 = arith.constant 0 : i32
      %ne3A_554 = arith.cmpi ne, %rem3A_552, %ne3A_553 : i32
      %lt3A_555 = arith.constant 0 : i32
      %lt3A_556 = arith.cmpi slt, %rem3A_552, %lt3A_555 : i32
      %lt3A_557 = arith.constant 0 : i32
      %lt3A_558 = arith.cmpi slt, %select_n3A_551, %lt3A_557 : i32
      %ne3A_559 = arith.xori %lt3A_556, %lt3A_558 : i1
      %and3A_560 = arith.andi %ne3A_559, %ne3A_554 : i1
      %add3A_561 = arith.addi %rem3A_552, %select_n3A_551 : i32
      %select_n3A_562 = arith.select %and3A_560, %add3A_561, %rem3A_552 : i32
      %mul3A_563 = arith.constant 16 : i32
      %mul3A_564 = arith.muli %select_n3A_562, %mul3A_563 : i32
      %swap3A_565 = arith.index_cast %select_n3A_546 : i32 to index
      %swap3A_566 = arith.index_cast %mul3A_564 : i32 to index
      %swap3A_567 = tpu.vector_load %arg13[%swap3A_565, %swap3A_566] {strides = array<i32>} : memref<224x256xf32, #tpu.memory_space<vmem>>, vector<16xf32>,
      tpu.vector_store %arg13[%swap3A_565, %swap3A_566], %broadcast_in_dim3A_34 {strides = array<i32>} : memref<224x256xf32, #tpu.memory_space<vmem>>, vector<16xf32>,
    }
    %scan3A_39 = arith.constant 3584 : i32
    "tpu.region"() ({
      %run_scoped3A = tpu.sem_alloc : memref<!tpu.dma_semaphore, #tpu.memory_space<semaphore_mem>>
      %dma_start3A_193 = arith.constant 0 : i32
      %dma_start3A_194 = tpu.memref_slice %arg2[%add3A, %dma_start3A_193] : memref<8x50000xf32, #tpu.memory_space<hbm>> -> memref<1x50000xf32, #tpu.memory_space<hbm>>
      %dma_start3A_195 = tpu.memref_squeeze %dma_start3A_194 : memref<1x50000xf32, #tpu.memory_space<hbm>> -> memref<50000xf32, #tpu.memory_space<hbm>>
      %dma_start3A_196 = arith.constant 0 : i32
      %dma_start3A_197 = tpu.memref_slice %arg2[%add3A, %dma_start3A_196] : memref<8x50000xf32, #tpu.memory_space<hbm>> -> memref<1x50000xf32, #tpu.memory_space<hbm>>
      %dma_start3A_198 = tpu.memref_squeeze %dma_start3A_197 : memref<1x50000xf32, #tpu.memory_space<hbm>> -> memref<50000xf32, #tpu.memory_space<hbm>>
      tpu.enqueue_dma source(%dma_start3A_198 : memref<50000xf32, #tpu.memory_space<hbm>>) target(%arg12 : memref<50000xf32, #tpu.memory_space<vmem>>) target_semaphore(%run_scoped3A : memref<!tpu.dma_semaphore, #tpu.memory_space<semaphore_mem>>)
      %dma_wait3A_199 = arith.constant 0 : i32
      %dma_wait3A_200 = tpu.memref_slice %arg2[%add3A, %dma_wait3A_199] : memref<8x50000xf32, #tpu.memory_space<hbm>> -> memref<1x50000xf32, #tpu.memory_space<hbm>>
      %dma_wait3A_201 = tpu.memref_squeeze %dma_wait3A_200 : memref<1x50000xf32, #tpu.memory_space<hbm>> -> memref<50000xf32, #tpu.memory_space<hbm>>
      %dma_wait3A_202 = arith.constant 0 : i32
      %dma_wait3A_203 = tpu.memref_slice %arg2[%add3A, %dma_wait3A_202] : memref<8x50000xf32, #tpu.memory_space<hbm>> -> memref<1x50000xf32, #tpu.memory_space<hbm>>
      %dma_wait3A_204 = tpu.memref_squeeze %dma_wait3A_203 : memref<1x50000xf32, #tpu.memory_space<hbm>> -> memref<50000xf32, #tpu.memory_space<hbm>>
      tpu.wait_dma2 semaphore(%run_scoped3A : memref<!tpu.dma_semaphore, #tpu.memory_space<semaphore_mem>>) src(%dma_wait3A_204 : memref<50000xf32, #tpu.memory_space<hbm>>) dst(%arg12 : memref<50000xf32, #tpu.memory_space<vmem>>)
      tpu.yield
    }) : () -> ()
    %mul3A_40 = arith.constant 100000 : i32
    %mul3A_41 = arith.muli %select_n3A_30, %mul3A_40 : i32
    %mul3A_42 = arith.constant 400000 : i32
    %mul3A_43 = arith.muli %add3A, %mul3A_42 : i32
    %dma_start3A = tpu.memref_slice %arg3[%mul3A_41] : memref<400000xi32, #tpu.memory_space<hbm>> -> memref<2000xi32, #tpu.memory_space<hbm>>
    %dma_start3A_44 = tpu.memref_slice %arg3[%mul3A_41] : memref<400000xi32, #tpu.memory_space<hbm>> -> memref<2000xi32, #tpu.memory_space<hbm>>
    tpu.enqueue_dma source(%dma_start3A_44 : memref<2000xi32, #tpu.memory_space<hbm>>) target(%arg14 : memref<2000xi32, #tpu.memory_space<vmem>>) target_semaphore(%arg23 : memref<!tpu.dma_semaphore, #tpu.memory_space<semaphore_mem>>)
    %dma_start3A_45 = tpu.memref_slice %arg4[%mul3A_41] : memref<400000xi32, #tpu.memory_space<hbm>> -> memref<2000xi32, #tpu.memory_space<hbm>>
    %dma_start3A_46 = tpu.memref_slice %arg4[%mul3A_41] : memref<400000xi32, #tpu.memory_space<hbm>> -> memref<2000xi32, #tpu.memory_space<hbm>>
    tpu.enqueue_dma source(%dma_start3A_46 : memref<2000xi32, #tpu.memory_space<hbm>>) target(%arg15 : memref<2000xi32, #tpu.memory_space<vmem>>) target_semaphore(%arg23 : memref<!tpu.dma_semaphore, #tpu.memory_space<semaphore_mem>>)
    %add3A_47 = arith.addi %mul3A_43, %mul3A_41 : i32
    %dma_start3A_48 = tpu.memref_slice %arg5[%add3A_47] : memref<3200000xf32, #tpu.memory_space<hbm>> -> memref<2000xf32, #tpu.memory_space<hbm>>
    %dma_start3A_49 = tpu.memref_slice %arg5[%add3A_47] : memref<3200000xf32, #tpu.memory_space<hbm>> -> memref<2000xf32, #tpu.memory_space<hbm>>
    tpu.enqueue_dma source(%dma_start3A_49 : memref<2000xf32, #tpu.memory_space<hbm>>) target(%arg17 : memref<2000xf32, #tpu.memory_space<vmem>>) target_semaphore(%arg23 : memref<!tpu.dma_semaphore, #tpu.memory_space<semaphore_mem>>)
    %scan3A_50 = arith.constant 0 : i32
    %scan3A_51 = arith.constant 0 : i32
    %scan3A_52 = arith.constant 25 : i32
    %scan3A_53 = arith.addi %scan3A_51, %scan3A_52 : i32
    %scan3A_54 = arith.constant 1 : i32
    scf.for %scan3A_193 = %scan3A_51 to %scan3A_53 step %scan3A_54  : i32 {
      %mul3A_194 = arith.constant 2 : i32
      %mul3A_195 = arith.muli %mul3A_194, %scan3A_193 : i32
      %add3A_196 = arith.constant 1 : i32
      %add3A_197 = arith.addi %mul3A_195, %add3A_196 : i32
      %mul3A_198 = arith.constant 2000 : i32
      %mul3A_199 = arith.muli %add3A_197, %mul3A_198 : i32
      %add3A_200 = arith.addi %mul3A_41, %mul3A_199 : i32
      %mul3A_201 = arith.constant 2 : i32
      %mul3A_202 = arith.muli %mul3A_201, %scan3A_193 : i32
      %add3A_203 = arith.constant 2 : i32
      %add3A_204 = arith.addi %mul3A_202, %add3A_203 : i32
      %min3A = arith.constant 49 : i32
      %min3A_205 = arith.minsi %add3A_204, %min3A : i32
      %mul3A_206 = arith.constant 2000 : i32
      %mul3A_207 = arith.muli %min3A_205, %mul3A_206 : i32
      %add3A_208 = arith.addi %mul3A_41, %mul3A_207 : i32
      %dma_start3A_209 = tpu.memref_slice %arg3[%add3A_200] : memref<400000xi32, #tpu.memory_space<hbm>> -> memref<2000xi32, #tpu.memory_space<hbm>>
      %dma_start3A_210 = tpu.memref_slice %arg3[%add3A_200] : memref<400000xi32, #tpu.memory_space<hbm>> -> memref<2000xi32, #tpu.memory_space<hbm>>
      tpu.enqueue_dma source(%dma_start3A_210 : memref<2000xi32, #tpu.memory_space<hbm>>) target(%arg18 : memref<2000xi32, #tpu.memory_space<vmem>>) target_semaphore(%arg24 : memref<!tpu.dma_semaphore, #tpu.memory_space<semaphore_mem>>)
      %dma_start3A_211 = tpu.memref_slice %arg4[%add3A_200] : memref<400000xi32, #tpu.memory_space<hbm>> -> memref<2000xi32, #tpu.memory_space<hbm>>
      %dma_start3A_212 = tpu.memref_slice %arg4[%add3A_200] : memref<400000xi32, #tpu.memory_space<hbm>> -> memref<2000xi32, #tpu.memory_space<hbm>>
      tpu.enqueue_dma source(%dma_start3A_212 : memref<2000xi32, #tpu.memory_space<hbm>>) target(%arg19 : memref<2000xi32, #tpu.memory_space<vmem>>) target_semaphore(%arg24 : memref<!tpu.dma_semaphore, #tpu.memory_space<semaphore_mem>>)
      %add3A_213 = arith.addi %mul3A_43, %add3A_200 : i32
      %dma_start3A_214 = tpu.memref_slice %arg5[%add3A_213] : memref<3200000xf32, #tpu.memory_space<hbm>> -> memref<2000xf32, #tpu.memory_space<hbm>>
      %dma_start3A_215 = tpu.memref_slice %arg5[%add3A_213] : memref<3200000xf32, #tpu.memory_space<hbm>> -> memref<2000xf32, #tpu.memory_space<hbm>>
      tpu.enqueue_dma source(%dma_start3A_215 : memref<2000xf32, #tpu.memory_space<hbm>>) target(%arg21 : memref<2000xf32, #tpu.memory_space<vmem>>) target_semaphore(%arg24 : memref<!tpu.dma_semaphore, #tpu.memory_space<semaphore_mem>>)
      %dma_wait3A_216 = arith.constant 0 : i32
      %dma_wait3A_217 = tpu.memref_slice %arg3[%dma_wait3A_216] : memref<400000xi32, #tpu.memory_space<hbm>> -> memref<2000xi32, #tpu.memory_space<hbm>>
      %dma_wait3A_218 = arith.constant 0 : i32
      %dma_wait3A_219 = tpu.memref_slice %arg3[%dma_wait3A_218] : memref<400000xi32, #tpu.memory_space<hbm>> -> memref<2000xi32, #tpu.memory_space<hbm>>
      tpu.wait_dma2 semaphore(%arg23 : memref<!tpu.dma_semaphore, #tpu.memory_space<semaphore_mem>>) src(%dma_wait3A_219 : memref<2000xi32, #tpu.memory_space<hbm>>) dst(%arg14 : memref<2000xi32, #tpu.memory_space<vmem>>)
      %dma_wait3A_220 = arith.constant 0 : i32
      %dma_wait3A_221 = tpu.memref_slice %arg4[%dma_wait3A_220] : memref<400000xi32, #tpu.memory_space<hbm>> -> memref<2000xi32, #tpu.memory_space<hbm>>
      %dma_wait3A_222 = arith.constant 0 : i32
      %dma_wait3A_223 = tpu.memref_slice %arg4[%dma_wait3A_222] : memref<400000xi32, #tpu.memory_space<hbm>> -> memref<2000xi32, #tpu.memory_space<hbm>>
      tpu.wait_dma2 semaphore(%arg23 : memref<!tpu.dma_semaphore, #tpu.memory_space<semaphore_mem>>) src(%dma_wait3A_223 : memref<2000xi32, #tpu.memory_space<hbm>>) dst(%arg15 : memref<2000xi32, #tpu.memory_space<vmem>>)
      %dma_wait3A_224 = arith.constant 0 : i32
      %dma_wait3A_225 = tpu.memref_slice %arg5[%dma_wait3A_224] : memref<3200000xf32, #tpu.memory_space<hbm>> -> memref<2000xf32, #tpu.memory_space<hbm>>
      %dma_wait3A_226 = arith.constant 0 : i32
      %dma_wait3A_227 = tpu.memref_slice %arg5[%dma_wait3A_226] : memref<3200000xf32, #tpu.memory_space<hbm>> -> memref<2000xf32, #tpu.memory_space<hbm>>
      tpu.wait_dma2 semaphore(%arg23 : memref<!tpu.dma_semaphore, #tpu.memory_space<semaphore_mem>>) src(%dma_wait3A_227 : memref<2000xf32, #tpu.memory_space<hbm>>) dst(%arg17 : memref<2000xf32, #tpu.memory_space<vmem>>)
      %parallel_loop3A = arith.constant 0 : i32
      %parallel_loop3A_228 = arith.constant 125 : i32
      %parallel_loop3A_229 = arith.constant 1 : i32
      scf.for %parallel_loop3A_252 = %parallel_loop3A to %parallel_loop3A_228 step %parallel_loop3A_229  : i32 {
        %parallel_loop3A_253 = arith.constant 16 : i32
        %parallel_loop3A_254 = arith.muli %parallel_loop3A_252, %parallel_loop3A_253 : i32
        %parallel_loop3A_255 = arith.index_cast %parallel_loop3A_254 : i32 to index
        %parallel_loop3A_256 = tpu.vector_load %arg14[%parallel_loop3A_255] {strides = array<i32>} : memref<2000xi32, #tpu.memory_space<vmem>>, vector<16xi32>,
        %parallel_loop3A_257 = arith.index_cast %parallel_loop3A_254 : i32 to index
        %parallel_loop3A_258 = tpu.vector_load %arg15[%parallel_loop3A_257] {strides = array<i32>} : memref<2000xi32, #tpu.memory_space<vmem>>, vector<16xi32>,
        %parallel_loop3A_259 = arith.index_cast %parallel_loop3A_254 : i32 to index
        %parallel_loop3A_260 = tpu.vector_load %arg17[%parallel_loop3A_259] {strides = array<i32>} : memref<2000xf32, #tpu.memory_space<vmem>>, vector<16xf32>,
        %parallel_loop3A_261 = tpu.vector_load_idx %arg12[%parallel_loop3A_256] : memref<50000xf32, #tpu.memory_space<vmem>>[vector<16xi32>], vector<16xf32>,
        %parallel_loop3A_262 = arith.mulf %parallel_loop3A_260, %parallel_loop3A_261 : vector<16xf32>
        %parallel_loop3A_263 = arith.constant 8 : i32
        %parallel_loop3A_264 = vector.broadcast %parallel_loop3A_263 : i32 to vector<16xi32>
        %parallel_loop3A_265 = arith.shrsi %parallel_loop3A_258, %parallel_loop3A_264 : vector<16xi32>
        %parallel_loop3A_266 = arith.constant 255 : i32
        %parallel_loop3A_267 = vector.broadcast %parallel_loop3A_266 : i32 to vector<16xi32>
        %parallel_loop3A_268 = arith.andi %parallel_loop3A_258, %parallel_loop3A_267 : vector<16xi32>
        tpu.vector_store_idx %arg13[%parallel_loop3A_265, %parallel_loop3A_268], %parallel_loop3A_262 {add = true} : memref<224x256xf32, #tpu.memory_space<vmem>>[vector<16xi32>, vector<16xi32>], vector<16xf32>,
        %parallel_loop3A_269 = arith.constant 8 : i32
        %parallel_loop3A_270 = vector.broadcast %parallel_loop3A_269 : i32 to vector<16xi32>
        %parallel_loop3A_271 = arith.shrsi %parallel_loop3A_256, %parallel_loop3A_270 : vector<16xi32>
        %parallel_loop3A_272 = arith.constant 255 : i32
        %parallel_loop3A_273 = vector.broadcast %parallel_loop3A_272 : i32 to vector<16xi32>
        %parallel_loop3A_274 = arith.andi %parallel_loop3A_256, %parallel_loop3A_273 : vector<16xi32>
        %parallel_loop3A_275 = arith.constant 0.000000e+00 : f32
        %parallel_loop3A_276 = vector.broadcast %parallel_loop3A_275 : f32 to vector<16xf32>
        %parallel_loop3A_277 = arith.subf %parallel_loop3A_276, %parallel_loop3A_262 : vector<16xf32>
        tpu.vector_store_idx %arg13[%parallel_loop3A_271, %parallel_loop3A_274], %parallel_loop3A_277 {add = true} : memref<224x256xf32, #tpu.memory_space<vmem>>[vector<16xi32>, vector<16xi32>], vector<16xf32>,
      } {sc.loop_unroll_factor = 8 : i64, sc.parallel_access}
      %dma_start3A_230 = tpu.memref_slice %arg3[%add3A_208] : memref<400000xi32, #tpu.memory_space<hbm>> -> memref<2000xi32, #tpu.memory_space<hbm>>
      %dma_start3A_231 = tpu.memref_slice %arg3[%add3A_208] : memref<400000xi32, #tpu.memory_space<hbm>> -> memref<2000xi32, #tpu.memory_space<hbm>>
      tpu.enqueue_dma source(%dma_start3A_231 : memref<2000xi32, #tpu.memory_space<hbm>>) target(%arg14 : memref<2000xi32, #tpu.memory_space<vmem>>) target_semaphore(%arg23 : memref<!tpu.dma_semaphore, #tpu.memory_space<semaphore_mem>>)
      %dma_start3A_232 = tpu.memref_slice %arg4[%add3A_208] : memref<400000xi32, #tpu.memory_space<hbm>> -> memref<2000xi32, #tpu.memory_space<hbm>>
      %dma_start3A_233 = tpu.memref_slice %arg4[%add3A_208] : memref<400000xi32, #tpu.memory_space<hbm>> -> memref<2000xi32, #tpu.memory_space<hbm>>
      tpu.enqueue_dma source(%dma_start3A_233 : memref<2000xi32, #tpu.memory_space<hbm>>) target(%arg15 : memref<2000xi32, #tpu.memory_space<vmem>>) target_semaphore(%arg23 : memref<!tpu.dma_semaphore, #tpu.memory_space<semaphore_mem>>)
      %add3A_234 = arith.addi %mul3A_43, %add3A_208 : i32
      %dma_start3A_235 = tpu.memref_slice %arg5[%add3A_234] : memref<3200000xf32, #tpu.memory_space<hbm>> -> memref<2000xf32, #tpu.memory_space<hbm>>
      %dma_start3A_236 = tpu.memref_slice %arg5[%add3A_234] : memref<3200000xf32, #tpu.memory_space<hbm>> -> memref<2000xf32, #tpu.memory_space<hbm>>
      tpu.enqueue_dma source(%dma_start3A_236 : memref<2000xf32, #tpu.memory_space<hbm>>) target(%arg17 : memref<2000xf32, #tpu.memory_space<vmem>>) target_semaphore(%arg23 : memref<!tpu.dma_semaphore, #tpu.memory_space<semaphore_mem>>)
      %dma_wait3A_237 = arith.constant 0 : i32
      %dma_wait3A_238 = tpu.memref_slice %arg3[%dma_wait3A_237] : memref<400000xi32, #tpu.memory_space<hbm>> -> memref<2000xi32, #tpu.memory_space<hbm>>
      %dma_wait3A_239 = arith.constant 0 : i32
      %dma_wait3A_240 = tpu.memref_slice %arg3[%dma_wait3A_239] : memref<400000xi32, #tpu.memory_space<hbm>> -> memref<2000xi32, #tpu.memory_space<hbm>>
      tpu.wait_dma2 semaphore(%arg24 : memref<!tpu.dma_semaphore, #tpu.memory_space<semaphore_mem>>) src(%dma_wait3A_240 : memref<2000xi32, #tpu.memory_space<hbm>>) dst(%arg18 : memref<2000xi32, #tpu.memory_space<vmem>>)
      %dma_wait3A_241 = arith.constant 0 : i32
      %dma_wait3A_242 = tpu.memref_slice %arg4[%dma_wait3A_241] : memref<400000xi32, #tpu.memory_space<hbm>> -> memref<2000xi32, #tpu.memory_space<hbm>>
      %dma_wait3A_243 = arith.constant 0 : i32
      %dma_wait3A_244 = tpu.memref_slice %arg4[%dma_wait3A_243] : memref<400000xi32, #tpu.memory_space<hbm>> -> memref<2000xi32, #tpu.memory_space<hbm>>
      tpu.wait_dma2 semaphore(%arg24 : memref<!tpu.dma_semaphore, #tpu.memory_space<semaphore_mem>>) src(%dma_wait3A_244 : memref<2000xi32, #tpu.memory_space<hbm>>) dst(%arg19 : memref<2000xi32, #tpu.memory_space<vmem>>)
      %dma_wait3A_245 = arith.constant 0 : i32
      %dma_wait3A_246 = tpu.memref_slice %arg5[%dma_wait3A_245] : memref<3200000xf32, #tpu.memory_space<hbm>> -> memref<2000xf32, #tpu.memory_space<hbm>>
      %dma_wait3A_247 = arith.constant 0 : i32
      %dma_wait3A_248 = tpu.memref_slice %arg5[%dma_wait3A_247] : memref<3200000xf32, #tpu.memory_space<hbm>> -> memref<2000xf32, #tpu.memory_space<hbm>>
      tpu.wait_dma2 semaphore(%arg24 : memref<!tpu.dma_semaphore, #tpu.memory_space<semaphore_mem>>) src(%dma_wait3A_248 : memref<2000xf32, #tpu.memory_space<hbm>>) dst(%arg21 : memref<2000xf32, #tpu.memory_space<vmem>>)
      %parallel_loop3A_249 = arith.constant 0 : i32
      %parallel_loop3A_250 = arith.constant 125 : i32
      %parallel_loop3A_251 = arith.constant 1 : i32
      scf.for %parallel_loop3A_252 = %parallel_loop3A_249 to %parallel_loop3A_250 step %parallel_loop3A_251  : i32 {
        %parallel_loop3A_253 = arith.constant 16 : i32
        %parallel_loop3A_254 = arith.muli %parallel_loop3A_252, %parallel_loop3A_253 : i32
        %parallel_loop3A_255 = arith.index_cast %parallel_loop3A_254 : i32 to index
        %parallel_loop3A_256 = tpu.vector_load %arg18[%parallel_loop3A_255] {strides = array<i32>} : memref<2000xi32, #tpu.memory_space<vmem>>, vector<16xi32>,
        %parallel_loop3A_257 = arith.index_cast %parallel_loop3A_254 : i32 to index
        %parallel_loop3A_258 = tpu.vector_load %arg19[%parallel_loop3A_257] {strides = array<i32>} : memref<2000xi32, #tpu.memory_space<vmem>>, vector<16xi32>,
        %parallel_loop3A_259 = arith.index_cast %parallel_loop3A_254 : i32 to index
        %parallel_loop3A_260 = tpu.vector_load %arg21[%parallel_loop3A_259] {strides = array<i32>} : memref<2000xf32, #tpu.memory_space<vmem>>, vector<16xf32>,
        %parallel_loop3A_261 = tpu.vector_load_idx %arg12[%parallel_loop3A_256] : memref<50000xf32, #tpu.memory_space<vmem>>[vector<16xi32>], vector<16xf32>,
        %parallel_loop3A_262 = arith.mulf %parallel_loop3A_260, %parallel_loop3A_261 : vector<16xf32>
        %parallel_loop3A_263 = arith.constant 8 : i32
        %parallel_loop3A_264 = vector.broadcast %parallel_loop3A_263 : i32 to vector<16xi32>
        %parallel_loop3A_265 = arith.shrsi %parallel_loop3A_258, %parallel_loop3A_264 : vector<16xi32>
        %parallel_loop3A_266 = arith.constant 255 : i32
        %parallel_loop3A_267 = vector.broadcast %parallel_loop3A_266 : i32 to vector<16xi32>
        %parallel_loop3A_268 = arith.andi %parallel_loop3A_258, %parallel_loop3A_267 : vector<16xi32>
        tpu.vector_store_idx %arg13[%parallel_loop3A_265, %parallel_loop3A_268], %parallel_loop3A_262 {add = true} : memref<224x256xf32, #tpu.memory_space<vmem>>[vector<16xi32>, vector<16xi32>], vector<16xf32>,
        %parallel_loop3A_269 = arith.constant 8 : i32
        %parallel_loop3A_270 = vector.broadcast %parallel_loop3A_269 : i32 to vector<16xi32>
        %parallel_loop3A_271 = arith.shrsi %parallel_loop3A_256, %parallel_loop3A_270 : vector<16xi32>
        %parallel_loop3A_272 = arith.constant 255 : i32
        %parallel_loop3A_273 = vector.broadcast %parallel_loop3A_272 : i32 to vector<16xi32>
        %parallel_loop3A_274 = arith.andi %parallel_loop3A_256, %parallel_loop3A_273 : vector<16xi32>
        %parallel_loop3A_275 = arith.constant 0.000000e+00 : f32
        %parallel_loop3A_276 = vector.broadcast %parallel_loop3A_275 : f32 to vector<16xf32>
        %parallel_loop3A_277 = arith.subf %parallel_loop3A_276, %parallel_loop3A_262 : vector<16xf32>
        tpu.vector_store_idx %arg13[%parallel_loop3A_271, %parallel_loop3A_274], %parallel_loop3A_277 {add = true} : memref<224x256xf32, #tpu.memory_space<vmem>>[vector<16xi32>, vector<16xi32>], vector<16xf32>,
      } {sc.loop_unroll_factor = 8 : i64, sc.parallel_access}
    }
    %scan3A_55 = arith.constant 25 : i32
    %dma_wait3A = arith.constant 0 : i32
    %dma_wait3A_56 = tpu.memref_slice %arg3[%dma_wait3A] : memref<400000xi32, #tpu.memory_space<hbm>> -> memref<2000xi32, #tpu.memory_space<hbm>>
    %dma_wait3A_57 = arith.constant 0 : i32
    %dma_wait3A_58 = tpu.memref_slice %arg3[%dma_wait3A_57] : memref<400000xi32, #tpu.memory_space<hbm>> -> memref<2000xi32, #tpu.memory_space<hbm>>
    tpu.wait_dma2 semaphore(%arg23 : memref<!tpu.dma_semaphore, #tpu.memory_space<semaphore_mem>>) src(%dma_wait3A_58 : memref<2000xi32, #tpu.memory_space<hbm>>) dst(%arg14 : memref<2000xi32, #tpu.memory_space<vmem>>)
    %dma_wait3A_59 = arith.constant 0 : i32
    %dma_wait3A_60 = tpu.memref_slice %arg4[%dma_wait3A_59] : memref<400000xi32, #tpu.memory_space<hbm>> -> memref<2000xi32, #tpu.memory_space<hbm>>
    %dma_wait3A_61 = arith.constant 0 : i32
    %dma_wait3A_62 = tpu.memref_slice %arg4[%dma_wait3A_61] : memref<400000xi32, #tpu.memory_space<hbm>> -> memref<2000xi32, #tpu.memory_space<hbm>>
    tpu.wait_dma2 semaphore(%arg23 : memref<!tpu.dma_semaphore, #tpu.memory_space<semaphore_mem>>) src(%dma_wait3A_62 : memref<2000xi32, #tpu.memory_space<hbm>>) dst(%arg15 : memref<2000xi32, #tpu.memory_space<vmem>>)
    %dma_wait3A_63 = arith.constant 0 : i32
    %dma_wait3A_64 = tpu.memref_slice %arg5[%dma_wait3A_63] : memref<3200000xf32, #tpu.memory_space<hbm>> -> memref<2000xf32, #tpu.memory_space<hbm>>
    %dma_wait3A_65 = arith.constant 0 : i32
    %dma_wait3A_66 = tpu.memref_slice %arg5[%dma_wait3A_65] : memref<3200000xf32, #tpu.memory_space<hbm>> -> memref<2000xf32, #tpu.memory_space<hbm>>
    tpu.wait_dma2 semaphore(%arg23 : memref<!tpu.dma_semaphore, #tpu.memory_space<semaphore_mem>>) src(%dma_wait3A_66 : memref<2000xf32, #tpu.memory_space<hbm>>) dst(%arg17 : memref<2000xf32, #tpu.memory_space<vmem>>)
    %dma_start3A_67 = tpu.memref_slice %arg6[%mul3A_41] : memref<400000xi32, #tpu.memory_space<hbm>> -> memref<2000xi32, #tpu.memory_space<hbm>>
    %dma_start3A_68 = tpu.memref_slice %arg6[%mul3A_41] : memref<400000xi32, #tpu.memory_space<hbm>> -> memref<2000xi32, #tpu.memory_space<hbm>>
    tpu.enqueue_dma source(%dma_start3A_68 : memref<2000xi32, #tpu.memory_space<hbm>>) target(%arg14 : memref<2000xi32, #tpu.memory_space<vmem>>) target_semaphore(%arg23 : memref<!tpu.dma_semaphore, #tpu.memory_space<semaphore_mem>>)
    %dma_start3A_69 = tpu.memref_slice %arg7[%mul3A_41] : memref<400000xi32, #tpu.memory_space<hbm>> -> memref<2000xi32, #tpu.memory_space<hbm>>
    %dma_start3A_70 = tpu.memref_slice %arg7[%mul3A_41] : memref<400000xi32, #tpu.memory_space<hbm>> -> memref<2000xi32, #tpu.memory_space<hbm>>
    tpu.enqueue_dma source(%dma_start3A_70 : memref<2000xi32, #tpu.memory_space<hbm>>) target(%arg15 : memref<2000xi32, #tpu.memory_space<vmem>>) target_semaphore(%arg23 : memref<!tpu.dma_semaphore, #tpu.memory_space<semaphore_mem>>)
    %dma_start3A_71 = tpu.memref_slice %arg8[%mul3A_41] : memref<400000xi32, #tpu.memory_space<hbm>> -> memref<2000xi32, #tpu.memory_space<hbm>>
    %dma_start3A_72 = tpu.memref_slice %arg8[%mul3A_41] : memref<400000xi32, #tpu.memory_space<hbm>> -> memref<2000xi32, #tpu.memory_space<hbm>>
    tpu.enqueue_dma source(%dma_start3A_72 : memref<2000xi32, #tpu.memory_space<hbm>>) target(%arg16 : memref<2000xi32, #tpu.memory_space<vmem>>) target_semaphore(%arg23 : memref<!tpu.dma_semaphore, #tpu.memory_space<semaphore_mem>>)
    %add3A_73 = arith.addi %mul3A_43, %mul3A_41 : i32
    %dma_start3A_74 = tpu.memref_slice %arg9[%add3A_73] : memref<3200000xf32, #tpu.memory_space<hbm>> -> memref<2000xf32, #tpu.memory_space<hbm>>
    %dma_start3A_75 = tpu.memref_slice %arg9[%add3A_73] : memref<3200000xf32, #tpu.memory_space<hbm>> -> memref<2000xf32, #tpu.memory_space<hbm>>
    tpu.enqueue_dma source(%dma_start3A_75 : memref<2000xf32, #tpu.memory_space<hbm>>) target(%arg17 : memref<2000xf32, #tpu.memory_space<vmem>>) target_semaphore(%arg23 : memref<!tpu.dma_semaphore, #tpu.memory_space<semaphore_mem>>)
    %scan3A_76 = arith.constant 0 : i32
    %scan3A_77 = arith.constant 0 : i32
    %scan3A_78 = arith.constant 25 : i32
    %scan3A_79 = arith.addi %scan3A_77, %scan3A_78 : i32
    %scan3A_80 = arith.constant 1 : i32
    scf.for %scan3A_193 = %scan3A_77 to %scan3A_79 step %scan3A_80  : i32 {
      %mul3A_194 = arith.constant 2 : i32
      %mul3A_195 = arith.muli %mul3A_194, %scan3A_193 : i32
      %add3A_196 = arith.constant 1 : i32
      %add3A_197 = arith.addi %mul3A_195, %add3A_196 : i32
      %mul3A_198 = arith.constant 2000 : i32
      %mul3A_199 = arith.muli %add3A_197, %mul3A_198 : i32
      %add3A_200 = arith.addi %mul3A_41, %mul3A_199 : i32
      %mul3A_201 = arith.constant 2 : i32
      %mul3A_202 = arith.muli %mul3A_201, %scan3A_193 : i32
      %add3A_203 = arith.constant 2 : i32
      %add3A_204 = arith.addi %mul3A_202, %add3A_203 : i32
      %min3A = arith.constant 49 : i32
      %min3A_205 = arith.minsi %add3A_204, %min3A : i32
      %mul3A_206 = arith.constant 2000 : i32
      %mul3A_207 = arith.muli %min3A_205, %mul3A_206 : i32
      %add3A_208 = arith.addi %mul3A_41, %mul3A_207 : i32
      %dma_start3A_209 = tpu.memref_slice %arg6[%add3A_200] : memref<400000xi32, #tpu.memory_space<hbm>> -> memref<2000xi32, #tpu.memory_space<hbm>>
      %dma_start3A_210 = tpu.memref_slice %arg6[%add3A_200] : memref<400000xi32, #tpu.memory_space<hbm>> -> memref<2000xi32, #tpu.memory_space<hbm>>
      tpu.enqueue_dma source(%dma_start3A_210 : memref<2000xi32, #tpu.memory_space<hbm>>) target(%arg18 : memref<2000xi32, #tpu.memory_space<vmem>>) target_semaphore(%arg24 : memref<!tpu.dma_semaphore, #tpu.memory_space<semaphore_mem>>)
      %dma_start3A_211 = tpu.memref_slice %arg7[%add3A_200] : memref<400000xi32, #tpu.memory_space<hbm>> -> memref<2000xi32, #tpu.memory_space<hbm>>
      %dma_start3A_212 = tpu.memref_slice %arg7[%add3A_200] : memref<400000xi32, #tpu.memory_space<hbm>> -> memref<2000xi32, #tpu.memory_space<hbm>>
      tpu.enqueue_dma source(%dma_start3A_212 : memref<2000xi32, #tpu.memory_space<hbm>>) target(%arg19 : memref<2000xi32, #tpu.memory_space<vmem>>) target_semaphore(%arg24 : memref<!tpu.dma_semaphore, #tpu.memory_space<semaphore_mem>>)
      %dma_start3A_213 = tpu.memref_slice %arg8[%add3A_200] : memref<400000xi32, #tpu.memory_space<hbm>> -> memref<2000xi32, #tpu.memory_space<hbm>>
      %dma_start3A_214 = tpu.memref_slice %arg8[%add3A_200] : memref<400000xi32, #tpu.memory_space<hbm>> -> memref<2000xi32, #tpu.memory_space<hbm>>
      tpu.enqueue_dma source(%dma_start3A_214 : memref<2000xi32, #tpu.memory_space<hbm>>) target(%arg20 : memref<2000xi32, #tpu.memory_space<vmem>>) target_semaphore(%arg24 : memref<!tpu.dma_semaphore, #tpu.memory_space<semaphore_mem>>)
      %add3A_215 = arith.addi %mul3A_43, %add3A_200 : i32
      %dma_start3A_216 = tpu.memref_slice %arg9[%add3A_215] : memref<3200000xf32, #tpu.memory_space<hbm>> -> memref<2000xf32, #tpu.memory_space<hbm>>
      %dma_start3A_217 = tpu.memref_slice %arg9[%add3A_215] : memref<3200000xf32, #tpu.memory_space<hbm>> -> memref<2000xf32, #tpu.memory_space<hbm>>
      tpu.enqueue_dma source(%dma_start3A_217 : memref<2000xf32, #tpu.memory_space<hbm>>) target(%arg21 : memref<2000xf32, #tpu.memory_space<vmem>>) target_semaphore(%arg24 : memref<!tpu.dma_semaphore, #tpu.memory_space<semaphore_mem>>)
      %dma_wait3A_218 = arith.constant 0 : i32
      %dma_wait3A_219 = tpu.memref_slice %arg6[%dma_wait3A_218] : memref<400000xi32, #tpu.memory_space<hbm>> -> memref<2000xi32, #tpu.memory_space<hbm>>
      %dma_wait3A_220 = arith.constant 0 : i32
      %dma_wait3A_221 = tpu.memref_slice %arg6[%dma_wait3A_220] : memref<400000xi32, #tpu.memory_space<hbm>> -> memref<2000xi32, #tpu.memory_space<hbm>>
      tpu.wait_dma2 semaphore(%arg23 : memref<!tpu.dma_semaphore, #tpu.memory_space<semaphore_mem>>) src(%dma_wait3A_221 : memref<2000xi32, #tpu.memory_space<hbm>>) dst(%arg14 : memref<2000xi32, #tpu.memory_space<vmem>>)
      %dma_wait3A_222 = arith.constant 0 : i32
      %dma_wait3A_223 = tpu.memref_slice %arg7[%dma_wait3A_222] : memref<400000xi32, #tpu.memory_space<hbm>> -> memref<2000xi32, #tpu.memory_space<hbm>>
      %dma_wait3A_224 = arith.constant 0 : i32
      %dma_wait3A_225 = tpu.memref_slice %arg7[%dma_wait3A_224] : memref<400000xi32, #tpu.memory_space<hbm>> -> memref<2000xi32, #tpu.memory_space<hbm>>
      tpu.wait_dma2 semaphore(%arg23 : memref<!tpu.dma_semaphore, #tpu.memory_space<semaphore_mem>>) src(%dma_wait3A_225 : memref<2000xi32, #tpu.memory_space<hbm>>) dst(%arg15 : memref<2000xi32, #tpu.memory_space<vmem>>)
      %dma_wait3A_226 = arith.constant 0 : i32
      %dma_wait3A_227 = tpu.memref_slice %arg8[%dma_wait3A_226] : memref<400000xi32, #tpu.memory_space<hbm>> -> memref<2000xi32, #tpu.memory_space<hbm>>
      %dma_wait3A_228 = arith.constant 0 : i32
      %dma_wait3A_229 = tpu.memref_slice %arg8[%dma_wait3A_228] : memref<400000xi32, #tpu.memory_space<hbm>> -> memref<2000xi32, #tpu.memory_space<hbm>>
      tpu.wait_dma2 semaphore(%arg23 : memref<!tpu.dma_semaphore, #tpu.memory_space<semaphore_mem>>) src(%dma_wait3A_229 : memref<2000xi32, #tpu.memory_space<hbm>>) dst(%arg16 : memref<2000xi32, #tpu.memory_space<vmem>>)
      %dma_wait3A_230 = arith.constant 0 : i32
      %dma_wait3A_231 = tpu.memref_slice %arg9[%dma_wait3A_230] : memref<3200000xf32, #tpu.memory_space<hbm>> -> memref<2000xf32, #tpu.memory_space<hbm>>
      %dma_wait3A_232 = arith.constant 0 : i32
      %dma_wait3A_233 = tpu.memref_slice %arg9[%dma_wait3A_232] : memref<3200000xf32, #tpu.memory_space<hbm>> -> memref<2000xf32, #tpu.memory_space<hbm>>
      tpu.wait_dma2 semaphore(%arg23 : memref<!tpu.dma_semaphore, #tpu.memory_space<semaphore_mem>>) src(%dma_wait3A_233 : memref<2000xf32, #tpu.memory_space<hbm>>) dst(%arg17 : memref<2000xf32, #tpu.memory_space<vmem>>)
      %parallel_loop3A = arith.constant 0 : i32
      %parallel_loop3A_234 = arith.constant 125 : i32
      %parallel_loop3A_235 = arith.constant 1 : i32
      scf.for %parallel_loop3A_264 = %parallel_loop3A to %parallel_loop3A_234 step %parallel_loop3A_235  : i32 {
        %parallel_loop3A_265 = arith.constant 16 : i32
        %parallel_loop3A_266 = arith.muli %parallel_loop3A_264, %parallel_loop3A_265 : i32
        %parallel_loop3A_267 = arith.index_cast %parallel_loop3A_266 : i32 to index
        %parallel_loop3A_268 = tpu.vector_load %arg14[%parallel_loop3A_267] {strides = array<i32>} : memref<2000xi32, #tpu.memory_space<vmem>>, vector<16xi32>,
        %parallel_loop3A_269 = arith.index_cast %parallel_loop3A_266 : i32 to index
        %parallel_loop3A_270 = tpu.vector_load %arg15[%parallel_loop3A_269] {strides = array<i32>} : memref<2000xi32, #tpu.memory_space<vmem>>, vector<16xi32>,
        %parallel_loop3A_271 = arith.index_cast %parallel_loop3A_266 : i32 to index
        %parallel_loop3A_272 = tpu.vector_load %arg16[%parallel_loop3A_271] {strides = array<i32>} : memref<2000xi32, #tpu.memory_space<vmem>>, vector<16xi32>,
        %parallel_loop3A_273 = arith.index_cast %parallel_loop3A_266 : i32 to index
        %parallel_loop3A_274 = tpu.vector_load %arg17[%parallel_loop3A_273] {strides = array<i32>} : memref<2000xf32, #tpu.memory_space<vmem>>, vector<16xf32>,
        %parallel_loop3A_275 = tpu.vector_load_idx %arg12[%parallel_loop3A_268] : memref<50000xf32, #tpu.memory_space<vmem>>[vector<16xi32>], vector<16xf32>,
        %parallel_loop3A_276 = arith.mulf %parallel_loop3A_274, %parallel_loop3A_275 : vector<16xf32>
        %parallel_loop3A_277 = tpu.vector_load_idx %arg12[%parallel_loop3A_270] : memref<50000xf32, #tpu.memory_space<vmem>>[vector<16xi32>], vector<16xf32>,
        %parallel_loop3A_278 = arith.mulf %parallel_loop3A_276, %parallel_loop3A_277 : vector<16xf32>
        %parallel_loop3A_279 = arith.constant 8 : i32
        %parallel_loop3A_280 = vector.broadcast %parallel_loop3A_279 : i32 to vector<16xi32>
        %parallel_loop3A_281 = arith.shrsi %parallel_loop3A_272, %parallel_loop3A_280 : vector<16xi32>
        %parallel_loop3A_282 = arith.constant 255 : i32
        %parallel_loop3A_283 = vector.broadcast %parallel_loop3A_282 : i32 to vector<16xi32>
        %parallel_loop3A_284 = arith.andi %parallel_loop3A_272, %parallel_loop3A_283 : vector<16xi32>
        tpu.vector_store_idx %arg13[%parallel_loop3A_281, %parallel_loop3A_284], %parallel_loop3A_278 {add = true} : memref<224x256xf32, #tpu.memory_space<vmem>>[vector<16xi32>, vector<16xi32>], vector<16xf32>,
        %parallel_loop3A_285 = arith.constant 8 : i32
        %parallel_loop3A_286 = vector.broadcast %parallel_loop3A_285 : i32 to vector<16xi32>
        %parallel_loop3A_287 = arith.shrsi %parallel_loop3A_268, %parallel_loop3A_286 : vector<16xi32>
        %parallel_loop3A_288 = arith.constant 255 : i32
        %parallel_loop3A_289 = vector.broadcast %parallel_loop3A_288 : i32 to vector<16xi32>
        %parallel_loop3A_290 = arith.andi %parallel_loop3A_268, %parallel_loop3A_289 : vector<16xi32>
        %parallel_loop3A_291 = arith.constant 0.000000e+00 : f32
        %parallel_loop3A_292 = vector.broadcast %parallel_loop3A_291 : f32 to vector<16xf32>
        %parallel_loop3A_293 = arith.subf %parallel_loop3A_292, %parallel_loop3A_278 : vector<16xf32>
        tpu.vector_store_idx %arg13[%parallel_loop3A_287, %parallel_loop3A_290], %parallel_loop3A_293 {add = true} : memref<224x256xf32, #tpu.memory_space<vmem>>[vector<16xi32>, vector<16xi32>], vector<16xf32>,
        %parallel_loop3A_294 = arith.constant 8 : i32
        %parallel_loop3A_295 = vector.broadcast %parallel_loop3A_294 : i32 to vector<16xi32>
        %parallel_loop3A_296 = arith.shrsi %parallel_loop3A_270, %parallel_loop3A_295 : vector<16xi32>
        %parallel_loop3A_297 = arith.constant 255 : i32
        %parallel_loop3A_298 = vector.broadcast %parallel_loop3A_297 : i32 to vector<16xi32>
        %parallel_loop3A_299 = arith.andi %parallel_loop3A_270, %parallel_loop3A_298 : vector<16xi32>
        %parallel_loop3A_300 = arith.constant 0.000000e+00 : f32
        %parallel_loop3A_301 = vector.broadcast %parallel_loop3A_300 : f32 to vector<16xf32>
        %parallel_loop3A_302 = arith.subf %parallel_loop3A_301, %parallel_loop3A_278 : vector<16xf32>
        tpu.vector_store_idx %arg13[%parallel_loop3A_296, %parallel_loop3A_299], %parallel_loop3A_302 {add = true} : memref<224x256xf32, #tpu.memory_space<vmem>>[vector<16xi32>, vector<16xi32>], vector<16xf32>,
      } {sc.loop_unroll_factor = 8 : i64, sc.parallel_access}
      %dma_start3A_236 = tpu.memref_slice %arg6[%add3A_208] : memref<400000xi32, #tpu.memory_space<hbm>> -> memref<2000xi32, #tpu.memory_space<hbm>>
      %dma_start3A_237 = tpu.memref_slice %arg6[%add3A_208] : memref<400000xi32, #tpu.memory_space<hbm>> -> memref<2000xi32, #tpu.memory_space<hbm>>
      tpu.enqueue_dma source(%dma_start3A_237 : memref<2000xi32, #tpu.memory_space<hbm>>) target(%arg14 : memref<2000xi32, #tpu.memory_space<vmem>>) target_semaphore(%arg23 : memref<!tpu.dma_semaphore, #tpu.memory_space<semaphore_mem>>)
      %dma_start3A_238 = tpu.memref_slice %arg7[%add3A_208] : memref<400000xi32, #tpu.memory_space<hbm>> -> memref<2000xi32, #tpu.memory_space<hbm>>
      %dma_start3A_239 = tpu.memref_slice %arg7[%add3A_208] : memref<400000xi32, #tpu.memory_space<hbm>> -> memref<2000xi32, #tpu.memory_space<hbm>>
      tpu.enqueue_dma source(%dma_start3A_239 : memref<2000xi32, #tpu.memory_space<hbm>>) target(%arg15 : memref<2000xi32, #tpu.memory_space<vmem>>) target_semaphore(%arg23 : memref<!tpu.dma_semaphore, #tpu.memory_space<semaphore_mem>>)
      %dma_start3A_240 = tpu.memref_slice %arg8[%add3A_208] : memref<400000xi32, #tpu.memory_space<hbm>> -> memref<2000xi32, #tpu.memory_space<hbm>>
      %dma_start3A_241 = tpu.memref_slice %arg8[%add3A_208] : memref<400000xi32, #tpu.memory_space<hbm>> -> memref<2000xi32, #tpu.memory_space<hbm>>
      tpu.enqueue_dma source(%dma_start3A_241 : memref<2000xi32, #tpu.memory_space<hbm>>) target(%arg16 : memref<2000xi32, #tpu.memory_space<vmem>>) target_semaphore(%arg23 : memref<!tpu.dma_semaphore, #tpu.memory_space<semaphore_mem>>)
      %add3A_242 = arith.addi %mul3A_43, %add3A_208 : i32
      %dma_start3A_243 = tpu.memref_slice %arg9[%add3A_242] : memref<3200000xf32, #tpu.memory_space<hbm>> -> memref<2000xf32, #tpu.memory_space<hbm>>
      %dma_start3A_244 = tpu.memref_slice %arg9[%add3A_242] : memref<3200000xf32, #tpu.memory_space<hbm>> -> memref<2000xf32, #tpu.memory_space<hbm>>
      tpu.enqueue_dma source(%dma_start3A_244 : memref<2000xf32, #tpu.memory_space<hbm>>) target(%arg17 : memref<2000xf32, #tpu.memory_space<vmem>>) target_semaphore(%arg23 : memref<!tpu.dma_semaphore, #tpu.memory_space<semaphore_mem>>)
      %dma_wait3A_245 = arith.constant 0 : i32
      %dma_wait3A_246 = tpu.memref_slice %arg6[%dma_wait3A_245] : memref<400000xi32, #tpu.memory_space<hbm>> -> memref<2000xi32, #tpu.memory_space<hbm>>
      %dma_wait3A_247 = arith.constant 0 : i32
      %dma_wait3A_248 = tpu.memref_slice %arg6[%dma_wait3A_247] : memref<400000xi32, #tpu.memory_space<hbm>> -> memref<2000xi32, #tpu.memory_space<hbm>>
      tpu.wait_dma2 semaphore(%arg24 : memref<!tpu.dma_semaphore, #tpu.memory_space<semaphore_mem>>) src(%dma_wait3A_248 : memref<2000xi32, #tpu.memory_space<hbm>>) dst(%arg18 : memref<2000xi32, #tpu.memory_space<vmem>>)
      %dma_wait3A_249 = arith.constant 0 : i32
      %dma_wait3A_250 = tpu.memref_slice %arg7[%dma_wait3A_249] : memref<400000xi32, #tpu.memory_space<hbm>> -> memref<2000xi32, #tpu.memory_space<hbm>>
      %dma_wait3A_251 = arith.constant 0 : i32
      %dma_wait3A_252 = tpu.memref_slice %arg7[%dma_wait3A_251] : memref<400000xi32, #tpu.memory_space<hbm>> -> memref<2000xi32, #tpu.memory_space<hbm>>
      tpu.wait_dma2 semaphore(%arg24 : memref<!tpu.dma_semaphore, #tpu.memory_space<semaphore_mem>>) src(%dma_wait3A_252 : memref<2000xi32, #tpu.memory_space<hbm>>) dst(%arg19 : memref<2000xi32, #tpu.memory_space<vmem>>)
      %dma_wait3A_253 = arith.constant 0 : i32
      %dma_wait3A_254 = tpu.memref_slice %arg8[%dma_wait3A_253] : memref<400000xi32, #tpu.memory_space<hbm>> -> memref<2000xi32, #tpu.memory_space<hbm>>
      %dma_wait3A_255 = arith.constant 0 : i32
      %dma_wait3A_256 = tpu.memref_slice %arg8[%dma_wait3A_255] : memref<400000xi32, #tpu.memory_space<hbm>> -> memref<2000xi32, #tpu.memory_space<hbm>>
      tpu.wait_dma2 semaphore(%arg24 : memref<!tpu.dma_semaphore, #tpu.memory_space<semaphore_mem>>) src(%dma_wait3A_256 : memref<2000xi32, #tpu.memory_space<hbm>>) dst(%arg20 : memref<2000xi32, #tpu.memory_space<vmem>>)
      %dma_wait3A_257 = arith.constant 0 : i32
      %dma_wait3A_258 = tpu.memref_slice %arg9[%dma_wait3A_257] : memref<3200000xf32, #tpu.memory_space<hbm>> -> memref<2000xf32, #tpu.memory_space<hbm>>
      %dma_wait3A_259 = arith.constant 0 : i32
      %dma_wait3A_260 = tpu.memref_slice %arg9[%dma_wait3A_259] : memref<3200000xf32, #tpu.memory_space<hbm>> -> memref<2000xf32, #tpu.memory_space<hbm>>
      tpu.wait_dma2 semaphore(%arg24 : memref<!tpu.dma_semaphore, #tpu.memory_space<semaphore_mem>>) src(%dma_wait3A_260 : memref<2000xf32, #tpu.memory_space<hbm>>) dst(%arg21 : memref<2000xf32, #tpu.memory_space<vmem>>)
      %parallel_loop3A_261 = arith.constant 0 : i32
      %parallel_loop3A_262 = arith.constant 125 : i32
      %parallel_loop3A_263 = arith.constant 1 : i32
      scf.for %parallel_loop3A_264 = %parallel_loop3A_261 to %parallel_loop3A_262 step %parallel_loop3A_263  : i32 {
        %parallel_loop3A_265 = arith.constant 16 : i32
        %parallel_loop3A_266 = arith.muli %parallel_loop3A_264, %parallel_loop3A_265 : i32
        %parallel_loop3A_267 = arith.index_cast %parallel_loop3A_266 : i32 to index
        %parallel_loop3A_268 = tpu.vector_load %arg18[%parallel_loop3A_267] {strides = array<i32>} : memref<2000xi32, #tpu.memory_space<vmem>>, vector<16xi32>,
        %parallel_loop3A_269 = arith.index_cast %parallel_loop3A_266 : i32 to index
        %parallel_loop3A_270 = tpu.vector_load %arg19[%parallel_loop3A_269] {strides = array<i32>} : memref<2000xi32, #tpu.memory_space<vmem>>, vector<16xi32>,
        %parallel_loop3A_271 = arith.index_cast %parallel_loop3A_266 : i32 to index
        %parallel_loop3A_272 = tpu.vector_load %arg20[%parallel_loop3A_271] {strides = array<i32>} : memref<2000xi32, #tpu.memory_space<vmem>>, vector<16xi32>,
        %parallel_loop3A_273 = arith.index_cast %parallel_loop3A_266 : i32 to index
        %parallel_loop3A_274 = tpu.vector_load %arg21[%parallel_loop3A_273] {strides = array<i32>} : memref<2000xf32, #tpu.memory_space<vmem>>, vector<16xf32>,
        %parallel_loop3A_275 = tpu.vector_load_idx %arg12[%parallel_loop3A_268] : memref<50000xf32, #tpu.memory_space<vmem>>[vector<16xi32>], vector<16xf32>,
        %parallel_loop3A_276 = arith.mulf %parallel_loop3A_274, %parallel_loop3A_275 : vector<16xf32>
        %parallel_loop3A_277 = tpu.vector_load_idx %arg12[%parallel_loop3A_270] : memref<50000xf32, #tpu.memory_space<vmem>>[vector<16xi32>], vector<16xf32>,
        %parallel_loop3A_278 = arith.mulf %parallel_loop3A_276, %parallel_loop3A_277 : vector<16xf32>
        %parallel_loop3A_279 = arith.constant 8 : i32
        %parallel_loop3A_280 = vector.broadcast %parallel_loop3A_279 : i32 to vector<16xi32>
        %parallel_loop3A_281 = arith.shrsi %parallel_loop3A_272, %parallel_loop3A_280 : vector<16xi32>
        %parallel_loop3A_282 = arith.constant 255 : i32
        %parallel_loop3A_283 = vector.broadcast %parallel_loop3A_282 : i32 to vector<16xi32>
        %parallel_loop3A_284 = arith.andi %parallel_loop3A_272, %parallel_loop3A_283 : vector<16xi32>
        tpu.vector_store_idx %arg13[%parallel_loop3A_281, %parallel_loop3A_284], %parallel_loop3A_278 {add = true} : memref<224x256xf32, #tpu.memory_space<vmem>>[vector<16xi32>, vector<16xi32>], vector<16xf32>,
        %parallel_loop3A_285 = arith.constant 8 : i32
        %parallel_loop3A_286 = vector.broadcast %parallel_loop3A_285 : i32 to vector<16xi32>
        %parallel_loop3A_287 = arith.shrsi %parallel_loop3A_268, %parallel_loop3A_286 : vector<16xi32>
        %parallel_loop3A_288 = arith.constant 255 : i32
        %parallel_loop3A_289 = vector.broadcast %parallel_loop3A_288 : i32 to vector<16xi32>
        %parallel_loop3A_290 = arith.andi %parallel_loop3A_268, %parallel_loop3A_289 : vector<16xi32>
        %parallel_loop3A_291 = arith.constant 0.000000e+00 : f32
        %parallel_loop3A_292 = vector.broadcast %parallel_loop3A_291 : f32 to vector<16xf32>
        %parallel_loop3A_293 = arith.subf %parallel_loop3A_292, %parallel_loop3A_278 : vector<16xf32>
        tpu.vector_store_idx %arg13[%parallel_loop3A_287, %parallel_loop3A_290], %parallel_loop3A_293 {add = true} : memref<224x256xf32, #tpu.memory_space<vmem>>[vector<16xi32>, vector<16xi32>], vector<16xf32>,
        %parallel_loop3A_294 = arith.constant 8 : i32
        %parallel_loop3A_295 = vector.broadcast %parallel_loop3A_294 : i32 to vector<16xi32>
        %parallel_loop3A_296 = arith.shrsi %parallel_loop3A_270, %parallel_loop3A_295 : vector<16xi32>
        %parallel_loop3A_297 = arith.constant 255 : i32
        %parallel_loop3A_298 = vector.broadcast %parallel_loop3A_297 : i32 to vector<16xi32>
        %parallel_loop3A_299 = arith.andi %parallel_loop3A_270, %parallel_loop3A_298 : vector<16xi32>
        %parallel_loop3A_300 = arith.constant 0.000000e+00 : f32
        %parallel_loop3A_301 = vector.broadcast %parallel_loop3A_300 : f32 to vector<16xf32>
        %parallel_loop3A_302 = arith.subf %parallel_loop3A_301, %parallel_loop3A_278 : vector<16xf32>
        tpu.vector_store_idx %arg13[%parallel_loop3A_296, %parallel_loop3A_299], %parallel_loop3A_302 {add = true} : memref<224x256xf32, #tpu.memory_space<vmem>>[vector<16xi32>, vector<16xi32>], vector<16xf32>,
      } {sc.loop_unroll_factor = 8 : i64, sc.parallel_access}
    }
    %scan3A_81 = arith.constant 25 : i32
    %dma_wait3A_82 = arith.constant 0 : i32
    %dma_wait3A_83 = tpu.memref_slice %arg6[%dma_wait3A_82] : memref<400000xi32, #tpu.memory_space<hbm>> -> memref<2000xi32, #tpu.memory_space<hbm>>
    %dma_wait3A_84 = arith.constant 0 : i32
    %dma_wait3A_85 = tpu.memref_slice %arg6[%dma_wait3A_84] : memref<400000xi32, #tpu.memory_space<hbm>> -> memref<2000xi32, #tpu.memory_space<hbm>>
    tpu.wait_dma2 semaphore(%arg23 : memref<!tpu.dma_semaphore, #tpu.memory_space<semaphore_mem>>) src(%dma_wait3A_85 : memref<2000xi32, #tpu.memory_space<hbm>>) dst(%arg14 : memref<2000xi32, #tpu.memory_space<vmem>>)
    %dma_wait3A_86 = arith.constant 0 : i32
    %dma_wait3A_87 = tpu.memref_slice %arg7[%dma_wait3A_86] : memref<400000xi32, #tpu.memory_space<hbm>> -> memref<2000xi32, #tpu.memory_space<hbm>>
    %dma_wait3A_88 = arith.constant 0 : i32
    %dma_wait3A_89 = tpu.memref_slice %arg7[%dma_wait3A_88] : memref<400000xi32, #tpu.memory_space<hbm>> -> memref<2000xi32, #tpu.memory_space<hbm>>
    tpu.wait_dma2 semaphore(%arg23 : memref<!tpu.dma_semaphore, #tpu.memory_space<semaphore_mem>>) src(%dma_wait3A_89 : memref<2000xi32, #tpu.memory_space<hbm>>) dst(%arg15 : memref<2000xi32, #tpu.memory_space<vmem>>)
    %dma_wait3A_90 = arith.constant 0 : i32
    %dma_wait3A_91 = tpu.memref_slice %arg8[%dma_wait3A_90] : memref<400000xi32, #tpu.memory_space<hbm>> -> memref<2000xi32, #tpu.memory_space<hbm>>
    %dma_wait3A_92 = arith.constant 0 : i32
    %dma_wait3A_93 = tpu.memref_slice %arg8[%dma_wait3A_92] : memref<400000xi32, #tpu.memory_space<hbm>> -> memref<2000xi32, #tpu.memory_space<hbm>>
    tpu.wait_dma2 semaphore(%arg23 : memref<!tpu.dma_semaphore, #tpu.memory_space<semaphore_mem>>) src(%dma_wait3A_93 : memref<2000xi32, #tpu.memory_space<hbm>>) dst(%arg16 : memref<2000xi32, #tpu.memory_space<vmem>>)
    %dma_wait3A_94 = arith.constant 0 : i32
    %dma_wait3A_95 = tpu.memref_slice %arg9[%dma_wait3A_94] : memref<3200000xf32, #tpu.memory_space<hbm>> -> memref<2000xf32, #tpu.memory_space<hbm>>
    %dma_wait3A_96 = arith.constant 0 : i32
    %dma_wait3A_97 = tpu.memref_slice %arg9[%dma_wait3A_96] : memref<3200000xf32, #tpu.memory_space<hbm>> -> memref<2000xf32, #tpu.memory_space<hbm>>
    tpu.wait_dma2 semaphore(%arg23 : memref<!tpu.dma_semaphore, #tpu.memory_space<semaphore_mem>>) src(%dma_wait3A_97 : memref<2000xf32, #tpu.memory_space<hbm>>) dst(%arg17 : memref<2000xf32, #tpu.memory_space<vmem>>)
    %scan3A_98 = arith.constant 1562 : i32
    %scan3A_99 = arith.constant 1560 : i32
    %scan3A_100 = arith.addi %scan3A_98, %scan3A_99 : i32
    %scan3A_101 = arith.constant 8 : i32
    %scan3A_102:2 = scf.for %scan3A_193 = %scan3A_98 to %scan3A_100 step %scan3A_101 iter_args(%scan3A_194 = %broadcast_in_dim3A_34, %scan3A_195 = %broadcast_in_dim3A_34) -> (vector<16xf32>, vector<16xf32>)  : i32 {
      %mul3A_196 = arith.constant 16 : i32
      %mul3A_197 = arith.muli %scan3A_193, %mul3A_196 : i32
      %get3A_198 = arith.index_cast %mul3A_197 : i32 to index
      %get3A_199 = tpu.vector_load %arg12[%get3A_198] {strides = array<i32>} : memref<50000xf32, #tpu.memory_space<vmem>>, vector<16xf32>,
      %mul3A_200 = arith.constant 16 : i32
      %mul3A_201 = arith.muli %scan3A_193, %mul3A_200 : i32
      %add3A_202 = vector.broadcast %mul3A_201 : i32 to vector<16xi32>
      %add3A_203 = arith.addi %iota3A, %add3A_202 : vector<16xi32>
      %ge3A_204 = arith.constant 25000 : i32
      %ge3A_205 = vector.broadcast %ge3A_204 : i32 to vector<16xi32>
      %ge3A_206 = arith.cmpi sge, %add3A_203, %ge3A_205 : vector<16xi32>
      %lt3A_207 = arith.constant 37500 : i32
      %lt3A_208 = vector.broadcast %lt3A_207 : i32 to vector<16xi32>
      %lt3A_209 = arith.cmpi slt, %add3A_203, %lt3A_208 : vector<16xi32>
      %and3A_210 = arith.andi %ge3A_206, %lt3A_209 : vector<16xi1>
      %jit3A_211 = arith.constant 0.000000e+00 : f32
      %broadcast_in_dim3A_212 = vector.broadcast %jit3A_211 : f32 to vector<16xf32>
      %select_n3A_213 = arith.select %and3A_210, %get3A_199, %broadcast_in_dim3A_212 : vector<16xi1>, vector<16xf32>
      %add3A_214 = arith.addf %scan3A_194, %select_n3A_213 : vector<16xf32>
      %ge3A_215 = arith.constant 37500 : i32
      %ge3A_216 = vector.broadcast %ge3A_215 : i32 to vector<16xi32>
      %ge3A_217 = arith.cmpi sge, %add3A_203, %ge3A_216 : vector<16xi32>
      %jit3A_218 = arith.constant 0.000000e+00 : f32
      %broadcast_in_dim3A_219 = vector.broadcast %jit3A_218 : f32 to vector<16xf32>
      %select_n3A_220 = arith.select %ge3A_217, %get3A_199, %broadcast_in_dim3A_219 : vector<16xi1>, vector<16xf32>
      %add3A_221 = arith.addf %scan3A_195, %select_n3A_220 : vector<16xf32>
      %scan3A_222 = arith.constant 1 : i32
      %scan3A_223 = arith.addi %scan3A_193, %scan3A_222 : i32
      %mul3A_224 = arith.constant 16 : i32
      %mul3A_225 = arith.muli %scan3A_223, %mul3A_224 : i32
      %get3A_226 = arith.index_cast %mul3A_225 : i32 to index
      %get3A_227 = tpu.vector_load %arg12[%get3A_226] {strides = array<i32>} : memref<50000xf32, #tpu.memory_space<vmem>>, vector<16xf32>,
      %mul3A_228 = arith.constant 16 : i32
      %mul3A_229 = arith.muli %scan3A_223, %mul3A_228 : i32
      %add3A_230 = vector.broadcast %mul3A_229 : i32 to vector<16xi32>
      %add3A_231 = arith.addi %iota3A, %add3A_230 : vector<16xi32>
      %ge3A_232 = arith.constant 25000 : i32
      %ge3A_233 = vector.broadcast %ge3A_232 : i32 to vector<16xi32>
      %ge3A_234 = arith.cmpi sge, %add3A_231, %ge3A_233 : vector<16xi32>
      %lt3A_235 = arith.constant 37500 : i32
      %lt3A_236 = vector.broadcast %lt3A_235 : i32 to vector<16xi32>
      %lt3A_237 = arith.cmpi slt, %add3A_231, %lt3A_236 : vector<16xi32>
      %and3A_238 = arith.andi %ge3A_234, %lt3A_237 : vector<16xi1>
      %jit3A_239 = arith.constant 0.000000e+00 : f32
      %broadcast_in_dim3A_240 = vector.broadcast %jit3A_239 : f32 to vector<16xf32>
      %select_n3A_241 = arith.select %and3A_238, %get3A_227, %broadcast_in_dim3A_240 : vector<16xi1>, vector<16xf32>
      %add3A_242 = arith.addf %add3A_214, %select_n3A_241 : vector<16xf32>
      %ge3A_243 = arith.constant 37500 : i32
      %ge3A_244 = vector.broadcast %ge3A_243 : i32 to vector<16xi32>
      %ge3A_245 = arith.cmpi sge, %add3A_231, %ge3A_244 : vector<16xi32>
      %jit3A_246 = arith.constant 0.000000e+00 : f32
      %broadcast_in_dim3A_247 = vector.broadcast %jit3A_246 : f32 to vector<16xf32>
      %select_n3A_248 = arith.select %ge3A_245, %get3A_227, %broadcast_in_dim3A_247 : vector<16xi1>, vector<16xf32>
      %add3A_249 = arith.addf %add3A_221, %select_n3A_248 : vector<16xf32>
      %scan3A_250 = arith.constant 2 : i32
      %scan3A_251 = arith.addi %scan3A_193, %scan3A_250 : i32
      %mul3A_252 = arith.constant 16 : i32
      %mul3A_253 = arith.muli %scan3A_251, %mul3A_252 : i32
      %get3A_254 = arith.index_cast %mul3A_253 : i32 to index
      %get3A_255 = tpu.vector_load %arg12[%get3A_254] {strides = array<i32>} : memref<50000xf32, #tpu.memory_space<vmem>>, vector<16xf32>,
      %mul3A_256 = arith.constant 16 : i32
      %mul3A_257 = arith.muli %scan3A_251, %mul3A_256 : i32
      %add3A_258 = vector.broadcast %mul3A_257 : i32 to vector<16xi32>
      %add3A_259 = arith.addi %iota3A, %add3A_258 : vector<16xi32>
      %ge3A_260 = arith.constant 25000 : i32
      %ge3A_261 = vector.broadcast %ge3A_260 : i32 to vector<16xi32>
      %ge3A_262 = arith.cmpi sge, %add3A_259, %ge3A_261 : vector<16xi32>
      %lt3A_263 = arith.constant 37500 : i32
      %lt3A_264 = vector.broadcast %lt3A_263 : i32 to vector<16xi32>
      %lt3A_265 = arith.cmpi slt, %add3A_259, %lt3A_264 : vector<16xi32>
      %and3A_266 = arith.andi %ge3A_262, %lt3A_265 : vector<16xi1>
      %jit3A_267 = arith.constant 0.000000e+00 : f32
      %broadcast_in_dim3A_268 = vector.broadcast %jit3A_267 : f32 to vector<16xf32>
      %select_n3A_269 = arith.select %and3A_266, %get3A_255, %broadcast_in_dim3A_268 : vector<16xi1>, vector<16xf32>
      %add3A_270 = arith.addf %add3A_242, %select_n3A_269 : vector<16xf32>
      %ge3A_271 = arith.constant 37500 : i32
      %ge3A_272 = vector.broadcast %ge3A_271 : i32 to vector<16xi32>
      %ge3A_273 = arith.cmpi sge, %add3A_259, %ge3A_272 : vector<16xi32>
      %jit3A_274 = arith.constant 0.000000e+00 : f32
      %broadcast_in_dim3A_275 = vector.broadcast %jit3A_274 : f32 to vector<16xf32>
      %select_n3A_276 = arith.select %ge3A_273, %get3A_255, %broadcast_in_dim3A_275 : vector<16xi1>, vector<16xf32>
      %add3A_277 = arith.addf %add3A_249, %select_n3A_276 : vector<16xf32>
      %scan3A_278 = arith.constant 3 : i32
      %scan3A_279 = arith.addi %scan3A_193, %scan3A_278 : i32
      %mul3A_280 = arith.constant 16 : i32
      %mul3A_281 = arith.muli %scan3A_279, %mul3A_280 : i32
      %get3A_282 = arith.index_cast %mul3A_281 : i32 to index
      %get3A_283 = tpu.vector_load %arg12[%get3A_282] {strides = array<i32>} : memref<50000xf32, #tpu.memory_space<vmem>>, vector<16xf32>,
      %mul3A_284 = arith.constant 16 : i32
      %mul3A_285 = arith.muli %scan3A_279, %mul3A_284 : i32
      %add3A_286 = vector.broadcast %mul3A_285 : i32 to vector<16xi32>
      %add3A_287 = arith.addi %iota3A, %add3A_286 : vector<16xi32>
      %ge3A_288 = arith.constant 25000 : i32
      %ge3A_289 = vector.broadcast %ge3A_288 : i32 to vector<16xi32>
      %ge3A_290 = arith.cmpi sge, %add3A_287, %ge3A_289 : vector<16xi32>
      %lt3A_291 = arith.constant 37500 : i32
      %lt3A_292 = vector.broadcast %lt3A_291 : i32 to vector<16xi32>
      %lt3A_293 = arith.cmpi slt, %add3A_287, %lt3A_292 : vector<16xi32>
      %and3A_294 = arith.andi %ge3A_290, %lt3A_293 : vector<16xi1>
      %jit3A_295 = arith.constant 0.000000e+00 : f32
      %broadcast_in_dim3A_296 = vector.broadcast %jit3A_295 : f32 to vector<16xf32>
      %select_n3A_297 = arith.select %and3A_294, %get3A_283, %broadcast_in_dim3A_296 : vector<16xi1>, vector<16xf32>
      %add3A_298 = arith.addf %add3A_270, %select_n3A_297 : vector<16xf32>
      %ge3A_299 = arith.constant 37500 : i32
      %ge3A_300 = vector.broadcast %ge3A_299 : i32 to vector<16xi32>
      %ge3A_301 = arith.cmpi sge, %add3A_287, %ge3A_300 : vector<16xi32>
      %jit3A_302 = arith.constant 0.000000e+00 : f32
      %broadcast_in_dim3A_303 = vector.broadcast %jit3A_302 : f32 to vector<16xf32>
      %select_n3A_304 = arith.select %ge3A_301, %get3A_283, %broadcast_in_dim3A_303 : vector<16xi1>, vector<16xf32>
      %add3A_305 = arith.addf %add3A_277, %select_n3A_304 : vector<16xf32>
      %scan3A_306 = arith.constant 4 : i32
      %scan3A_307 = arith.addi %scan3A_193, %scan3A_306 : i32
      %mul3A_308 = arith.constant 16 : i32
      %mul3A_309 = arith.muli %scan3A_307, %mul3A_308 : i32
      %get3A_310 = arith.index_cast %mul3A_309 : i32 to index
      %get3A_311 = tpu.vector_load %arg12[%get3A_310] {strides = array<i32>} : memref<50000xf32, #tpu.memory_space<vmem>>, vector<16xf32>,
      %mul3A_312 = arith.constant 16 : i32
      %mul3A_313 = arith.muli %scan3A_307, %mul3A_312 : i32
      %add3A_314 = vector.broadcast %mul3A_313 : i32 to vector<16xi32>
      %add3A_315 = arith.addi %iota3A, %add3A_314 : vector<16xi32>
      %ge3A_316 = arith.constant 25000 : i32
      %ge3A_317 = vector.broadcast %ge3A_316 : i32 to vector<16xi32>
      %ge3A_318 = arith.cmpi sge, %add3A_315, %ge3A_317 : vector<16xi32>
      %lt3A_319 = arith.constant 37500 : i32
      %lt3A_320 = vector.broadcast %lt3A_319 : i32 to vector<16xi32>
      %lt3A_321 = arith.cmpi slt, %add3A_315, %lt3A_320 : vector<16xi32>
      %and3A_322 = arith.andi %ge3A_318, %lt3A_321 : vector<16xi1>
      %jit3A_323 = arith.constant 0.000000e+00 : f32
      %broadcast_in_dim3A_324 = vector.broadcast %jit3A_323 : f32 to vector<16xf32>
      %select_n3A_325 = arith.select %and3A_322, %get3A_311, %broadcast_in_dim3A_324 : vector<16xi1>, vector<16xf32>
      %add3A_326 = arith.addf %add3A_298, %select_n3A_325 : vector<16xf32>
      %ge3A_327 = arith.constant 37500 : i32
      %ge3A_328 = vector.broadcast %ge3A_327 : i32 to vector<16xi32>
      %ge3A_329 = arith.cmpi sge, %add3A_315, %ge3A_328 : vector<16xi32>
      %jit3A_330 = arith.constant 0.000000e+00 : f32
      %broadcast_in_dim3A_331 = vector.broadcast %jit3A_330 : f32 to vector<16xf32>
      %select_n3A_332 = arith.select %ge3A_329, %get3A_311, %broadcast_in_dim3A_331 : vector<16xi1>, vector<16xf32>
      %add3A_333 = arith.addf %add3A_305, %select_n3A_332 : vector<16xf32>
      %scan3A_334 = arith.constant 5 : i32
      %scan3A_335 = arith.addi %scan3A_193, %scan3A_334 : i32
      %mul3A_336 = arith.constant 16 : i32
      %mul3A_337 = arith.muli %scan3A_335, %mul3A_336 : i32
      %get3A_338 = arith.index_cast %mul3A_337 : i32 to index
      %get3A_339 = tpu.vector_load %arg12[%get3A_338] {strides = array<i32>} : memref<50000xf32, #tpu.memory_space<vmem>>, vector<16xf32>,
      %mul3A_340 = arith.constant 16 : i32
      %mul3A_341 = arith.muli %scan3A_335, %mul3A_340 : i32
      %add3A_342 = vector.broadcast %mul3A_341 : i32 to vector<16xi32>
      %add3A_343 = arith.addi %iota3A, %add3A_342 : vector<16xi32>
      %ge3A_344 = arith.constant 25000 : i32
      %ge3A_345 = vector.broadcast %ge3A_344 : i32 to vector<16xi32>
      %ge3A_346 = arith.cmpi sge, %add3A_343, %ge3A_345 : vector<16xi32>
      %lt3A_347 = arith.constant 37500 : i32
      %lt3A_348 = vector.broadcast %lt3A_347 : i32 to vector<16xi32>
      %lt3A_349 = arith.cmpi slt, %add3A_343, %lt3A_348 : vector<16xi32>
      %and3A_350 = arith.andi %ge3A_346, %lt3A_349 : vector<16xi1>
      %jit3A_351 = arith.constant 0.000000e+00 : f32
      %broadcast_in_dim3A_352 = vector.broadcast %jit3A_351 : f32 to vector<16xf32>
      %select_n3A_353 = arith.select %and3A_350, %get3A_339, %broadcast_in_dim3A_352 : vector<16xi1>, vector<16xf32>
      %add3A_354 = arith.addf %add3A_326, %select_n3A_353 : vector<16xf32>
      %ge3A_355 = arith.constant 37500 : i32
      %ge3A_356 = vector.broadcast %ge3A_355 : i32 to vector<16xi32>
      %ge3A_357 = arith.cmpi sge, %add3A_343, %ge3A_356 : vector<16xi32>
      %jit3A_358 = arith.constant 0.000000e+00 : f32
      %broadcast_in_dim3A_359 = vector.broadcast %jit3A_358 : f32 to vector<16xf32>
      %select_n3A_360 = arith.select %ge3A_357, %get3A_339, %broadcast_in_dim3A_359 : vector<16xi1>, vector<16xf32>
      %add3A_361 = arith.addf %add3A_333, %select_n3A_360 : vector<16xf32>
      %scan3A_362 = arith.constant 6 : i32
      %scan3A_363 = arith.addi %scan3A_193, %scan3A_362 : i32
      %mul3A_364 = arith.constant 16 : i32
      %mul3A_365 = arith.muli %scan3A_363, %mul3A_364 : i32
      %get3A_366 = arith.index_cast %mul3A_365 : i32 to index
      %get3A_367 = tpu.vector_load %arg12[%get3A_366] {strides = array<i32>} : memref<50000xf32, #tpu.memory_space<vmem>>, vector<16xf32>,
      %mul3A_368 = arith.constant 16 : i32
      %mul3A_369 = arith.muli %scan3A_363, %mul3A_368 : i32
      %add3A_370 = vector.broadcast %mul3A_369 : i32 to vector<16xi32>
      %add3A_371 = arith.addi %iota3A, %add3A_370 : vector<16xi32>
      %ge3A_372 = arith.constant 25000 : i32
      %ge3A_373 = vector.broadcast %ge3A_372 : i32 to vector<16xi32>
      %ge3A_374 = arith.cmpi sge, %add3A_371, %ge3A_373 : vector<16xi32>
      %lt3A_375 = arith.constant 37500 : i32
      %lt3A_376 = vector.broadcast %lt3A_375 : i32 to vector<16xi32>
      %lt3A_377 = arith.cmpi slt, %add3A_371, %lt3A_376 : vector<16xi32>
      %and3A_378 = arith.andi %ge3A_374, %lt3A_377 : vector<16xi1>
      %jit3A_379 = arith.constant 0.000000e+00 : f32
      %broadcast_in_dim3A_380 = vector.broadcast %jit3A_379 : f32 to vector<16xf32>
      %select_n3A_381 = arith.select %and3A_378, %get3A_367, %broadcast_in_dim3A_380 : vector<16xi1>, vector<16xf32>
      %add3A_382 = arith.addf %add3A_354, %select_n3A_381 : vector<16xf32>
      %ge3A_383 = arith.constant 37500 : i32
      %ge3A_384 = vector.broadcast %ge3A_383 : i32 to vector<16xi32>
      %ge3A_385 = arith.cmpi sge, %add3A_371, %ge3A_384 : vector<16xi32>
      %jit3A_386 = arith.constant 0.000000e+00 : f32
      %broadcast_in_dim3A_387 = vector.broadcast %jit3A_386 : f32 to vector<16xf32>
      %select_n3A_388 = arith.select %ge3A_385, %get3A_367, %broadcast_in_dim3A_387 : vector<16xi1>, vector<16xf32>
      %add3A_389 = arith.addf %add3A_361, %select_n3A_388 : vector<16xf32>
      %scan3A_390 = arith.constant 7 : i32
      %scan3A_391 = arith.addi %scan3A_193, %scan3A_390 : i32
      %mul3A_392 = arith.constant 16 : i32
      %mul3A_393 = arith.muli %scan3A_391, %mul3A_392 : i32
      %get3A_394 = arith.index_cast %mul3A_393 : i32 to index
      %get3A_395 = tpu.vector_load %arg12[%get3A_394] {strides = array<i32>} : memref<50000xf32, #tpu.memory_space<vmem>>, vector<16xf32>,
      %mul3A_396 = arith.constant 16 : i32
      %mul3A_397 = arith.muli %scan3A_391, %mul3A_396 : i32
      %add3A_398 = vector.broadcast %mul3A_397 : i32 to vector<16xi32>
      %add3A_399 = arith.addi %iota3A, %add3A_398 : vector<16xi32>
      %ge3A_400 = arith.constant 25000 : i32
      %ge3A_401 = vector.broadcast %ge3A_400 : i32 to vector<16xi32>
      %ge3A_402 = arith.cmpi sge, %add3A_399, %ge3A_401 : vector<16xi32>
      %lt3A_403 = arith.constant 37500 : i32
      %lt3A_404 = vector.broadcast %lt3A_403 : i32 to vector<16xi32>
      %lt3A_405 = arith.cmpi slt, %add3A_399, %lt3A_404 : vector<16xi32>
      %and3A_406 = arith.andi %ge3A_402, %lt3A_405 : vector<16xi1>
      %jit3A_407 = arith.constant 0.000000e+00 : f32
      %broadcast_in_dim3A_408 = vector.broadcast %jit3A_407 : f32 to vector<16xf32>
      %select_n3A_409 = arith.select %and3A_406, %get3A_395, %broadcast_in_dim3A_408 : vector<16xi1>, vector<16xf32>
      %add3A_410 = arith.addf %add3A_382, %select_n3A_409 : vector<16xf32>
      %ge3A_411 = arith.constant 37500 : i32
      %ge3A_412 = vector.broadcast %ge3A_411 : i32 to vector<16xi32>
      %ge3A_413 = arith.cmpi sge, %add3A_399, %ge3A_412 : vector<16xi32>
      %jit3A_414 = arith.constant 0.000000e+00 : f32
      %broadcast_in_dim3A_415 = vector.broadcast %jit3A_414 : f32 to vector<16xf32>
      %select_n3A_416 = arith.select %ge3A_413, %get3A_395, %broadcast_in_dim3A_415 : vector<16xi1>, vector<16xf32>
      %add3A_417 = arith.addf %add3A_389, %select_n3A_416 : vector<16xf32>
      scf.yield %add3A_410, %add3A_417 : vector<16xf32>, vector<16xf32>
    }
    %scan3A_103 = arith.constant 1560 : i32
    %scan3A_104 = arith.addi %scan3A_98, %scan3A_103 : i32
    %mul3A_105 = arith.constant 16 : i32
    %mul3A_106 = arith.muli %scan3A_104, %mul3A_105 : i32
    %get3A = arith.index_cast %mul3A_106 : i32 to index
    %get3A_107 = tpu.vector_load %arg12[%get3A] {strides = array<i32>} : memref<50000xf32, #tpu.memory_space<vmem>>, vector<16xf32>,
    %mul3A_108 = arith.constant 16 : i32
    %mul3A_109 = arith.muli %scan3A_104, %mul3A_108 : i32
    %add3A_110 = vector.broadcast %mul3A_109 : i32 to vector<16xi32>
    %add3A_111 = arith.addi %iota3A, %add3A_110 : vector<16xi32>
    %ge3A = arith.constant 25000 : i32
    %ge3A_112 = vector.broadcast %ge3A : i32 to vector<16xi32>
    %ge3A_113 = arith.cmpi sge, %add3A_111, %ge3A_112 : vector<16xi32>
    %lt3A_114 = arith.constant 37500 : i32
    %lt3A_115 = vector.broadcast %lt3A_114 : i32 to vector<16xi32>
    %lt3A_116 = arith.cmpi slt, %add3A_111, %lt3A_115 : vector<16xi32>
    %and3A_117 = arith.andi %ge3A_113, %lt3A_116 : vector<16xi1>
    %jit3A_118 = arith.constant 0.000000e+00 : f32
    %broadcast_in_dim3A_119 = vector.broadcast %jit3A_118 : f32 to vector<16xf32>
    %select_n3A_120 = arith.select %and3A_117, %get3A_107, %broadcast_in_dim3A_119 : vector<16xi1>, vector<16xf32>
    %add3A_121 = arith.addf %scan3A_102#0, %select_n3A_120 : vector<16xf32>
    %ge3A_122 = arith.constant 37500 : i32
    %ge3A_123 = vector.broadcast %ge3A_122 : i32 to vector<16xi32>
    %ge3A_124 = arith.cmpi sge, %add3A_111, %ge3A_123 : vector<16xi32>
    %jit3A_125 = arith.constant 0.000000e+00 : f32
    %broadcast_in_dim3A_126 = vector.broadcast %jit3A_125 : f32 to vector<16xf32>
    %select_n3A_127 = arith.select %ge3A_124, %get3A_107, %broadcast_in_dim3A_126 : vector<16xi1>, vector<16xf32>
    %add3A_128 = arith.addf %scan3A_102#1, %select_n3A_127 : vector<16xf32>
    %scan3A_129 = arith.constant 1561 : i32
    %scan3A_130 = arith.addi %scan3A_98, %scan3A_129 : i32
    %mul3A_131 = arith.constant 16 : i32
    %mul3A_132 = arith.muli %scan3A_130, %mul3A_131 : i32
    %get3A_133 = arith.index_cast %mul3A_132 : i32 to index
    %get3A_134 = tpu.vector_load %arg12[%get3A_133] {strides = array<i32>} : memref<50000xf32, #tpu.memory_space<vmem>>, vector<16xf32>,
    %mul3A_135 = arith.constant 16 : i32
    %mul3A_136 = arith.muli %scan3A_130, %mul3A_135 : i32
    %add3A_137 = vector.broadcast %mul3A_136 : i32 to vector<16xi32>
    %add3A_138 = arith.addi %iota3A, %add3A_137 : vector<16xi32>
    %ge3A_139 = arith.constant 25000 : i32
    %ge3A_140 = vector.broadcast %ge3A_139 : i32 to vector<16xi32>
    %ge3A_141 = arith.cmpi sge, %add3A_138, %ge3A_140 : vector<16xi32>
    %lt3A_142 = arith.constant 37500 : i32
    %lt3A_143 = vector.broadcast %lt3A_142 : i32 to vector<16xi32>
    %lt3A_144 = arith.cmpi slt, %add3A_138, %lt3A_143 : vector<16xi32>
    %and3A_145 = arith.andi %ge3A_141, %lt3A_144 : vector<16xi1>
    %jit3A_146 = arith.constant 0.000000e+00 : f32
    %broadcast_in_dim3A_147 = vector.broadcast %jit3A_146 : f32 to vector<16xf32>
    %select_n3A_148 = arith.select %and3A_145, %get3A_134, %broadcast_in_dim3A_147 : vector<16xi1>, vector<16xf32>
    %add3A_149 = arith.addf %add3A_121, %select_n3A_148 : vector<16xf32>
    %ge3A_150 = arith.constant 37500 : i32
    %ge3A_151 = vector.broadcast %ge3A_150 : i32 to vector<16xi32>
    %ge3A_152 = arith.cmpi sge, %add3A_138, %ge3A_151 : vector<16xi32>
    %jit3A_153 = arith.constant 0.000000e+00 : f32
    %broadcast_in_dim3A_154 = vector.broadcast %jit3A_153 : f32 to vector<16xf32>
    %select_n3A_155 = arith.select %ge3A_152, %get3A_134, %broadcast_in_dim3A_154 : vector<16xi1>, vector<16xf32>
    %add3A_156 = arith.addf %add3A_128, %select_n3A_155 : vector<16xf32>
    %scan3A_157 = arith.constant 1562 : i32
    %scan3A_158 = arith.addi %scan3A_98, %scan3A_157 : i32
    %mul3A_159 = arith.constant 16 : i32
    %mul3A_160 = arith.muli %scan3A_158, %mul3A_159 : i32
    %get3A_161 = arith.index_cast %mul3A_160 : i32 to index
    %get3A_162 = tpu.vector_load %arg12[%get3A_161] {strides = array<i32>} : memref<50000xf32, #tpu.memory_space<vmem>>, vector<16xf32>,
    %mul3A_163 = arith.constant 16 : i32
    %mul3A_164 = arith.muli %scan3A_158, %mul3A_163 : i32
    %add3A_165 = vector.broadcast %mul3A_164 : i32 to vector<16xi32>
    %add3A_166 = arith.addi %iota3A, %add3A_165 : vector<16xi32>
    %ge3A_167 = arith.constant 25000 : i32
    %ge3A_168 = vector.broadcast %ge3A_167 : i32 to vector<16xi32>
    %ge3A_169 = arith.cmpi sge, %add3A_166, %ge3A_168 : vector<16xi32>
    %lt3A_170 = arith.constant 37500 : i32
    %lt3A_171 = vector.broadcast %lt3A_170 : i32 to vector<16xi32>
    %lt3A_172 = arith.cmpi slt, %add3A_166, %lt3A_171 : vector<16xi32>
    %and3A_173 = arith.andi %ge3A_169, %lt3A_172 : vector<16xi1>
    %jit3A_174 = arith.constant 0.000000e+00 : f32
    %broadcast_in_dim3A_175 = vector.broadcast %jit3A_174 : f32 to vector<16xf32>
    %select_n3A_176 = arith.select %and3A_173, %get3A_162, %broadcast_in_dim3A_175 : vector<16xi1>, vector<16xf32>
    %add3A_177 = arith.addf %add3A_149, %select_n3A_176 : vector<16xf32>
    %ge3A_178 = arith.constant 37500 : i32
    %ge3A_179 = vector.broadcast %ge3A_178 : i32 to vector<16xi32>
    %ge3A_180 = arith.cmpi sge, %add3A_166, %ge3A_179 : vector<16xi32>
    %jit3A_181 = arith.constant 0.000000e+00 : f32
    %broadcast_in_dim3A_182 = vector.broadcast %jit3A_181 : f32 to vector<16xf32>
    %select_n3A_183 = arith.select %ge3A_180, %get3A_162, %broadcast_in_dim3A_182 : vector<16xi1>, vector<16xf32>
    %add3A_184 = arith.addf %add3A_156, %select_n3A_183 : vector<16xf32>
    %scan3A_185 = arith.constant 1563 : i32
    %swap3A = arith.constant 0 : i32
    %swap3A_186 = arith.index_cast %swap3A : i32 to index
    %swap3A_187 = arith.constant 0 : index
    %swap3A_188 = tpu.vector_load %arg22[%swap3A_186, %swap3A_187] {strides = array<i32>} : memref<2x16xf32, #tpu.memory_space<vmem>>, vector<16xf32>,
    tpu.vector_store %arg22[%swap3A_186, %swap3A_187], %add3A_177 {strides = array<i32>} : memref<2x16xf32, #tpu.memory_space<vmem>>, vector<16xf32>,
    %swap3A_189 = arith.constant 1 : i32
    %swap3A_190 = arith.index_cast %swap3A_189 : i32 to index
    %swap3A_191 = arith.constant 0 : index
    %swap3A_192 = tpu.vector_load %arg22[%swap3A_190, %swap3A_191] {strides = array<i32>} : memref<2x16xf32, #tpu.memory_space<vmem>>, vector<16xf32>,
    tpu.vector_store %arg22[%swap3A_190, %swap3A_191], %add3A_184 {strides = array<i32>} : memref<2x16xf32, #tpu.memory_space<vmem>>, vector<16xf32>,
    "tpu.region"() ({
      %run_scoped3A = tpu.sem_alloc : memref<!tpu.dma_semaphore, #tpu.memory_space<semaphore_mem>>
      %dma_start3A_193 = arith.constant 0 : i32
      %dma_start3A_194 = arith.constant 0 : i32
      %dma_start3A_195 = tpu.memref_slice %arg11[%add3A_33, %dma_start3A_193, %dma_start3A_194] : memref<32x2x16xf32, #tpu.memory_space<hbm>> -> memref<1x2x16xf32, #tpu.memory_space<hbm>>
      %dma_start3A_196 = tpu.memref_squeeze %dma_start3A_195 : memref<1x2x16xf32, #tpu.memory_space<hbm>> -> memref<2x16xf32, #tpu.memory_space<hbm>>
      %dma_start3A_197 = arith.constant 0 : i32
      %dma_start3A_198 = arith.constant 0 : i32
      %dma_start3A_199 = tpu.memref_slice %arg11[%add3A_33, %dma_start3A_197, %dma_start3A_198] : memref<32x2x16xf32, #tpu.memory_space<hbm>> -> memref<1x2x16xf32, #tpu.memory_space<hbm>>
      %dma_start3A_200 = tpu.memref_squeeze %dma_start3A_199 : memref<1x2x16xf32, #tpu.memory_space<hbm>> -> memref<2x16xf32, #tpu.memory_space<hbm>>
      tpu.enqueue_dma source(%arg22 : memref<2x16xf32, #tpu.memory_space<vmem>>) target(%dma_start3A_200 : memref<2x16xf32, #tpu.memory_space<hbm>>) target_semaphore(%run_scoped3A : memref<!tpu.dma_semaphore, #tpu.memory_space<semaphore_mem>>)
      %dma_wait3A_201 = arith.constant 0 : i32
      %dma_wait3A_202 = arith.constant 0 : i32
      %dma_wait3A_203 = tpu.memref_slice %arg11[%add3A_33, %dma_wait3A_201, %dma_wait3A_202] : memref<32x2x16xf32, #tpu.memory_space<hbm>> -> memref<1x2x16xf32, #tpu.memory_space<hbm>>
      %dma_wait3A_204 = tpu.memref_squeeze %dma_wait3A_203 : memref<1x2x16xf32, #tpu.memory_space<hbm>> -> memref<2x16xf32, #tpu.memory_space<hbm>>
      %dma_wait3A_205 = arith.constant 0 : i32
      %dma_wait3A_206 = arith.constant 0 : i32
      %dma_wait3A_207 = tpu.memref_slice %arg11[%add3A_33, %dma_wait3A_205, %dma_wait3A_206] : memref<32x2x16xf32, #tpu.memory_space<hbm>> -> memref<1x2x16xf32, #tpu.memory_space<hbm>>
      %dma_wait3A_208 = tpu.memref_squeeze %dma_wait3A_207 : memref<1x2x16xf32, #tpu.memory_space<hbm>> -> memref<2x16xf32, #tpu.memory_space<hbm>>
      tpu.wait_dma2 semaphore(%run_scoped3A : memref<!tpu.dma_semaphore, #tpu.memory_space<semaphore_mem>>) src(%arg22 : memref<2x16xf32, #tpu.memory_space<vmem>>) dst(%dma_wait3A_208 : memref<2x16xf32, #tpu.memory_space<hbm>>)
      tpu.yield
    }) : () -> ()
    "tpu.region"() ({
      %run_scoped3A = tpu.sem_alloc : memref<!tpu.dma_semaphore, #tpu.memory_space<semaphore_mem>>
      %dma_start3A_193 = arith.constant 0 : i32
      %dma_start3A_194 = arith.constant 0 : i32
      %dma_start3A_195 = tpu.memref_slice %arg10[%add3A_33, %dma_start3A_193, %dma_start3A_194] : memref<32x224x256xf32, #tpu.memory_space<hbm>> -> memref<1x224x256xf32, #tpu.memory_space<hbm>>
      %dma_start3A_196 = tpu.memref_squeeze %dma_start3A_195 : memref<1x224x256xf32, #tpu.memory_space<hbm>> -> memref<224x256xf32, #tpu.memory_space<hbm>>
      %dma_start3A_197 = arith.constant 0 : i32
      %dma_start3A_198 = arith.constant 0 : i32
      %dma_start3A_199 = tpu.memref_slice %arg10[%add3A_33, %dma_start3A_197, %dma_start3A_198] : memref<32x224x256xf32, #tpu.memory_space<hbm>> -> memref<1x224x256xf32, #tpu.memory_space<hbm>>
      %dma_start3A_200 = tpu.memref_squeeze %dma_start3A_199 : memref<1x224x256xf32, #tpu.memory_space<hbm>> -> memref<224x256xf32, #tpu.memory_space<hbm>>
      tpu.enqueue_dma source(%arg13 : memref<224x256xf32, #tpu.memory_space<vmem>>) target(%dma_start3A_200 : memref<224x256xf32, #tpu.memory_space<hbm>>) target_semaphore(%run_scoped3A : memref<!tpu.dma_semaphore, #tpu.memory_space<semaphore_mem>>)
      %dma_wait3A_201 = arith.constant 0 : i32
      %dma_wait3A_202 = arith.constant 0 : i32
      %dma_wait3A_203 = tpu.memref_slice %arg10[%add3A_33, %dma_wait3A_201, %dma_wait3A_202] : memref<32x224x256xf32, #tpu.memory_space<hbm>> -> memref<1x224x256xf32, #tpu.memory_space<hbm>>
      %dma_wait3A_204 = tpu.memref_squeeze %dma_wait3A_203 : memref<1x224x256xf32, #tpu.memory_space<hbm>> -> memref<224x256xf32, #tpu.memory_space<hbm>>
      %dma_wait3A_205 = arith.constant 0 : i32
      %dma_wait3A_206 = arith.constant 0 : i32
      %dma_wait3A_207 = tpu.memref_slice %arg10[%add3A_33, %dma_wait3A_205, %dma_wait3A_206] : memref<32x224x256xf32, #tpu.memory_space<hbm>> -> memref<1x224x256xf32, #tpu.memory_space<hbm>>
      %dma_wait3A_208 = tpu.memref_squeeze %dma_wait3A_207 : memref<1x224x256xf32, #tpu.memory_space<hbm>> -> memref<224x256xf32, #tpu.memory_space<hbm>>
      tpu.wait_dma2 semaphore(%run_scoped3A : memref<!tpu.dma_semaphore, #tpu.memory_space<semaphore_mem>>) src(%arg13 : memref<224x256xf32, #tpu.memory_space<vmem>>) dst(%dma_wait3A_208 : memref<224x256xf32, #tpu.memory_space<hbm>>)
      tpu.yield
    }) : () -> ()
    return
  }
}

module attributes {stable_mosaic.version = 14 : i64} {
  func.func @_tc_coeff_body(%arg0: i32, %arg1: memref<8x2xf32, #tpu.memory_space<vmem>>, %arg2: memref<3125x128xf32, #tpu.memory_space<vmem>>, %arg3: memref<3125x128xf32, #tpu.memory_space<vmem>>, %arg4: memref<3125x128xf32, #tpu.memory_space<vmem>>, %arg5: memref<3125x128xf32, #tpu.memory_space<vmem>>, %arg6: memref<1x3125x128xf32, #tpu.memory_space<vmem>>, %arg7: memref<1x3125x128xf32, #tpu.memory_space<vmem>>) attributes {dimension_semantics = [#tpu.dimension_semantics<arbitrary>], iteration_bounds = array<i64: 8>, scalar_prefetch = 0 : i64, scratch_operands = 0 : i64, tpu.core_type = #tpu.core_type<tc>, window_params = [{pipeline_mode = #tpu.pipeline_mode<synchronous>, transform_indices = @transform_0, window_bounds = array<i64: 8, 2>}, {pipeline_mode = #tpu.pipeline_mode<synchronous>, transform_indices = @transform_1, window_bounds = array<i64: 3125, 128>}, {pipeline_mode = #tpu.pipeline_mode<synchronous>, transform_indices = @transform_2, window_bounds = array<i64: 3125, 128>}, {pipeline_mode = #tpu.pipeline_mode<synchronous>, transform_indices = @transform_3, window_bounds = array<i64: 3125, 128>}, {pipeline_mode = #tpu.pipeline_mode<synchronous>, transform_indices = @transform_4, window_bounds = array<i64: 3125, 128>}, {transform_indices = @transform_5, window_bounds = array<i64: 1, 3125, 128>}, {transform_indices = @transform_6, window_bounds = array<i64: 1, 3125, 128>}]} {
    %get3A = arith.index_cast %arg0 : i32 to index
    %get3A_0 = arith.constant 0 : index
    %get3A_1 = vector.load %arg1[%get3A, %get3A_0] : memref<8x2xf32, #tpu.memory_space<vmem>>, vector<1x1xf32>
    %get3A_2 = vector.extract %get3A_1[0, 0] : f32 from vector<1x1xf32>
    %get3A_3 = arith.index_cast %arg0 : i32 to index
    %get3A_4 = arith.constant 1 : index
    %get3A_5 = vector.load %arg1[%get3A_3, %get3A_4] : memref<8x2xf32, #tpu.memory_space<vmem>>, vector<1x1xf32>
    %get3A_6 = vector.extract %get3A_5[0, 0] : f32 from vector<1x1xf32>
    %get3A_7 = arith.constant 0 : index
    %get3A_8 = arith.constant 0 : index
    %get3A_9 = vector.load %arg2[%get3A_7, %get3A_8] : memref<3125x128xf32, #tpu.memory_space<vmem>>, vector<3125x128xf32>
    %get3A_10 = arith.constant 0 : index
    %get3A_11 = arith.constant 0 : index
    %get3A_12 = vector.load %arg3[%get3A_10, %get3A_11] : memref<3125x128xf32, #tpu.memory_space<vmem>>, vector<3125x128xf32>
    %mul3A = vector.broadcast %get3A_2 : f32 to vector<3125x128xf32>
    %mul3A_13 = arith.mulf %get3A_12, %mul3A : vector<3125x128xf32>
    %exp3A = math.exp %mul3A_13 : vector<3125x128xf32>
    %mul3A_14 = arith.mulf %get3A_9, %exp3A : vector<3125x128xf32>
    %swap3A = arith.constant 0 : index
    %swap3A_15 = arith.constant 0 : index
    %swap3A_16 = arith.constant 0 : index
    %swap3A_17 = vector.load %arg6[%swap3A, %swap3A_15, %swap3A_16] : memref<1x3125x128xf32, #tpu.memory_space<vmem>>, vector<1x3125x128xf32>
    %swap3A_18 = vector.shape_cast %swap3A_17 : vector<1x3125x128xf32> to vector<3125x128xf32>
    %swap3A_19 = vector.shape_cast %mul3A_14 : vector<3125x128xf32> to vector<1x3125x128xf32>
    tpu.vector_store %arg6[%swap3A, %swap3A_15, %swap3A_16], %swap3A_19 {strides = array<i32>} : memref<1x3125x128xf32, #tpu.memory_space<vmem>>, vector<1x3125x128xf32>,
    %get3A_20 = arith.constant 0 : index
    %get3A_21 = arith.constant 0 : index
    %get3A_22 = vector.load %arg4[%get3A_20, %get3A_21] : memref<3125x128xf32, #tpu.memory_space<vmem>>, vector<3125x128xf32>
    %get3A_23 = arith.constant 0 : index
    %get3A_24 = arith.constant 0 : index
    %get3A_25 = vector.load %arg5[%get3A_23, %get3A_24] : memref<3125x128xf32, #tpu.memory_space<vmem>>, vector<3125x128xf32>
    %mul3A_26 = vector.broadcast %get3A_2 : f32 to vector<3125x128xf32>
    %mul3A_27 = arith.mulf %get3A_25, %mul3A_26 : vector<3125x128xf32>
    %exp3A_28 = math.exp %mul3A_27 : vector<3125x128xf32>
    %mul3A_29 = arith.mulf %get3A_22, %exp3A_28 : vector<3125x128xf32>
    %mul3A_30 = vector.broadcast %get3A_6 : f32 to vector<3125x128xf32>
    %mul3A_31 = arith.mulf %mul3A_29, %mul3A_30 : vector<3125x128xf32>
    %swap3A_32 = arith.constant 0 : index
    %swap3A_33 = arith.constant 0 : index
    %swap3A_34 = arith.constant 0 : index
    %swap3A_35 = vector.load %arg7[%swap3A_32, %swap3A_33, %swap3A_34] : memref<1x3125x128xf32, #tpu.memory_space<vmem>>, vector<1x3125x128xf32>
    %swap3A_36 = vector.shape_cast %swap3A_35 : vector<1x3125x128xf32> to vector<3125x128xf32>
    %swap3A_37 = vector.shape_cast %mul3A_31 : vector<3125x128xf32> to vector<1x3125x128xf32>
    tpu.vector_store %arg7[%swap3A_32, %swap3A_33, %swap3A_34], %swap3A_37 {strides = array<i32>} : memref<1x3125x128xf32, #tpu.memory_space<vmem>>, vector<1x3125x128xf32>,
    return
  }
  func.func @transform_0(%arg0: i32) -> (i32, i32) {
    %c0_i32 = arith.constant 0 : i32
    %c0_i32_0 = arith.constant 0 : i32
    %c0_i32_1 = arith.constant 0 : i32
    return %c0_i32, %c0_i32_0 : i32, i32
  }
  func.func @transform_1(%arg0: i32) -> (i32, i32) {
    %c0_i32 = arith.constant 0 : i32
    %c0_i32_0 = arith.constant 0 : i32
    %c0_i32_1 = arith.constant 0 : i32
    return %c0_i32, %c0_i32_0 : i32, i32
  }
  func.func @transform_2(%arg0: i32) -> (i32, i32) {
    %c0_i32 = arith.constant 0 : i32
    %c0_i32_0 = arith.constant 0 : i32
    %c0_i32_1 = arith.constant 0 : i32
    return %c0_i32, %c0_i32_0 : i32, i32
  }
  func.func @transform_3(%arg0: i32) -> (i32, i32) {
    %c0_i32 = arith.constant 0 : i32
    %c0_i32_0 = arith.constant 0 : i32
    %c0_i32_1 = arith.constant 0 : i32
    return %c0_i32, %c0_i32_0 : i32, i32
  }
  func.func @transform_4(%arg0: i32) -> (i32, i32) {
    %c0_i32 = arith.constant 0 : i32
    %c0_i32_0 = arith.constant 0 : i32
    %c0_i32_1 = arith.constant 0 : i32
    return %c0_i32, %c0_i32_0 : i32, i32
  }
  func.func @transform_5(%arg0: i32) -> (i32, i32, i32) {
    %c0_i32 = arith.constant 0 : i32
    %c0_i32_0 = arith.constant 0 : i32
    %c0_i32_1 = arith.constant 0 : i32
    return %arg0, %c0_i32, %c0_i32_0 : i32, i32, i32
  }
  func.func @transform_6(%arg0: i32) -> (i32, i32, i32) {
    %c0_i32 = arith.constant 0 : i32
    %c0_i32_0 = arith.constant 0 : i32
    %c0_i32_1 = arith.constant 0 : i32
    return %arg0, %c0_i32, %c0_i32_0 : i32, i32, i32
  }
}

module attributes {stable_mosaic.version = 14 : i64} {
  func.func @_tc_combine_body(%arg0: i32, %arg1: memref<1x4x2x16xf32, #tpu.memory_space<vmem>>, %arg2: memref<1x4x224x256xf32, #tpu.memory_space<vmem>>, %arg3: memref<1x224x256xf32, #tpu.memory_space<vmem>>) attributes {dimension_semantics = [#tpu.dimension_semantics<arbitrary>], iteration_bounds = array<i64: 8>, scalar_prefetch = 0 : i64, scratch_operands = 0 : i64, tpu.core_type = #tpu.core_type<tc>, window_params = [{transform_indices = @transform_0, window_bounds = array<i64: 1, 4, 2, 16>}, {transform_indices = @transform_1, window_bounds = array<i64: 1, 4, 224, 256>}, {transform_indices = @transform_2, window_bounds = array<i64: 1, 224, 256>}]} {
    %get3A = arith.constant 0 : index
    %get3A_0 = arith.constant 0 : index
    %get3A_1 = arith.constant 0 : index
    %get3A_2 = arith.constant 0 : index
    %get3A_3 = vector.load %arg1[%get3A, %get3A_0, %get3A_1, %get3A_2] : memref<1x4x2x16xf32, #tpu.memory_space<vmem>>, vector<1x4x2x16xf32>
    %get3A_4 = vector.shape_cast %get3A_3 : vector<1x4x2x16xf32> to vector<4x2x16xf32>
    %slice3A = vector.extract_strided_slice %get3A_4 {offsets = [0, 0, 0], sizes = [1, 1, 16], strides = [1, 1, 1]} : vector<4x2x16xf32> to vector<1x1x16xf32>
    %squeeze3A = vector.shape_cast %slice3A : vector<1x1x16xf32> to vector<16xf32>
    %reduce_sum3A = vector.shape_cast %squeeze3A : vector<16xf32> to vector<1x16xf32>
    %reduce_sum3A_5 = arith.constant dense<0.000000e+00> : vector<1xf32>
    %reduce_sum3A_6 = vector.multi_reduction <add>, %reduce_sum3A, %reduce_sum3A_5 [1] : vector<1x16xf32> to vector<1xf32>
    %reduce_sum3A_7 = vector.shape_cast %reduce_sum3A_6 : vector<1xf32> to vector<1x1xf32>
    %reduce_sum3A_8 = vector.extract %reduce_sum3A_7[0, 0] : f32 from vector<1x1xf32>
    %slice3A_9 = vector.extract_strided_slice %get3A_4 {offsets = [0, 1, 0], sizes = [1, 1, 16], strides = [1, 1, 1]} : vector<4x2x16xf32> to vector<1x1x16xf32>
    %squeeze3A_10 = vector.shape_cast %slice3A_9 : vector<1x1x16xf32> to vector<16xf32>
    %reduce_sum3A_11 = vector.shape_cast %squeeze3A_10 : vector<16xf32> to vector<1x16xf32>
    %reduce_sum3A_12 = arith.constant dense<0.000000e+00> : vector<1xf32>
    %reduce_sum3A_13 = vector.multi_reduction <add>, %reduce_sum3A_11, %reduce_sum3A_12 [1] : vector<1x16xf32> to vector<1xf32>
    %reduce_sum3A_14 = vector.shape_cast %reduce_sum3A_13 : vector<1xf32> to vector<1x1xf32>
    %reduce_sum3A_15 = vector.extract %reduce_sum3A_14[0, 0] : f32 from vector<1x1xf32>
    %get3A_16 = arith.constant 0 : index
    %get3A_17 = arith.constant 0 : index
    %get3A_18 = arith.constant 0 : index
    %get3A_19 = arith.constant 0 : index
    %get3A_20 = vector.load %arg2[%get3A_16, %get3A_17, %get3A_18, %get3A_19] : memref<1x4x224x256xf32, #tpu.memory_space<vmem>>, vector<1x4x224x256xf32>
    %get3A_21 = vector.shape_cast %get3A_20 : vector<1x4x224x256xf32> to vector<4x224x256xf32>
    %reduce_sum3A_22 = arith.constant dense<0.000000e+00> : vector<224x256xf32>
    %reduce_sum3A_23 = vector.multi_reduction <add>, %get3A_21, %reduce_sum3A_22 [0] : vector<4x224x256xf32> to vector<224x256xf32>
    %iota3A = tpu.iota {dimensions = array<i32: 0>} : vector<224x256xi32>
    %mul3A = arith.constant 256 : i32
    %mul3A_24 = vector.broadcast %mul3A : i32 to vector<224x256xi32>
    %mul3A_25 = arith.muli %iota3A, %mul3A_24 : vector<224x256xi32>
    %iota3A_26 = tpu.iota {dimensions = array<i32: 1>} : vector<224x256xi32>
    %add3A = arith.addi %mul3A_25, %iota3A_26 : vector<224x256xi32>
    %ge3A = arith.constant 25000 : i32
    %ge3A_27 = vector.broadcast %ge3A : i32 to vector<224x256xi32>
    %ge3A_28 = arith.cmpi sge, %add3A, %ge3A_27 : vector<224x256xi32>
    %lt3A = arith.constant 37500 : i32
    %lt3A_29 = vector.broadcast %lt3A : i32 to vector<224x256xi32>
    %lt3A_30 = arith.cmpi slt, %add3A, %lt3A_29 : vector<224x256xi32>
    %and3A = arith.andi %ge3A_28, %lt3A_30 : vector<224x256xi1>
    %jit3A = arith.constant 0.000000e+00 : f32
    %broadcast_in_dim3A = vector.broadcast %jit3A : f32 to vector<224x256xf32>
    %select_n3A = arith.select %and3A, %reduce_sum3A_23, %broadcast_in_dim3A : vector<224x256xi1>, vector<224x256xf32>
    %reduce_sum3A_31 = vector.shape_cast %select_n3A : vector<224x256xf32> to vector<1x224x256xf32>
    %reduce_sum3A_32 = arith.constant dense<0.000000e+00> : vector<1xf32>
    %reduce_sum3A_33 = vector.multi_reduction <add>, %reduce_sum3A_31, %reduce_sum3A_32 [1, 2] : vector<1x224x256xf32> to vector<1xf32>
    %reduce_sum3A_34 = vector.shape_cast %reduce_sum3A_33 : vector<1xf32> to vector<1x1x1xf32>
    %reduce_sum3A_35 = vector.extract %reduce_sum3A_34[0, 0, 0] : f32 from vector<1x1x1xf32>
    %mul3A_36 = arith.constant 1.000000e+06 : f32
    %mul3A_37 = arith.mulf %reduce_sum3A_35, %mul3A_36 : f32
    %add3A_38 = arith.addf %reduce_sum3A_8, %reduce_sum3A_15 : f32
    %mul3A_39 = arith.constant 1.000000e+06 : f32
    %mul3A_40 = arith.mulf %mul3A_39, %add3A_38 : f32
    %add3A_41 = arith.constant 1.000000e-30 : f32
    %add3A_42 = arith.addf %mul3A_40, %add3A_41 : f32
    %div3A = arith.constant 2.000000e+00 : f32
    %div3A_43 = arith.divf %div3A, %add3A_42 : f32
    %min3A = arith.constant 1.000000e+00 : f32
    %min3A_44 = arith.minimumf %div3A_43, %min3A : f32
    %neg3A = arith.constant 0.000000e+00 : f32
    %neg3A_45 = arith.subf %neg3A, %mul3A_37 : f32
    %exp3A = math.exp %neg3A_45 : f32
    %add3A_46 = arith.constant 1.000000e+00 : f32
    %add3A_47 = arith.addf %add3A_46, %exp3A : f32
    %div3A_48 = arith.divf %min3A_44, %add3A_47 : f32
    %mul3A_49 = vector.broadcast %div3A_48 : f32 to vector<224x256xf32>
    %mul3A_50 = arith.mulf %mul3A_49, %reduce_sum3A_23 : vector<224x256xf32>
    %swap3A = arith.constant 0 : index
    %swap3A_51 = arith.constant 0 : index
    %swap3A_52 = arith.constant 0 : index
    %swap3A_53 = vector.load %arg3[%swap3A, %swap3A_51, %swap3A_52] : memref<1x224x256xf32, #tpu.memory_space<vmem>>, vector<1x224x256xf32>
    %swap3A_54 = vector.shape_cast %swap3A_53 : vector<1x224x256xf32> to vector<224x256xf32>
    %swap3A_55 = vector.shape_cast %mul3A_50 : vector<224x256xf32> to vector<1x224x256xf32>
    tpu.vector_store %arg3[%swap3A, %swap3A_51, %swap3A_52], %swap3A_55 {strides = array<i32>} : memref<1x224x256xf32, #tpu.memory_space<vmem>>, vector<1x224x256xf32>,
    return
  }
  func.func @transform_0(%arg0: i32) -> (i32, i32, i32, i32) {
    %c0_i32 = arith.constant 0 : i32
    %c0_i32_0 = arith.constant 0 : i32
    %c0_i32_1 = arith.constant 0 : i32
    %c0_i32_2 = arith.constant 0 : i32
    return %arg0, %c0_i32, %c0_i32_0, %c0_i32_1 : i32, i32, i32, i32
  }
  func.func @transform_1(%arg0: i32) -> (i32, i32, i32, i32) {
    %c0_i32 = arith.constant 0 : i32
    %c0_i32_0 = arith.constant 0 : i32
    %c0_i32_1 = arith.constant 0 : i32
    %c0_i32_2 = arith.constant 0 : i32
    return %arg0, %c0_i32, %c0_i32_0, %c0_i32_1 : i32, i32, i32, i32
  }
  func.func @transform_2(%arg0: i32) -> (i32, i32, i32) {
    %c0_i32 = arith.constant 0 : i32
    %c0_i32_0 = arith.constant 0 : i32
    %c0_i32_1 = arith.constant 0 : i32
    return %arg0, %c0_i32, %c0_i32_0 : i32, i32, i32
  }
}

</mosaic_0001>

<sc_bundles>
// kernel: kernel.5.cloned.1.call-start
scs
__scs_entry_jumppad:
0x0: {  	(pc) =	sbr.rel $0x88, $3  }
0x1: {  	(tag) =	ssettag $0x0;
	lr =	simm.s32 $0x1  }
0x2: {  	[smem:$0x3F96] =	sst lr;
	_ =	strace $0xD0000000  }
0x3: {  	_ = 	snop  }
0x4: {  	_ = 	snop  }
0x5: {  	_ = 	snop  }
0x6: {  	_ = 	snop  }
0x7: {  	_ = 	snop  }
__scs_overlays_trampoline_lowered:
0x8: {  	[smem:$0x3FA5] =	sst s0  }
0x9: {  	[smem:$0x3FA6] =	sst s1  }
0xa: {  	[smem:$0x3FA7] =	sst s2  }
0xb: {  	[smem:$0x3FA8] =	sst s3  }
0xc: {  	[smem:$0x3FA9] =	sst s4  }
0xd: {  	[smem:$0x3FAA] =	sst s5  }
0xe: {  	[smem:$0x3FAB] =	sst s6  }
0xf: {  	[smem:$0x3FAC] =	sst s7  }
0x10: {  	[smem:$0x3FAD] =	sst s8  }
0x11: {  	[smem:$0x3FAE] =	sst s9;
	s0 =	simm.s32 @!p0 $0x0  }
0x12: {  	s1 =	sld [smem:$0x3F94];
	s0 =	simm.s32 @p0 $0x1  }
0x13: {  	[smem:$0x3FAF] =	sst s0;
	s0 =	simm.s32 @!p1 $0x0  }
0x14: {  	s2 =	sld [smem:$0x3F93];
	s0 =	simm.s32 @p1 $0x1  }
0x15: {  	[smem:$0x3FB0] =	sst s0;
	s0 =	simm.s32 @!p2 $0x0  }
0x16: {  	s3 =	sld [smem:$0x3FDB];
	s0 =	simm.s32 @p2 $0x1  }
0x17: {  	s4 =	simm.s32 $0x1BF5;
	[smem:$0x3FB2] =	sst s0  }
0x18: {  	s0 =	sld [smem:$0x3F95];
	_ =	swait.ge [sflag:s4], $0x0  }
0x19: {  	s7 =	sld [smem:$0x3F96]  }
0x1a: {  	s8 =	sadd.s32 $0xFFFFE003, lr  }
0x1b: {  	s9 =	sadd.s32 $0xFFFFFEF7, lr;
	s5 =	simm.s32 $0xFFFFFFFF;
	p2 =	slt.u32 s8, $0xFFFFF086  }
0x1c: {  	p1 =	slt.u32 s9, $0xF7A;
	s5 =	simm.s32 @!p2 $0x0  }
0x1d: {  	s5 =	simm.s32 @p1 $0x1;
	p0 =	seq.s32 s7, s2  }
0x1e: {  	s7 =	smul.u32 @!p0 $0xF7A, s2;
	p2 =	seq.s32 @!p0 s5, $0x0  }
0x1f: {  	s9 =	smul.u32 $0xF7A, s1;
	s8 =	simm.s32 @!p0 $0x1BF5;
	p2 =	por !p2, p0  }
0x20: {  	[sflag:s8] =	ssyncset.s32 @!p0 $0xFFFFF086;
	s6 =	sadd.s32 @!p0 s3, s7;
	s7 =	simm.s32 @!p0 $0x108  }
0x21: {  	s3 =	sadd.s32 s3, s9;
	s6 =	sadd.s32 @!p0 $0x88, s6;
	s7 =	simm.s32 @p2 $0x1082  }
0x22: {  	[simem:s7], [sflag:s8] =	dma.local @!p0 [hbm:s6], $0xF7A  }
0x23: {  	s9 =	sor.u32 $0xD0000000, s2;
	s6 =	simm.s32 $0x108;
	_ =	swait.ge @!p0 [sflag:s8], $0x0  }
0x24: {  	s3 =	sadd.s32 $0x88, s3;
	s6 =	simm.s32 @!p1 $0x1082;
	[sflag:s4] =	ssyncset.s32 $0xFFFFF086  }
0x25: {  	[simem:s6], [sflag:s4] =	dma.local [hbm:s3], $0xF7A  }
0x26: {  	[smem:$0x3F96] =	sst s1;
	(tag) =	ssettag s2;
	_ =	strace s9  }
0x27: {  	s1 =	sld [smem:$0x3FA6]  }
0x28: {  	s2 =	sld [smem:$0x3FA7]  }
0x29: {  	s4 =	sld [smem:$0x3FA9]  }
0x2a: {  	p0 =	seq.s32 s5, $0x0;
	s5 =	sld [smem:$0x3FAA]  }
0x2b: {  	s6 =	sld [smem:$0x3FAB]  }
0x2c: {  	s7 =	sld [smem:$0x3FAC]  }
0x2d: {  	s3 =	simm.s32 $0x108;
	s8 =	sld [smem:$0x3FAD]  }
0x2e: {  	s3 =	simm.s32 @!p0 $0x1082;
	s9 =	sld [smem:$0x3FAE]  }
0x2f: {  	lr =	sadd.s32 s0, s3;
	s0 =	sld [smem:$0x3FA5]  }
0x30: {  	s3 =	sld [smem:$0x3FA8]  }
0x31: {  	[smem:$0x3FB1] =	sst s10  }
0x32: {  	s10 =	sld [smem:$0x3FAF];
	_ =	sdelay $0x3  }
0x33: {  	p0 =	seq.s32 s10, $0x1;
	s10 =	sld [smem:$0x3FB1];
	_ =	sdelay $0x3  }
0x34: {  	[smem:$0x3FB1] =	sst s10  }
0x35: {  	s10 =	sld [smem:$0x3FB0];
	_ =	sdelay $0x3  }
0x36: {  	p1 =	seq.s32 s10, $0x1;
	s10 =	sld [smem:$0x3FB1];
	_ =	sdelay $0x3  }
0x37: {  	[smem:$0x3FB1] =	sst s10  }
0x38: {  	s10 =	sld [smem:$0x3FB2]  }
0x39: {  	_ = 	snop;
	(pc) =	sbr.ind lr, $3  }
0x3a: {  	_ = 	snop  }
0x3b: {  	_ = 	snop  }
0x3c: {  	p2 =	seq.s32 s10, $0x1;
	s10 =	sld [smem:$0x3FB1]  }
0x3d: {  	_ =	shalt  }
0x3e: {  	_ =	shalt  }
0x3f: {  	_ =	shalt  }
0x40: {  	_ =	shalt  }
0x41: {  	_ =	shalt  }
0x42: {  	_ =	shalt  }
0x43: {  	_ =	shalt  }
0x44: {  	_ =	shalt  }
0x45: {  	_ =	shalt  }
0x46: {  	_ =	shalt  }
0x47: {  	_ =	shalt  }
0x48: {  	_ =	shalt  }
0x49: {  	_ =	shalt  }
0x4a: {  	_ =	shalt  }
0x4b: {  	_ =	shalt  }
0x4c: {  	_ =	shalt  }
0x4d: {  	_ =	shalt  }
0x4e: {  	_ =	shalt  }
0x4f: {  	_ =	shalt  }
0x50: {  	_ =	shalt  }
0x51: {  	_ =	shalt  }
0x52: {  	_ =	shalt  }
0x53: {  	_ =	shalt  }
0x54: {  	_ =	shalt  }
0x55: {  	_ =	shalt  }
0x56: {  	_ =	shalt  }
0x57: {  	_ =	shalt  }
0x58: {  	_ =	shalt  }
0x59: {  	_ =	shalt  }
0x5a: {  	_ =	shalt  }
0x5b: {  	_ =	shalt  }
0x5c: {  	_ =	shalt  }
0x5d: {  	_ =	shalt  }
0x5e: {  	_ =	shalt  }
0x5f: {  	_ =	shalt  }
0x60: {  	_ =	shalt  }
0x61: {  	_ =	shalt  }
0x62: {  	_ =	shalt  }
0x63: {  	_ =	shalt  }
0x64: {  	_ =	shalt  }
0x65: {  	_ =	shalt  }
0x66: {  	_ =	shalt  }
0x67: {  	_ =	shalt  }
0x68: {  	_ =	shalt  }
0x69: {  	_ =	shalt  }
0x6a: {  	_ =	shalt  }
0x6b: {  	_ =	shalt  }
0x6c: {  	_ =	shalt  }
0x6d: {  	_ =	shalt  }
0x6e: {  	_ =	shalt  }
0x6f: {  	_ =	shalt  }
0x70: {  	_ =	shalt  }
0x71: {  	_ =	shalt  }
0x72: {  	_ =	shalt  }
0x73: {  	_ =	shalt  }
0x74: {  	_ =	shalt  }
0x75: {  	_ =	shalt  }
0x76: {  	_ =	shalt  }
0x77: {  	_ =	shalt  }
0x78: {  	_ =	shalt  }
0x79: {  	_ =	shalt  }
0x7a: {  	_ =	shalt  }
0x7b: {  	_ =	shalt  }
0x7c: {  	_ =	shalt  }
0x7d: {  	_ =	shalt  }
0x7e: {  	_ =	shalt  }
0x7f: {  	_ =	shalt  }
0x80: {  	_ =	shalt  }
0x81: {  	_ =	shalt  }
0x82: {  	_ =	shalt  }
0x83: {  	_ =	shalt  }
0x84: {  	_ =	shalt  }
0x85: {  	_ =	shalt  }
0x86: {  	_ =	shalt  }
0x87: {  	_ =	shalt  }
.Lfunc_end0:
.L_simem_size_0:
called_computation_lowered:
.L_overlay_start_0:
0x88: {  	s2 =	sld [smem:$0x3FD9]  }
0x89: {  	s3 =	sld [smem:$0x3FFE];
	_ =	sdelay $0x1  }
0x8a: {  	s1 =	srdreg.scid  }
0x8b: {  	s0 =	sand.u32 $0x1, s1  }
0x8c: {  	s17 =	sshll.u32 s0, $0xA;
	s2 =	sadd.s32 s3, s2  }
0x8d: {  	s2 =	sadd.s32 s2, s17  }
0x8e: {  	[smem:$0x3FBD] =	sst s2  }
0x8f: {  	_ = 	snop  }
0x90: {  	s2 =	sld [smem:$0x3FC8]  }
0x91: {  	s18 =	sld [smem:$0x3FC7]  }
0x92: {  	s4 =	sld [smem:$0x3FC6]  }
0x93: {  	s5 =	sld [smem:$0x3FC5]  }
0x94: {  	s6 =	sld [smem:$0x3FC4]  }
0x95: {  	s7 =	sld [smem:$0x3FC3]  }
0x96: {  	s8 =	sld [smem:$0x3FD0];
	(tm) =	ssettm $0x1  }
0x97: {  	s9 =	sld [smem:$0x3FFB];
	_ =	sdelay $0x3  }
0x98: {  	_ =	strace s9  }
0x99: {  	s9 =	sld [smem:$0x3FFC];
	_ =	sdelay $0x3  }
0x9a: {  	_ =	strace s9  }
0x9b: {  	s9 =	sld [smem:$0x3FFD];
	_ =	sdelay $0x3  }
0x9c: {  	_ =	strace s9  }
0x9d: {  	_ =	strace $0x8FFFFFFF  }
0x9e: {  	s19 =	sld [smem:$0x3FDB];
	_ =	sdelay $0x1  }
0x9f: {  	s10 =	simm.s32 $_scs_section_size  }
0xa0: {  	s11 =	simm.s32 $_size__tile_overlayer_lowered;
	s12 =	simm.s32 $_tile_overlayer_lowered  }
0xa1: {  	s22 =	simm.s32 $0x1BFF;
	s21 =	sshll.u32 s12, $0x1;
	s9 =	sadd.s32 s10, s19  }
0xa2: {  	s13 =	simm.s32 $0x0;
	s20 =	sshll.u32 s11, $0x1;
	s11 =	sadd.s32 s21, s9  }
0xa3: {  	[timem:s13], [sflag:s22] =	dma.local [hbm:s11], s20  }
0xa4: {  	_ =	swait.ge [sflag:s22], s20  }
0xa5: {  	s10 =	ssub.s32 $0x0, s20;
	[sflag:s22] =	ssyncset.done $0x0  }
0xa6: {  	[sflag:s22] =	ssyncadd.s32 s10;
	_ =	sdelay $0x1  }
0xa7: {  	s23 =	simm.s32 $0x1B8B  }
0xa8: {  	_ =	swait.ge [sflag:s23], $0x1  }
0xa9: {  	[sflag:s23] =	ssyncset.done $0x0  }
0xaa: {  	s25 =	simm.s32 $0x1B8E;
	s24 =	sld [smem:$0x3FFE];
	[sflag:s23] =	ssyncadd.s32 $0xFFFFFFFF  }
0xab: {  	s26 =	simm.s32 $execute0_lowered;
	[smem:$0x3FD2] =	sst s25  }
0xac: {  	s11 =	sshll.u32 s26, $0x1;
	_ =	strace $0x80000046;
	[dreg:$0x1] =	wrdreg $0xFFFFFFFF  }
0xad: {  	s28 =	simm.s32 $_size_execute0_lowered;
	s9 =	sadd.s32 s9, s11;
	[dreg:$0x0] =	wrdreg $0x0  }
0xae: {  	s11 =	sshll.u32 s28, $0x1;
	[dreg:$0x2] =	wrdreg s9  }
0xaf: {  	[dreg:$0x3] =	wrdreg s11  }
0xb0: {  	[dreg:$0x4] =	wrdreg $0xC0  }
0xb1: {  	_ =	task [dreg:s13], $0x5FFFF  }
0xb2: {  	[dreg:$0x1] =	wrdreg $0xFFFFFFFF  }
0xb3: {  	[dreg:$0x0] =	wrdreg $0x60  }
0xb4: {  	[dreg:$0x2] =	wrdreg s2  }
0xb5: {  	[dreg:$0x3] =	wrdreg s18  }
0xb6: {  	[dreg:$0x4] =	wrdreg s4  }
0xb7: {  	[dreg:$0x5] =	wrdreg s24  }
0xb8: {  	[dreg:$0x6] =	wrdreg s5  }
0xb9: {  	[dreg:$0x7] =	wrdreg s6  }
0xba: {  	[dreg:$0x8] =	wrdreg s7  }
0xbb: {  	[dreg:$0x9] =	wrdreg s8  }
0xbc: {  	[dreg:$0xa] =	wrdreg $0x9  }
0xbd: {  	_ =	task.clear_ibuf [dreg:s13], $0xBFFFF;
	_ =	strace $0x90000046  }
0xbe: {  	s29 =	simm.s32 $0x9;
	_ =	strace $0x80000048  }
0xbf: {  	_ =	swait.ge [sflag:s29], $0x1  }
0xc0: {  	[sflag:s29] =	ssyncadd.s32 $0xFFFFFFFF  }
0xc1: {  	_ =	strace $0x90000048  }
0xc2: {  	_ =	sfence  }
0xc3: {  	s30 =	sld [smem:$0x0];
	_ =	sdelay $0x2  }
0xc4: {  	s31 =	sshll.u32 s1, $0xD;
	s1 =	sshrl.u32 s1, $0x2  }
0xc5: {  	s3 =	sand.u32 $0x4000, s31;
	s1 =	sadd.s32 s1, s30  }
0xc6: {  	s0 =	sor.u32 s3, s0;
	s1 =	sshll.u32 s1, $0x11  }
0xc7: {  	s0 =	sor.u32 s1, s0  }
0xc8: {  	s0 =	sadd.s32 $0x8F2B, s0  }
0xc9: {  	[sflag:s0] =	ssyncadd.remote.s32 $0x1  }
0xca: {  	_ =	sfence.sel $0xFFFF  }
0xcb: {  	[dreg:$0x0] =	wrdreg $0xFFFFFFFF;
	(pc) =	sbr.abs _section_cstart, $3  }
0xcc: {  	[dreg:$0x1] =	wrdreg $0xFFFFFFFF  }
0xcd: {  	_ =	task.clear_ibuf [dreg:s13], $0x2FFFF;
	_ =	strace $0x9FFFFFFF  }
0xce: {  	(tm) =	ssettm $0x7FFFFFFF  }
0xcf: {  	_ =	shalt  }
tec
execute0_lowered:
.L_overlay_start_1:
0x0: {  	(tag) =	ssettag $0x1  }
0x1: {  	s2 =	rddreg [dreg:$0x0]  }
0x2: {  	s0 =	rddreg [dreg:$0x1]  }
0x3: {  	s1 =	rddreg [dreg:$0x2]  }
0x4: {  	s6 =	rddreg [dreg:$0x3]  }
0x5: {  	s3 =	rddreg [dreg:$0x4]  }
0x6: {  	s4 =	rddreg [dreg:$0x5]  }
0x7: {  	s5 =	rddreg [dreg:$0x6]  }
0x8: {  	s11 =	rddreg [dreg:$0x7]  }
0x9: {  	s7 =	srdreg.scid;
	s15 =	stileid.u32;
	s28 =	simm.s32 $0x1A380  }
0xa: {  	s29 =	simm.s32 $0x1AB80;
	s30 =	simm.s32 $0x1BB80;
	s31 =	simm.s32 $0x1C380  }
0xb: {  	s9 =	sand.u32 $0x1, s7;
	s7 =	simm.s32 $0x0;
	s14 =	sshrl.u32 s15, $0x2  }
0xc: {  	s8 =	sshll.u32 s9, $0x4;
	[smem:$0x7FF] =	sst s7;
	s10 =	sshll.u32 s9, $0x2  }
0xd: {  	s16 =	ssub.s32 $0x2, s9;
	s9 =	sadd.s32 $0x1A00, s6;
	s12 =	sor.u32 s15, s8  }
0xe: {  	_ =	strace $0x80000047;
	s8 =	sadd.s32 $0x63600, s6;
	s15 =	sand.u32 $0x3, s15  }
0xf: {  	s14 =	sor.u32 s14, s10;
	s25 =	sshrl.u32 s16, $0x1;
	s13 =	smul.u32 $0x1C00, s12  }
0x10: {  	s10 =	smul.u32 $0x61A80, s14;
	s14 =	sshll.u32 s14, $0x4;
	s12 =	sshll.u32 s12, $0x5  }
0x11: {  	s17 =	smul.u32 $0x186A0, s15;
	s2 =	sadd.s32 s2, s14;
	s24 =	sadd.s32 s11, s12  }
0x12: {  	s11 =	simm.s32 $0x2;
	s12 =	simm.s32 $0x1B380;
	s6 =	sadd.s32 s13, s6  }
0x13: {  	s13 =	ssub.s32 s16, s25;
	[dreg:$0x9] =	wrdreg s2;
	s26 =	sshrl.u32 s17, $0x3  }
0x14: {  	s16 =	sadd.s32 s17, s10;
	[dreg:$0x11] =	wrdreg s24;
	s18 =	sadd.s32 s0, s26  }
0x15: {  	s15 =	sadd.s32 $0x7D0, s17;
	s19 =	sadd.s32 s1, s26;
	[dreg:$0xa] =	wrdreg s18  }
0x16: {  	s24 =	simm.s32 $0x1;
	s21 =	sadd.s32 s3, s26;
	[dreg:$0xb] =	wrdreg s19  }
0x17: {  	s14 =	sshrl.u32 s16, $0x3;
	s22 =	sadd.s32 s4, s26;
	[dreg:$0xd] =	wrdreg s21  }
0x18: {  	s16 =	sadd.s32 $0xFA0, s17;
	s2 =	sadd.s32 s5, s26;
	[dreg:$0xe] =	wrdreg s22  }
0x19: {  	s25 =	sadd.s32 $0xC5200, s6;
	s26 =	smax.u32 s13, $0x1;
	[dreg:$0xf] =	wrdreg s2  }
0x1a: {  	s6 =	simm.s32 $0x1DB80;
	s13 =	simm.s32 $0x1D380;
	[dreg:$0x12] =	wrdreg s25  }
0x1b: {  	s20 =	sadd.s32 s8, s14;
	s23 =	sadd.s32 s9, s14;
	[dreg:$0x13] =	wrdreg s26  }
0x1c: {  	s2 =	simm.s32 $0x1CB80;
	s25 =	simm.s32 $0xC380;
	[dreg:$0xc] =	wrdreg s20  }
0x1d: {  	v0 =	vimm.f32 $0.0e+00;
	s14 =	simm.s32 $0x0;
	[dreg:$0x10] =	wrdreg s23;
	s23 =	simm.s32 $0x3  }
.LBB2_1:
0x1e: {  	s17 =	simm.s32 $0x0  }
0x1f: {  	s18 =	sand.u32 $0x400, s7;
	s19 =	simm.s32 $0x0;
	s17 =	sand.u32 $0xF800, s17  }
0x20: {  	s19 =	sand.u32 $0x380, s19;
	s17 =	sor.u32 s18, s17  }
0x21: {  	s17 =	sor.u32 s19, s17  }
0x22: {  	[tilespmem:s17+$0xC3F0] =	vst v0  }
0x23: {  	[tilespmem:s17+$0xC380] =	vst v0  }
0x24: {  	s18 =	simm.s32 $0x0;
	s19 =	simm.s32 $0x0;
	[tilespmem:s17+$0xC390] =	vst v0  }
.LBB2_2:
0x25: {  	s18 =	sadd.s32 $0x8, s18;
	[tilespmem:s17+$0xC3A0] =	vst v0  }
0x26: {  	s19 =	sadd.s32 $0x400, s19;
	s20 =	sshll.u32 s18, $0x4;
	p0 =	slt.u32 s18, $0xDF8;
	[tilespmem:s17+$0xC3B0] =	vst v0  }
0x27: {  	s21 =	sand.u32 $0x400, s19;
	s22 =	sshll.u32 s18, $0x3;
	s20 =	sand.u32 $0xF800, s20;
	[tilespmem:s17+$0xC3C0] =	vst v0  }
.Ltmp0:
0x28: {  	s22 =	sand.u32 $0x380, s22;
	s20 =	sor.u32 s21, s20;
	[tilespmem:s17+$0xC3D0] =	vst v0;
	(pc) =	sbr.rel @p0 .LBB2_2-.Ltmp0, $4  }
0x29: {  	[tilespmem:s17+$0xC3E0] =	vst v0;
	s17 =	sor.u32 s22, s20  }
0x2a: {  	[tilespmem:s17+$0xC3F0] =	vst v0  }
0x2b: {  	[tilespmem:s17+$0xC380] =	vst v0  }
0x2c: {  	[tilespmem:s17+$0xC390] =	vst v0  }
0x2d: {  	[tilespmem:s17+$0xC3A0] =	vst v0  }
0x2e: {  	[tilespmem:s17+$0xC3B0] =	vst v0  }
0x2f: {  	[tilespmem:s17+$0xC3C0] =	vst v0  }
0x30: {  	[tilespmem:s17+$0xC3D0] =	vst v0  }
0x31: {  	[tilespmem:s17+$0xC3E0] =	vst v0;
	s17 =	simm.s32 $0x0  }
0x32: {  	s18 =	rddreg [dreg:$0x9];
	s19 =	simm.s32 $0x80;
	s20 =	simm.s32 $0x400  }
0x33: {  	[tilespmem:s17], [sflag:$0x3] =	stream.strided.gather [hbm4b:s18+s19], $0xC380, s20, s19, $0x38;
	[tilespmem:$0x1E480] =	vst v63  }
0x34: {  	_ =	swait.ge [sflag:s23], $0xC380  }
0x35: {  	[sflag:s23] =	ssyncset.done $0x0  }
0x36: {  	s22 =	rddreg [dreg:$0xa];
	[sflag:s23] =	ssyncadd.s32 $0xFFFF3C80  }
0x37: {  	[tilespmem:s28], [sflag:$0x1] =	stream.linear.gather [hbm4b:s22+s17], $0x7D0, $0x38;
	[tilespmem:$0x1E480] =	vst v63  }
0x38: {  	s23 =	rddreg [dreg:$0xb]  }
0x39: {  	[tilespmem:s29], [sflag:$0x1] =	stream.linear.gather [hbm4b:s23+s17], $0x7D0, $0x38;
	[tilespmem:$0x1E480] =	vst v63  }
0x3a: {  	s18 =	simm.s32 $0x0;
	s26 =	rddreg [dreg:$0xc]  }
0x3b: {  	[tilespmem:s30], [sflag:$0x1] =	stream.linear.gather [hbm4b:s26+s17], $0x7D0, $0x38;
	[tilespmem:$0x1E480] =	vst v63  }
.LBB2_4:
0x3c: {  	s19 =	smul.u32 $0xFA0, s18;
	_ =	sdelay $0x1  }
0x3d: {  	s19 =	sadd.s32 s19, s15  }
0x3e: {  	s20 =	sshrl.u32 s19, $0x3  }
0x3f: {  	s19 =	sadd.s32 s10, s19;
	s21 =	sadd.s32 s0, s20  }
0x40: {  	[tilespmem:s31], [sflag:$0x2] =	stream.linear.gather [hbm4b:s21+s7], $0x7D0, $0x38;
	[tilespmem:$0x1E480] =	vst v63  }
0x41: {  	s20 =	sadd.s32 s1, s20;
	s19 =	sshrl.u32 s19, $0x3  }
0x42: {  	[tilespmem:s2], [sflag:$0x2] =	stream.linear.gather [hbm4b:s20+s7], $0x7D0, $0x38;
	[tilespmem:$0x1E480] =	vst v63  }
0x43: {  	s19 =	sadd.s32 s8, s19  }
0x44: {  	[tilespmem:s6], [sflag:$0x2] =	stream.linear.gather [hbm4b:s19+s7], $0x7D0, $0x38;
	[tilespmem:$0x1E480] =	vst v63  }
0x45: {  	_ =	swait.ge [sflag:s24], $0x7D0  }
0x46: {  	[sflag:s24] =	ssyncset.done $0x0  }
0x47: {  	[sflag:s24] =	ssyncadd.s32 $0xFFFFF830  }
0x48: {  	_ =	swait.ge [sflag:s24], $0x7D0  }
0x49: {  	[sflag:s24] =	ssyncset.done $0x0  }
0x4a: {  	[sflag:s24] =	ssyncadd.s32 $0xFFFFF830  }
0x4b: {  	_ =	swait.ge [sflag:s24], $0x7D0  }
0x4c: {  	[sflag:s24] =	ssyncset.done $0x0  }
0x4d: {  	s19 =	simm.s32 $0x1ABC0;
	[sflag:s24] =	ssyncadd.s32 $0xFFFFF830  }
0x4e: {  	v2 =	vld [tilespmem:s19+$0xFFFFFFD0]  }
0x4f: {  	v5 =	vld [tilespmem:s19+$0x10]  }
0x50: {  	v7 =	vld [tilespmem:s19+$0x0]  }
0x51: {  	v6 =	vld [tilespmem:s19+$0xFFFFFFF0]  }
0x52: {  	s20 =	simm.s32 $0x1A3C0;
	v21 =	vld [tilespmem:s19+$0x30]  }
0x53: {  	v23 =	vld [tilespmem:s20+$0x30]  }
0x54: {  	v28 =	vld [tilespmem:s20+$0xFFFFFFF0]  }
0x55: {  	v31 =	vld [tilespmem:s20+$0xFFFFFFD0]  }
0x56: {  	v27 =	vld [tilespmem:s20+$0x10];
	v4 =	vshll.u32 v2, $0x3;
	v8 =	vand.u32 $0xFFFFF87F, v2;
	v9 =	vshrl.u32 v5, $0x1  }
0x57: {  	s26 =	simm.s32 $0x1BBC0;
	v3 =	vld [tilespmem:s19+$0xFFFFFFE0];
	v2 =	vshrl.u32 v2, $0x1;
	v18 =	vshll.u32 v6, $0x3;
	v19 =	vand.u32 $0xFFFFF87F, v6  }
0x58: {  	v14 =	vld [tilespmem:s26+$0x0];
	v20 =	vshll.u32 v7, $0x3;
	v22 =	vand.u32 $0xFFFFF87F, v7;
	v26 =	vshrl.u32 v7, $0x1  }
0x59: {  	v11 =	vld [tilespmem:s20+$0xFFFFFFC0];
	v29 =	vshll.u32 v21, $0x3;
	v30 =	vshrl.u32 v23, $0x1;
	v38 =	vshrl.u32 v28, $0x1  }
0x5a: {  	v12 =	vld [tilespmem:s26+$0x30];
	v41 =	vshll.u32 v28, $0x3;
	v44 =	vshll.u32 v31, $0x3;
	v45 =	vand.u32 $0xFFFFF87F, v31  }
0x5b: {  	v15 =	vld [tilespmem:s20+$0xFFFFFFE0];
	v46 =	vshrl.u32 v31, $0x1;
	v32 =	vshrl.u32 v27, $0x1;
	v4 =	vand.u32 $0x400, v4  }
0x5c: {  	v13 =	vld [tilespmem:s26+$0x20];
	v10 =	vand.u32 $0x380, v2;
	v2 =	vand.u32 $0x380, v9;
	v9 =	vshrl.u32 v3, $0x1  }
0x5d: {  	v16 =	vld [tilespmem:s26+$0xFFFFFFE0];
	v7 =	vand.u32 $0x400, v18;
	v18 =	vshll.u32 v23, $0x3;
	v8 =	vor.u32 v4, v8  }
0x5e: {  	v49 =	vld [tilespmem:s26+$0xFFFFFFD0];
	v38 =	vand.u32 $0x380, v38;
	v25 =	vor.u32 v10, v8;
	v8 =	vshll.u32 v3, $0x3  }
0x5f: {  	v63 =	vand.u32 $0x400, v44;
	v3 =	vand.u32 $0xFFFFF87F, v3;
	v34 =	vld.idx.msk [tilespmem:v23+s17+$0x0], $0xffff;
	v8 =	vand.u32 $0x400, v8  }
0x60: {  	v44 =	vand.u32 $0x400, v41;
	v9 =	vand.u32 $0x380, v9;
	v48 =	vld.idx.msk [tilespmem:v31+s17+$0x0], $0xffff;
	v3 =	vor.u32 v8, v3  }
0x61: {  	v4 =	vand.u32 $0xFFFFF87F, v5;
	v7 =	vor.u32 v7, v19;
	v36 =	vor.u32 v9, v3;
	v3 =	vld [tilespmem:s20+$0x20]  }
0x62: {  	v33 =	vand.u32 $0x400, v18;
	v18 =	vshll.u32 v27, $0x3;
	v9 =	vshll.u32 v5, $0x3;
	v5 =	vld [tilespmem:s20+$0x0]  }
0x63: {  	v10 =	vshrl.u32 v6, $0x1;
	v6 =	vshrl.u32 v11, $0x1;
	v18 =	vand.u32 $0x400, v18;
	v47 =	vld.idx.msk [tilespmem:v15+s17+$0x0], $0xffff  }
0x64: {  	v17 =	vld [tilespmem:s26+$0x10];
	v24 =	vand.u32 $0x380, v10;
	v10 =	vand.u32 $0xFFFFF87F, v11;
	v8 =	vshll.u32 v11, $0x3  }
0x65: {  	v39 =	vld.idx.msk [tilespmem:v27+s17+$0x0], $0xffff;
	v37 =	vor.u32 v24, v7;
	v24 =	vand.u32 $0xFFFFF87F, v27;
	v27 =	vand.u32 $0xFFFFF87F, v28  }
0x66: {  	v35 =	vld [tilespmem:s26+$0xFFFFFFF0];
	v8 =	vand.u32 $0x400, v8;
	v9 =	vand.u32 $0x400, v9;
	v62 =	vmul.f32 v48, v49  }
0x67: {  	v8 =	vor.u32 v8, v10;
	v12 =	vmul.f32 v34, v12;
	v34 =	vld.idx.msk [tilespmem:v11+s17+$0x0], $0xffff;
	v19 =	vshll.u32 v3, $0x3  }
0x68: {  	v10 =	vand.u32 $0xFFFFF87F, v21;
	v16 =	vmul.f32 v47, v16;
	[tilespmem:v25+s25+$0x0] =	vst.idx.add.f32.msk $0xffff, v62;
	v7 =	vand.u32 $0x400, v19  }
0x69: {  	v19 =	vand.u32 $0x380, v26;
	v26 =	vand.u32 $0x400, v20;
	v20 =	vor.u32 v18, v24;
	v24 =	vld.idx.msk [tilespmem:v3+s17+$0x0], $0xffff  }
0x6a: {  	v11 =	vsub.f32 $0.0e+00, v12;
	v25 =	vsub.f32 $0.0e+00, v62;
	v22 =	vor.u32 v26, v22;
	v40 =	vld.idx.msk [tilespmem:v5+s17+$0x0], $0xffff  }
0x6b: {  	v50 =	vshrl.u32 v5, $0x1;
	v18 =	vshll.u32 v15, $0x3;
	v42 =	vor.u32 v19, v22;
	v19 =	vld.idx.msk [tilespmem:v28+s17+$0x0], $0xffff  }
0x6c: {  	[tilespmem:v36+s25+$0x0] =	vst.idx.add.f32.msk $0xffff, v16;
	v36 =	vand.u32 $0x380, v50;
	v26 =	vand.u32 $0x400, v18;
	v22 =	vshrl.u32 v21, $0x1  }
0x6d: {  	v21 =	vand.u32 $0x380, v30;
	v30 =	vand.u32 $0xFFFFF87F, v23;
	v23 =	vmul.f32 v39, v17;
	v39 =	vld [tilespmem:s19+$0x20]  }
0x6e: {  	v18 =	vand.u32 $0xFFFFF87F, v5;
	v22 =	vand.u32 $0x380, v22;
	v28 =	vor.u32 v33, v30  }
0x6f: {  	v43 =	vld [tilespmem:s26+$0xFFFFFFC0];
	v30 =	vand.u32 $0x400, v29;
	v29 =	vsub.f32 $0.0e+00, v16;
	v13 =	vmul.f32 v24, v13  }
0x70: {  	v33 =	vor.u32 v63, v45;
	v17 =	vmul.f32 v40, v14;
	v61 =	vmul.f32 v19, v35  }
0x71: {  	v31 =	vld [tilespmem:s19+$0xFFFFFFC0];
	v19 =	vsub.f32 $0.0e+00, v23;
	v40 =	vshrl.u32 v15, $0x1;
	v35 =	vand.u32 $0x380, v46  }
0x72: {  	v41 =	vand.u32 $0xFFFFF87F, v39;
	v14 =	vsub.f32 $0.0e+00, v13;
	[tilespmem:v42+s25+$0x0] =	vst.idx.add.f32.msk $0xffff, v17;
	v17 =	vsub.f32 $0.0e+00, v17  }
0x73: {  	s22 =	simm.s32 $0x1BC40;
	s21 =	simm.s32 $0x0;
	v24 =	vsub.f32 $0.0e+00, v61;
	v42 =	vshrl.u32 v3, $0x1;
	[tilespmem:v37+s25+$0x0] =	vst.idx.add.f32.msk $0xffff, v61;
	v37 =	vshrl.u32 v39, $0x1  }
.LBB2_5:
0x74: {  	v16 =	vld [tilespmem:s22+$0x0];
	s21 =	sadd.s32 $0x8, s21;
	v34 =	vmul.f32 v34, v43;
	v39 =	vshll.u32 v39, $0x3;
	v42 =	vand.u32 $0x380, v42;
	s20 =	sadd.s32 $0x80, s20;
	s19 =	sadd.s32 $0x80, s19  }
0x75: {  	v40 =	vand.u32 $0x380, v40;
	v15 =	vand.u32 $0xFFFFF87F, v15;
	v45 =	vand.u32 $0x380, v32;
	v43 =	vld [tilespmem:s19+$0x10];
	p0 =	slt.u32 s21, $0x70  }
0x76: {  	v46 =	vshrl.u32 v31, $0x1;
	v27 =	vor.u32 v44, v27;
	v20 =	vor.u32 v45, v20;
	v32 =	vld [tilespmem:s20+$0xFFFFFFC0]  }
0x77: {  	v45 =	vand.u32 $0xFFFFF87F, v31;
	v38 =	vor.u32 v38, v27;
	v39 =	vand.u32 $0x400, v39;
	v44 =	vld [tilespmem:s19+$0x0]  }
0x78: {  	v31 =	vshll.u32 v31, $0x3;
	v15 =	vor.u32 v26, v15;
	v48 =	vsub.f32 $0.0e+00, v34;
	v47 =	vld [tilespmem:s19+$0xFFFFFFF0]  }
0x79: {  	v21 =	vor.u32 v21, v28;
	v26 =	vand.u32 $0x400, v31;
	v15 =	vor.u32 v40, v15;
	v27 =	vld [tilespmem:s22+$0x30]  }
0x7a: {  	v10 =	vor.u32 v30, v10;
	v39 =	vor.u32 v39, v41;
	v26 =	vor.u32 v26, v45;
	v40 =	vld [tilespmem:s19+$0xFFFFFFE0]  }
0x7b: {  	v6 =	vand.u32 $0x380, v6;
	v5 =	vshll.u32 v5, $0x3;
	v4 =	vor.u32 v9, v4;
	v28 =	vld [tilespmem:s22+$0x20]  }
0x7c: {  	v9 =	vand.u32 $0x380, v46;
	v5 =	vand.u32 $0x400, v5;
	v2 =	vor.u32 v2, v4;
	[tilespmem:v38+s25+$0x0] =	vst.idx.add.f32.msk $0xffff, v24  }
0x7d: {  	v5 =	vor.u32 v5, v18;
	v4 =	vor.u32 v9, v26;
	v9 =	vor.u32 v22, v10;
	v24 =	vld [tilespmem:s22+$0xFFFFFFE0]  }
0x7e: {  	v6 =	vor.u32 v6, v8;
	v5 =	vor.u32 v36, v5;
	v10 =	vshrl.u32 v43, $0x1;
	v31 =	vld [tilespmem:s22+$0x10]  }
0x7f: {  	v8 =	vld [tilespmem:s19+$0xFFFFFFD0]  }
0x80: {  	v30 =	vld [tilespmem:s22+$0xFFFFFFF0]  }
0x81: {  	[tilespmem:v2+s25+$0x0] =	vst.idx.add.f32.msk $0xffff, v23;
	v2 =	vand.u32 $0x380, v37  }
0x82: {  	v3 =	vand.u32 $0xFFFFF87F, v3;
	[tilespmem:v4+s25+$0x0] =	vst.idx.add.f32.msk $0xffff, v34;
	v2 =	vor.u32 v2, v39  }
0x83: {  	v3 =	vor.u32 v7, v3;
	v4 =	vor.u32 v35, v33;
	[tilespmem:v6+s25+$0x0] =	vst.idx.add.f32.msk $0xffff, v48  }
0x84: {  	v3 =	vor.u32 v42, v3;
	v6 =	vshll.u32 v8, $0x3;
	v7 =	vshrl.u32 v8, $0x1;
	[tilespmem:v15+s25+$0x0] =	vst.idx.add.f32.msk $0xffff, v29  }
0x85: {  	v8 =	vand.u32 $0xFFFFF87F, v8;
	v6 =	vand.u32 $0x400, v6;
	[tilespmem:v9+s25+$0x0] =	vst.idx.add.f32.msk $0xffff, v12  }
0x86: {  	v6 =	vor.u32 v6, v8;
	[tilespmem:v20+s25+$0x0] =	vst.idx.add.f32.msk $0xffff, v19  }
0x87: {  	[tilespmem:v2+s25+$0x0] =	vst.idx.add.f32.msk $0xffff, v13  }
0x88: {  	[tilespmem:v4+s25+$0x0] =	vst.idx.add.f32.msk $0xffff, v25  }
0x89: {  	v7 =	vand.u32 $0x380, v7;
	v2 =	vand.u32 $0x380, v10;
	v4 =	vand.u32 $0xFFFFF87F, v43;
	[tilespmem:v3+s25+$0x0] =	vst.idx.add.f32.msk $0xffff, v14  }
0x8a: {  	v25 =	vor.u32 v7, v6;
	v6 =	vshrl.u32 v40, $0x1;
	v3 =	vshll.u32 v40, $0x3;
	[tilespmem:v21+s25+$0x0] =	vst.idx.add.f32.msk $0xffff, v11  }
0x8b: {  	v7 =	vand.u32 $0x380, v6;
	v6 =	vand.u32 $0xFFFFF87F, v40;
	v3 =	vand.u32 $0x400, v3;
	[tilespmem:v5+s25+$0x0] =	vst.idx.add.f32.msk $0xffff, v17  }
0x8c: {  	v12 =	vand.u32 $0xFFFFF87F, v47;
	v11 =	vshll.u32 v47, $0x3;
	v5 =	vshrl.u32 v47, $0x1;
	v13 =	vld [tilespmem:s19+$0x30]  }
0x8d: {  	v14 =	vshll.u32 v44, $0x3;
	v3 =	vor.u32 v3, v6;
	v17 =	vand.u32 $0xFFFFF87F, v44;
	v19 =	vld [tilespmem:s20+$0x30]  }
0x8e: {  	v8 =	vshll.u32 v32, $0x3;
	v6 =	vshrl.u32 v32, $0x1;
	v36 =	vor.u32 v7, v3;
	v3 =	vld [tilespmem:s20+$0x20]  }
0x8f: {  	v7 =	vand.u32 $0x400, v8;
	v18 =	vand.u32 $0x380, v5;
	v8 =	vshll.u32 v43, $0x3;
	v21 =	vld [tilespmem:s20+$0x10]  }
0x90: {  	v20 =	vshrl.u32 v44, $0x1;
	v10 =	vand.u32 $0xFFFFF87F, v32;
	v9 =	vand.u32 $0x400, v8;
	v5 =	vld [tilespmem:s20+$0x0]  }
0x91: {  	v8 =	vor.u32 v7, v10;
	v23 =	vld [tilespmem:s20+$0xFFFFFFF0];
	v29 =	vshll.u32 v13, $0x3;
	v10 =	vand.u32 $0xFFFFF87F, v13  }
0x92: {  	v7 =	vand.u32 $0x400, v11;
	v15 =	vld [tilespmem:s20+$0xFFFFFFE0];
	v11 =	vshll.u32 v19, $0x3;
	v22 =	vshrl.u32 v19, $0x1  }
0x93: {  	s23 =	simm.s32 $0x0;
	v7 =	vor.u32 v7, v12;
	v33 =	vld [tilespmem:s20+$0xFFFFFFD0];
	v12 =	vshll.u32 v3, $0x3;
	v35 =	vand.u32 $0x400, v11  }
0x94: {  	v37 =	vor.u32 v18, v7;
	v34 =	vld.idx.msk [tilespmem:v32+s23+$0x0], $0xffff;
	v11 =	vshll.u32 v21, $0x3;
	v7 =	vand.u32 $0x400, v12  }
0x95: {  	v12 =	vand.u32 $0x380, v20;
	v18 =	vand.u32 $0xFFFFF87F, v21;
	v11 =	vand.u32 $0x400, v11;
	v38 =	vld.idx.msk [tilespmem:v19+s23+$0x0], $0xffff  }
0x96: {  	v14 =	vand.u32 $0x400, v14;
	v39 =	vshrl.u32 v23, $0x1;
	v20 =	vor.u32 v11, v18;
	v11 =	vld.idx.msk [tilespmem:v3+s23+$0x0], $0xffff  }
0x97: {  	v14 =	vor.u32 v14, v17;
	v41 =	vshll.u32 v23, $0x3;
	v18 =	vshll.u32 v15, $0x3;
	v17 =	vld.idx.msk [tilespmem:v21+s23+$0x0], $0xffff  }
0x98: {  	v42 =	vor.u32 v12, v14;
	v44 =	vshll.u32 v33, $0x3;
	v45 =	vand.u32 $0xFFFFF87F, v33;
	v40 =	vld.idx.msk [tilespmem:v5+s23+$0x0], $0xffff  }
0x99: {  	v13 =	vshrl.u32 v13, $0x1;
	v46 =	vshrl.u32 v33, $0x1;
	v26 =	vand.u32 $0x400, v18;
	v47 =	vld.idx.msk [tilespmem:v23+s23+$0x0], $0xffff  }
0x9a: {  	v32 =	vshrl.u32 v21, $0x1;
	v21 =	vand.u32 $0x380, v22;
	v18 =	vand.u32 $0xFFFFF87F, v5;
	v48 =	vld.idx.msk [tilespmem:v15+s23+$0x0], $0xffff  }
0x9b: {  	v19 =	vand.u32 $0xFFFFF87F, v19;
	v22 =	vand.u32 $0x380, v13;
	v12 =	vmul.f32 v38, v27;
	v33 =	vld.idx.msk [tilespmem:v33+s23+$0x0], $0xffff  }
0x9c: {  	v50 =	vshrl.u32 v5, $0x1;
	v27 =	vand.u32 $0xFFFFF87F, v23;
	v13 =	vmul.f32 v11, v28;
	v49 =	vld [tilespmem:s22+$0xFFFFFFD0]  }
0x9d: {  	v38 =	vand.u32 $0x380, v39;
	v23 =	vmul.f32 v17, v31;
	v11 =	vsub.f32 $0.0e+00, v12;
	v39 =	vld [tilespmem:s19+$0x20]  }
0x9e: {  	v28 =	vor.u32 v35, v19;
	v16 =	vmul.f32 v40, v16;
	v14 =	vsub.f32 $0.0e+00, v13;
	v43 =	vld [tilespmem:s22+$0xFFFFFFC0]  }
0x9f: {  	v35 =	vmul.f32 v47, v30;
	v19 =	vsub.f32 $0.0e+00, v23;
	v30 =	vand.u32 $0x400, v29;
	v31 =	vld [tilespmem:s19+$0xFFFFFFC0]  }
.Ltmp1:
0xa0: {  	v40 =	vshrl.u32 v15, $0x1;
	v47 =	vmul.f32 v48, v24;
	v17 =	vsub.f32 $0.0e+00, v16;
	[tilespmem:v42+s25+$0x0] =	vst.idx.add.f32.msk $0xffff, v16;
	(pc) =	sbr.rel @p0 .LBB2_5-.Ltmp1, $4  }
0xa1: {  	v24 =	vsub.f32 $0.0e+00, v35;
	v42 =	vshrl.u32 v3, $0x1;
	v16 =	vmul.f32 v33, v49;
	[tilespmem:v37+s25+$0x0] =	vst.idx.add.f32.msk $0xffff, v35  }
0xa2: {  	v33 =	vand.u32 $0x400, v44;
	v29 =	vsub.f32 $0.0e+00, v47;
	v44 =	vand.u32 $0x400, v41  }
0xa3: {  	v33 =	vor.u32 v33, v45;
	v37 =	vshrl.u32 v39, $0x1;
	[tilespmem:v25+s25+$0x0] =	vst.idx.add.f32.msk $0xffff, v16;
	v25 =	vsub.f32 $0.0e+00, v16  }
0xa4: {  	s22 =	sadd.s32 $0x80, s22;
	v35 =	vand.u32 $0x380, v46;
	v41 =	vand.u32 $0xFFFFF87F, v39;
	[tilespmem:v36+s25+$0x0] =	vst.idx.add.f32.msk $0xffff, v47;
	v36 =	vand.u32 $0x380, v50  }
0xa5: {  	v50 =	vshrl.u32 v31, $0x1;
	v27 =	vor.u32 v44, v27;
	v51 =	vand.u32 $0xFFFFF87F, v31  }
0xa6: {  	v52 =	vshll.u32 v31, $0x3;
	v4 =	vor.u32 v9, v4;
	v62 =	vor.u32 v35, v33  }
0xa7: {  	v55 =	vand.u32 $0xFFFFF87F, v15;
	v6 =	vand.u32 $0x380, v6;
	v27 =	vor.u32 v38, v27  }
0xa8: {  	v56 =	vand.u32 $0x380, v40;
	v10 =	vor.u32 v30, v10;
	v2 =	vor.u32 v2, v4  }
0xa9: {  	v57 =	vand.u32 $0x380, v32;
	v4 =	vor.u32 v26, v55;
	v10 =	vor.u32 v22, v10  }
0xaa: {  	v5 =	vshll.u32 v5, $0x3;
	v63 =	vor.u32 v21, v28;
	v4 =	vor.u32 v56, v4  }
0xab: {  	v31 =	vand.u32 $0x400, v52;
	v6 =	vor.u32 v6, v8;
	v8 =	vor.u32 v57, v20;
	[tilespmem:v62+s25+$0x0] =	vst.idx.add.f32.msk $0xffff, v25  }
0xac: {  	v54 =	vand.u32 $0x380, v50;
	v5 =	vand.u32 $0x400, v5;
	v53 =	vor.u32 v31, v51;
	[tilespmem:v27+s25+$0x0] =	vst.idx.add.f32.msk $0xffff, v24  }
0xad: {  	v49 =	vshll.u32 v39, $0x3;
	v5 =	vor.u32 v5, v18;
	v9 =	vor.u32 v54, v53;
	[tilespmem:v2+s25+$0x0] =	vst.idx.add.f32.msk $0xffff, v23  }
0xae: {  	v16 =	vmul.f32 v34, v43;
	v58 =	vand.u32 $0x400, v49;
	v5 =	vor.u32 v36, v5;
	[tilespmem:v10+s25+$0x0] =	vst.idx.add.f32.msk $0xffff, v12  }
0xaf: {  	v60 =	vand.u32 $0x380, v37;
	v3 =	vand.u32 $0xFFFFF87F, v3;
	v15 =	vor.u32 v58, v41;
	[tilespmem:v4+s25+$0x0] =	vst.idx.add.f32.msk $0xffff, v29  }
0xb0: {  	v61 =	vand.u32 $0x380, v42;
	v3 =	vor.u32 v7, v3;
	v2 =	vor.u32 v60, v15;
	[tilespmem:v8+s25+$0x0] =	vst.idx.add.f32.msk $0xffff, v19  }
0xb1: {  	v3 =	vor.u32 v61, v3;
	[tilespmem:v63+s25+$0x0] =	vst.idx.add.f32.msk $0xffff, v11  }
0xb2: {  	v59 =	vsub.f32 $0.0e+00, v16;
	[tilespmem:v9+s25+$0x0] =	vst.idx.add.f32.msk $0xffff, v16  }
0xb3: {  	[tilespmem:v5+s25+$0x0] =	vst.idx.add.f32.msk $0xffff, v17  }
0xb4: {  	[tilespmem:v6+s25+$0x0] =	vst.idx.add.f32.msk $0xffff, v59  }
0xb5: {  	[tilespmem:v2+s25+$0x0] =	vst.idx.add.f32.msk $0xffff, v13  }
0xb6: {  	[tilespmem:v3+s25+$0x0] =	vst.idx.add.f32.msk $0xffff, v14  }
.LBB2_7:
0xb7: {  	s19 =	sshra.s32 s23, $0x2  }
0xb8: {  	v2 =	vld [tilespmem:s19+$0x1AB00];
	_ =	sdelay $0x1  }
0xb9: {  	v3 =	vld [tilespmem:s19+$0x1B300];
	_ =	sdelay $0x4  }
0xba: {  	v4 =	vld [tilespmem:s19+$0x1C300];
	v5 =	vshll.u32 v3, $0x3  }
0xbb: {  	v7 =	vshrl.u32 v3, $0x1;
	v3 =	vand.u32 $0xFFFFF87F, v3;
	v61 =	vshll.u32 v2, $0x3;
	v6 =	vld.idx.msk [tilespmem:v2+s7+$0x0], $0xffff  }
0xbc: {  	v8 =	vshrl.u32 v2, $0x1;
	v5 =	vand.u32 $0x400, v5;
	v7 =	vand.u32 $0x380, v7  }
0xbd: {  	v3 =	vor.u32 v5, v3;
	v5 =	vand.u32 $0x400, v61;
	v2 =	vand.u32 $0xFFFFF87F, v2  }
0xbe: {  	v62 =	vand.u32 $0x380, v8;
	v3 =	vor.u32 v7, v3;
	v2 =	vor.u32 v5, v2  }
0xbf: {  	p0 =	sne.s32 s23, $0x100;
	v2 =	vor.u32 v62, v2  }
.Ltmp2:
0xc0: {  	v4 =	vmul.f32 v6, v4;
	(pc) =	sbr.rel @p0 .LBB2_7-.Ltmp2, $4  }
0xc1: {  	_ = 	snop  }
0xc2: {  	v63 =	vsub.f32 $0.0e+00, v4  }
0xc3: {  	[tilespmem:v3+s25+$0x0] =	vst.idx.add.f32.msk $0xffff, v4  }
0xc4: {  	s23 =	sadd.s32 $0x40, s23;
	[tilespmem:v2+s25+$0x0] =	vst.idx.add.f32.msk $0xffff, v63  }
0xc5: {  	s19 =	sshll.u32 s18, $0x1  }
0xc6: {  	s19 =	smin.u32 s19, $0x2F  }
0xc7: {  	s19 =	smul.u32 $0x7D0, s19;
	_ =	sdelay $0x1  }
0xc8: {  	s19 =	sadd.s32 s19, s16  }
0xc9: {  	s20 =	sshrl.u32 s19, $0x3  }
0xca: {  	s19 =	sadd.s32 s10, s19;
	s21 =	sadd.s32 s0, s20  }
0xcb: {  	[tilespmem:s28], [sflag:$0x1] =	stream.linear.gather [hbm4b:s21+s7], $0x7D0, $0x38;
	[tilespmem:$0x1E480] =	vst v63  }
0xcc: {  	s20 =	sadd.s32 s1, s20;
	s19 =	sshrl.u32 s19, $0x3  }
0xcd: {  	[tilespmem:s29], [sflag:$0x1] =	stream.linear.gather [hbm4b:s20+s7], $0x7D0, $0x38;
	[tilespmem:$0x1E480] =	vst v63  }
0xce: {  	s19 =	sadd.s32 s8, s19  }
0xcf: {  	[tilespmem:s30], [sflag:$0x1] =	stream.linear.gather [hbm4b:s19+s7], $0x7D0, $0x38;
	[tilespmem:$0x1E480] =	vst v63  }
0xd0: {  	_ =	swait.ge [sflag:s11], $0x7D0  }
0xd1: {  	[sflag:s11] =	ssyncset.done $0x0  }
0xd2: {  	[sflag:s11] =	ssyncadd.s32 $0xFFFFF830  }
0xd3: {  	_ =	swait.ge [sflag:s11], $0x7D0  }
0xd4: {  	[sflag:s11] =	ssyncset.done $0x0  }
0xd5: {  	[sflag:s11] =	ssyncadd.s32 $0xFFFFF830  }
0xd6: {  	_ =	swait.ge [sflag:s11], $0x7D0  }
0xd7: {  	[sflag:s11] =	ssyncset.done $0x0  }
0xd8: {  	s20 =	simm.s32 $0x1CBC0;
	[sflag:s11] =	ssyncadd.s32 $0xFFFFF830  }
0xd9: {  	v2 =	vld [tilespmem:s20+$0xFFFFFFD0]  }
0xda: {  	v5 =	vld [tilespmem:s20+$0x10]  }
0xdb: {  	v7 =	vld [tilespmem:s20+$0x0]  }
0xdc: {  	v6 =	vld [tilespmem:s20+$0xFFFFFFF0]  }
0xdd: {  	s21 =	simm.s32 $0x1C3C0;
	v21 =	vld [tilespmem:s20+$0x30]  }
0xde: {  	v24 =	vld [tilespmem:s21+$0x30]  }
0xdf: {  	v28 =	vld [tilespmem:s21+$0xFFFFFFF0]  }
0xe0: {  	v31 =	vld [tilespmem:s21+$0xFFFFFFD0]  }
0xe1: {  	s22 =	simm.s32 $0x1DBC0;
	v27 =	vld [tilespmem:s21+$0x10];
	v4 =	vshll.u32 v2, $0x3;
	v8 =	vand.u32 $0xFFFFF87F, v2;
	v9 =	vshrl.u32 v5, $0x1  }
0xe2: {  	v14 =	vld [tilespmem:s22+$0x0];
	v2 =	vshrl.u32 v2, $0x1;
	v18 =	vshll.u32 v6, $0x3;
	v20 =	vand.u32 $0xFFFFF87F, v6  }
0xe3: {  	v3 =	vld [tilespmem:s20+$0xFFFFFFE0];
	v22 =	vshll.u32 v7, $0x3;
	v23 =	vand.u32 $0xFFFFF87F, v7;
	v26 =	vshrl.u32 v7, $0x1  }
0xe4: {  	v11 =	vld [tilespmem:s21+$0xFFFFFFC0];
	v29 =	vshll.u32 v21, $0x3;
	v30 =	vshrl.u32 v24, $0x1;
	v38 =	vshrl.u32 v28, $0x1  }
0xe5: {  	v12 =	vld [tilespmem:s22+$0x30];
	v41 =	vshll.u32 v28, $0x3;
	v44 =	vshll.u32 v31, $0x3;
	v45 =	vand.u32 $0xFFFFF87F, v31  }
0xe6: {  	v13 =	vld [tilespmem:s22+$0x20];
	v46 =	vshrl.u32 v31, $0x1;
	v32 =	vshrl.u32 v27, $0x1;
	v4 =	vand.u32 $0x400, v4  }
0xe7: {  	v15 =	vld [tilespmem:s21+$0xFFFFFFE0];
	v10 =	vand.u32 $0x380, v2;
	v2 =	vand.u32 $0x380, v9;
	v8 =	vor.u32 v4, v8  }
0xe8: {  	v16 =	vld [tilespmem:s22+$0xFFFFFFE0];
	v9 =	vshrl.u32 v3, $0x1;
	v17 =	vor.u32 v10, v8;
	v8 =	vshll.u32 v3, $0x3  }
0xe9: {  	v19 =	vld [tilespmem:s22+$0x10];
	v7 =	vand.u32 $0x400, v18;
	v3 =	vand.u32 $0xFFFFF87F, v3;
	v8 =	vand.u32 $0x400, v8  }
0xea: {  	v49 =	vld [tilespmem:s22+$0xFFFFFFD0];
	v18 =	vshll.u32 v24, $0x3;
	v9 =	vand.u32 $0x380, v9;
	v3 =	vor.u32 v8, v3  }
0xeb: {  	v22 =	vand.u32 $0x400, v22;
	v38 =	vand.u32 $0x380, v38;
	v36 =	vor.u32 v9, v3;
	v3 =	vld [tilespmem:s21+$0x20]  }
0xec: {  	s19 =	simm.s32 $0x0;
	v63 =	vand.u32 $0x400, v44;
	v4 =	vand.u32 $0xFFFFF87F, v5;
	v9 =	vshll.u32 v5, $0x3;
	v5 =	vld [tilespmem:s21+$0x0]  }
0xed: {  	v44 =	vand.u32 $0x400, v41;
	v7 =	vor.u32 v7, v20;
	v33 =	vand.u32 $0x400, v18;
	v34 =	vld.idx.msk [tilespmem:v24+s19+$0x0], $0xffff  }
0xee: {  	v18 =	vshll.u32 v27, $0x3;
	v22 =	vor.u32 v22, v23;
	v10 =	vshrl.u32 v6, $0x1;
	v23 =	vld.idx.msk [tilespmem:v27+s19+$0x0], $0xffff  }
0xef: {  	v6 =	vshrl.u32 v11, $0x1;
	v18 =	vand.u32 $0x400, v18;
	v47 =	vld.idx.msk [tilespmem:v15+s19+$0x0], $0xffff;
	v24 =	vand.u32 $0xFFFFF87F, v24  }
0xf0: {  	v48 =	vld.idx.msk [tilespmem:v31+s19+$0x0], $0xffff;
	v25 =	vand.u32 $0x380, v10;
	v10 =	vand.u32 $0xFFFFF87F, v11;
	v8 =	vshll.u32 v11, $0x3  }
0xf1: {  	v35 =	vld [tilespmem:s22+$0xFFFFFFF0];
	v37 =	vor.u32 v25, v7;
	v25 =	vand.u32 $0x380, v26;
	v8 =	vand.u32 $0x400, v8  }
0xf2: {  	v42 =	vld.idx.msk [tilespmem:v28+s19+$0x0], $0xffff;
	v25 =	vor.u32 v25, v22;
	v22 =	vshrl.u32 v21, $0x1;
	v9 =	vand.u32 $0x400, v9  }
0xf3: {  	v8 =	vor.u32 v8, v10;
	v10 =	vand.u32 $0xFFFFF87F, v21;
	v21 =	vand.u32 $0x380, v30;
	v39 =	vld.idx.msk [tilespmem:v3+s19+$0x0], $0xffff  }
0xf4: {  	v22 =	vand.u32 $0x380, v22;
	v12 =	vmul.f32 v34, v12;
	v23 =	vmul.f32 v23, v19;
	v40 =	vld.idx.msk [tilespmem:v5+s19+$0x0], $0xffff  }
0xf5: {  	v30 =	vand.u32 $0x400, v29;
	v47 =	vmul.f32 v47, v16;
	v62 =	vmul.f32 v48, v49  }
0xf6: {  	v34 =	vld.idx.msk [tilespmem:v11+s19+$0x0], $0xffff;
	v11 =	vsub.f32 $0.0e+00, v12;
	v19 =	vsub.f32 $0.0e+00, v23;
	v20 =	vshll.u32 v3, $0x3  }
0xf7: {  	v29 =	vsub.f32 $0.0e+00, v47;
	v7 =	vand.u32 $0x400, v20;
	v20 =	vand.u32 $0xFFFFF87F, v27  }
0xf8: {  	v43 =	vld [tilespmem:s22+$0xFFFFFFC0];
	v27 =	vand.u32 $0xFFFFF87F, v28;
	v28 =	vor.u32 v33, v24;
	v24 =	vmul.f32 v42, v35  }
0xf9: {  	v50 =	vshrl.u32 v5, $0x1;
	v13 =	vmul.f32 v39, v13;
	v39 =	vld [tilespmem:s20+$0x20];
	v31 =	vmul.f32 v40, v14  }
0xfa: {  	[tilespmem:v36+s25+$0x0] =	vst.idx.add.f32.msk $0xffff, v47;
	v42 =	vshrl.u32 v3, $0x1;
	v33 =	vor.u32 v63, v45;
	v35 =	vand.u32 $0x380, v46  }
0xfb: {  	v36 =	vand.u32 $0x380, v50;
	v20 =	vor.u32 v18, v20;
	v18 =	vshll.u32 v15, $0x3;
	[tilespmem:v25+s25+$0x0] =	vst.idx.add.f32.msk $0xffff, v31  }
0xfc: {  	v26 =	vand.u32 $0x400, v18;
	v18 =	vand.u32 $0xFFFFF87F, v5;
	v16 =	vsub.f32 $0.0e+00, v31;
	v31 =	vld [tilespmem:s20+$0xFFFFFFC0]  }
0xfd: {  	[tilespmem:v17+s25+$0x0] =	vst.idx.add.f32.msk $0xffff, v62;
	v40 =	vshrl.u32 v15, $0x1;
	v14 =	vsub.f32 $0.0e+00, v13;
	v25 =	vsub.f32 $0.0e+00, v24  }
0xfe: {  	s23 =	simm.s32 $0x1DC40;
	s22 =	simm.s32 $0x0;
	[tilespmem:v37+s25+$0x0] =	vst.idx.add.f32.msk $0xffff, v24;
	v24 =	vsub.f32 $0.0e+00, v62;
	v37 =	vshrl.u32 v39, $0x1;
	v41 =	vand.u32 $0xFFFFF87F, v39  }
.LBB2_9:
0xff: {  	v17 =	vld [tilespmem:s23+$0x0];
	s22 =	sadd.s32 $0x8, s22;
	v34 =	vmul.f32 v34, v43;
	v39 =	vshll.u32 v39, $0x3;
	v42 =	vand.u32 $0x380, v42;
	s21 =	sadd.s32 $0x80, s21;
	s20 =	sadd.s32 $0x80, s20  }
0x100: {  	v40 =	vand.u32 $0x380, v40;
	v15 =	vand.u32 $0xFFFFF87F, v15;
	v45 =	vand.u32 $0x380, v32;
	v43 =	vld [tilespmem:s20+$0x10];
	p0 =	slt.u32 s22, $0x70  }
0x101: {  	v46 =	vshrl.u32 v31, $0x1;
	v27 =	vor.u32 v44, v27;
	v20 =	vor.u32 v45, v20;
	v32 =	vld [tilespmem:s21+$0xFFFFFFC0]  }
0x102: {  	v45 =	vand.u32 $0xFFFFF87F, v31;
	v38 =	vor.u32 v38, v27;
	v39 =	vand.u32 $0x400, v39;
	v44 =	vld [tilespmem:s20+$0x0]  }
0x103: {  	v31 =	vshll.u32 v31, $0x3;
	v15 =	vor.u32 v26, v15;
	v48 =	vsub.f32 $0.0e+00, v34;
	v47 =	vld [tilespmem:s20+$0xFFFFFFF0]  }
0x104: {  	v21 =	vor.u32 v21, v28;
	v26 =	vand.u32 $0x400, v31;
	v15 =	vor.u32 v40, v15;
	v27 =	vld [tilespmem:s23+$0x30]  }
0x105: {  	v10 =	vor.u32 v30, v10;
	v39 =	vor.u32 v39, v41;
	v26 =	vor.u32 v26, v45;
	v40 =	vld [tilespmem:s20+$0xFFFFFFE0]  }
0x106: {  	v6 =	vand.u32 $0x380, v6;
	v5 =	vshll.u32 v5, $0x3;
	v4 =	vor.u32 v9, v4;
	v28 =	vld [tilespmem:s23+$0x20]  }
0x107: {  	v9 =	vand.u32 $0x380, v46;
	v5 =	vand.u32 $0x400, v5;
	v2 =	vor.u32 v2, v4;
	[tilespmem:v38+s25+$0x0] =	vst.idx.add.f32.msk $0xffff, v25  }
0x108: {  	v5 =	vor.u32 v5, v18;
	v4 =	vor.u32 v9, v26;
	v9 =	vor.u32 v22, v10;
	v25 =	vld [tilespmem:s23+$0xFFFFFFE0]  }
0x109: {  	v6 =	vor.u32 v6, v8;
	v5 =	vor.u32 v36, v5;
	v10 =	vshrl.u32 v43, $0x1;
	v31 =	vld [tilespmem:s23+$0x10]  }
0x10a: {  	v8 =	vld [tilespmem:s20+$0xFFFFFFD0]  }
0x10b: {  	v30 =	vld [tilespmem:s23+$0xFFFFFFF0]  }
0x10c: {  	[tilespmem:v2+s25+$0x0] =	vst.idx.add.f32.msk $0xffff, v23;
	v2 =	vand.u32 $0x380, v37  }
0x10d: {  	v3 =	vand.u32 $0xFFFFF87F, v3;
	[tilespmem:v4+s25+$0x0] =	vst.idx.add.f32.msk $0xffff, v34;
	v2 =	vor.u32 v2, v39  }
0x10e: {  	v3 =	vor.u32 v7, v3;
	v4 =	vor.u32 v35, v33;
	[tilespmem:v6+s25+$0x0] =	vst.idx.add.f32.msk $0xffff, v48  }
0x10f: {  	v3 =	vor.u32 v42, v3;
	v6 =	vshll.u32 v8, $0x3;
	v7 =	vshrl.u32 v8, $0x1;
	[tilespmem:v15+s25+$0x0] =	vst.idx.add.f32.msk $0xffff, v29  }
0x110: {  	v8 =	vand.u32 $0xFFFFF87F, v8;
	v6 =	vand.u32 $0x400, v6;
	[tilespmem:v9+s25+$0x0] =	vst.idx.add.f32.msk $0xffff, v12  }
0x111: {  	v6 =	vor.u32 v6, v8;
	[tilespmem:v20+s25+$0x0] =	vst.idx.add.f32.msk $0xffff, v19  }
0x112: {  	[tilespmem:v2+s25+$0x0] =	vst.idx.add.f32.msk $0xffff, v13  }
0x113: {  	[tilespmem:v4+s25+$0x0] =	vst.idx.add.f32.msk $0xffff, v24  }
0x114: {  	v7 =	vand.u32 $0x380, v7;
	v2 =	vand.u32 $0x380, v10;
	v4 =	vand.u32 $0xFFFFF87F, v43;
	[tilespmem:v3+s25+$0x0] =	vst.idx.add.f32.msk $0xffff, v14  }
0x115: {  	v24 =	vor.u32 v7, v6;
	v6 =	vshrl.u32 v40, $0x1;
	v3 =	vshll.u32 v40, $0x3;
	[tilespmem:v21+s25+$0x0] =	vst.idx.add.f32.msk $0xffff, v11  }
0x116: {  	v7 =	vand.u32 $0x380, v6;
	v6 =	vand.u32 $0xFFFFF87F, v40;
	v3 =	vand.u32 $0x400, v3;
	[tilespmem:v5+s25+$0x0] =	vst.idx.add.f32.msk $0xffff, v16  }
0x117: {  	v12 =	vand.u32 $0xFFFFF87F, v47;
	v11 =	vshll.u32 v47, $0x3;
	v5 =	vshrl.u32 v47, $0x1;
	v13 =	vld [tilespmem:s20+$0x30]  }
0x118: {  	v14 =	vshll.u32 v44, $0x3;
	v3 =	vor.u32 v3, v6;
	v16 =	vand.u32 $0xFFFFF87F, v44;
	v19 =	vld [tilespmem:s21+$0x30]  }
0x119: {  	v8 =	vshll.u32 v32, $0x3;
	v6 =	vshrl.u32 v32, $0x1;
	v36 =	vor.u32 v7, v3;
	v3 =	vld [tilespmem:s21+$0x20]  }
0x11a: {  	v7 =	vand.u32 $0x400, v8;
	v18 =	vand.u32 $0x380, v5;
	v8 =	vshll.u32 v43, $0x3;
	v21 =	vld [tilespmem:s21+$0x10]  }
0x11b: {  	v20 =	vshrl.u32 v44, $0x1;
	v10 =	vand.u32 $0xFFFFF87F, v32;
	v9 =	vand.u32 $0x400, v8;
	v5 =	vld [tilespmem:s21+$0x0]  }
0x11c: {  	v8 =	vor.u32 v7, v10;
	v23 =	vld [tilespmem:s21+$0xFFFFFFF0];
	v29 =	vshll.u32 v13, $0x3;
	v10 =	vand.u32 $0xFFFFF87F, v13  }
0x11d: {  	v7 =	vand.u32 $0x400, v11;
	v15 =	vld [tilespmem:s21+$0xFFFFFFE0];
	v11 =	vshll.u32 v19, $0x3;
	v22 =	vshrl.u32 v19, $0x1  }
0x11e: {  	v7 =	vor.u32 v7, v12;
	v33 =	vld [tilespmem:s21+$0xFFFFFFD0];
	v12 =	vshll.u32 v3, $0x3;
	v35 =	vand.u32 $0x400, v11  }
0x11f: {  	v37 =	vor.u32 v18, v7;
	v34 =	vld.idx.msk [tilespmem:v32+s19+$0x0], $0xffff;
	v11 =	vshll.u32 v21, $0x3;
	v7 =	vand.u32 $0x400, v12  }
0x120: {  	v12 =	vand.u32 $0x380, v20;
	v18 =	vand.u32 $0xFFFFF87F, v21;
	v11 =	vand.u32 $0x400, v11;
	v38 =	vld.idx.msk [tilespmem:v19+s19+$0x0], $0xffff  }
0x121: {  	v14 =	vand.u32 $0x400, v14;
	v39 =	vshrl.u32 v23, $0x1;
	v20 =	vor.u32 v11, v18;
	v11 =	vld.idx.msk [tilespmem:v3+s19+$0x0], $0xffff  }
0x122: {  	v14 =	vor.u32 v14, v16;
	v41 =	vshll.u32 v23, $0x3;
	v18 =	vshll.u32 v15, $0x3;
	v16 =	vld.idx.msk [tilespmem:v21+s19+$0x0], $0xffff  }
0x123: {  	v42 =	vor.u32 v12, v14;
	v44 =	vshll.u32 v33, $0x3;
	v45 =	vand.u32 $0xFFFFF87F, v33;
	v40 =	vld.idx.msk [tilespmem:v5+s19+$0x0], $0xffff  }
0x124: {  	v13 =	vshrl.u32 v13, $0x1;
	v46 =	vshrl.u32 v33, $0x1;
	v26 =	vand.u32 $0x400, v18;
	v47 =	vld.idx.msk [tilespmem:v23+s19+$0x0], $0xffff  }
0x125: {  	v32 =	vshrl.u32 v21, $0x1;
	v21 =	vand.u32 $0x380, v22;
	v18 =	vand.u32 $0xFFFFF87F, v5;
	v48 =	vld.idx.msk [tilespmem:v15+s19+$0x0], $0xffff  }
0x126: {  	v19 =	vand.u32 $0xFFFFF87F, v19;
	v22 =	vand.u32 $0x380, v13;
	v12 =	vmul.f32 v38, v27;
	v33 =	vld.idx.msk [tilespmem:v33+s19+$0x0], $0xffff  }
0x127: {  	v50 =	vshrl.u32 v5, $0x1;
	v27 =	vand.u32 $0xFFFFF87F, v23;
	v13 =	vmul.f32 v11, v28;
	v49 =	vld [tilespmem:s23+$0xFFFFFFD0]  }
0x128: {  	v38 =	vand.u32 $0x380, v39;
	v23 =	vmul.f32 v16, v31;
	v11 =	vsub.f32 $0.0e+00, v12;
	v39 =	vld [tilespmem:s20+$0x20]  }
0x129: {  	v28 =	vor.u32 v35, v19;
	v16 =	vmul.f32 v40, v17;
	v14 =	vsub.f32 $0.0e+00, v13;
	v43 =	vld [tilespmem:s23+$0xFFFFFFC0]  }
0x12a: {  	v17 =	vmul.f32 v47, v30;
	v19 =	vsub.f32 $0.0e+00, v23;
	v30 =	vand.u32 $0x400, v29;
	v31 =	vld [tilespmem:s20+$0xFFFFFFC0]  }
.Ltmp3:
0x12b: {  	v40 =	vshrl.u32 v15, $0x1;
	v47 =	vmul.f32 v48, v25;
	[tilespmem:v42+s25+$0x0] =	vst.idx.add.f32.msk $0xffff, v16;
	v16 =	vsub.f32 $0.0e+00, v16;
	(pc) =	sbr.rel @p0 .LBB2_9-.Ltmp3, $4  }
0x12c: {  	v25 =	vsub.f32 $0.0e+00, v17;
	v42 =	vshrl.u32 v3, $0x1;
	v33 =	vmul.f32 v33, v49;
	[tilespmem:v37+s25+$0x0] =	vst.idx.add.f32.msk $0xffff, v17  }
0x12d: {  	v17 =	vand.u32 $0x400, v44;
	v29 =	vsub.f32 $0.0e+00, v47;
	v44 =	vand.u32 $0x400, v41  }
0x12e: {  	v37 =	vshrl.u32 v39, $0x1;
	[tilespmem:v24+s25+$0x0] =	vst.idx.add.f32.msk $0xffff, v33;
	v24 =	vsub.f32 $0.0e+00, v33;
	v33 =	vor.u32 v17, v45  }
0x12f: {  	v35 =	vand.u32 $0x380, v46;
	s23 =	sadd.s32 $0x80, s23;
	v41 =	vand.u32 $0xFFFFF87F, v39;
	[tilespmem:v36+s25+$0x0] =	vst.idx.add.f32.msk $0xffff, v47;
	v36 =	vand.u32 $0x380, v50  }
0x130: {  	v50 =	vshrl.u32 v31, $0x1;
	v27 =	vor.u32 v44, v27;
	v51 =	vand.u32 $0xFFFFF87F, v31  }
0x131: {  	v52 =	vshll.u32 v31, $0x3;
	v4 =	vor.u32 v9, v4;
	v62 =	vor.u32 v35, v33  }
0x132: {  	v55 =	vand.u32 $0xFFFFF87F, v15;
	v6 =	vand.u32 $0x380, v6;
	v27 =	vor.u32 v38, v27  }
0x133: {  	v56 =	vand.u32 $0x380, v40;
	v10 =	vor.u32 v30, v10;
	v2 =	vor.u32 v2, v4  }
0x134: {  	v57 =	vand.u32 $0x380, v32;
	v4 =	vor.u32 v26, v55;
	v10 =	vor.u32 v22, v10  }
0x135: {  	v5 =	vshll.u32 v5, $0x3;
	v63 =	vor.u32 v21, v28;
	v4 =	vor.u32 v56, v4  }
0x136: {  	v31 =	vand.u32 $0x400, v52;
	v6 =	vor.u32 v6, v8;
	v8 =	vor.u32 v57, v20;
	[tilespmem:v62+s25+$0x0] =	vst.idx.add.f32.msk $0xffff, v24  }
0x137: {  	v54 =	vand.u32 $0x380, v50;
	v5 =	vand.u32 $0x400, v5;
	v53 =	vor.u32 v31, v51;
	[tilespmem:v27+s25+$0x0] =	vst.idx.add.f32.msk $0xffff, v25  }
0x138: {  	v49 =	vshll.u32 v39, $0x3;
	v5 =	vor.u32 v5, v18;
	v9 =	vor.u32 v54, v53;
	[tilespmem:v2+s25+$0x0] =	vst.idx.add.f32.msk $0xffff, v23  }
0x139: {  	v17 =	vmul.f32 v34, v43;
	v58 =	vand.u32 $0x400, v49;
	v5 =	vor.u32 v36, v5;
	[tilespmem:v10+s25+$0x0] =	vst.idx.add.f32.msk $0xffff, v12  }
0x13a: {  	v60 =	vand.u32 $0x380, v37;
	v3 =	vand.u32 $0xFFFFF87F, v3;
	v15 =	vor.u32 v58, v41;
	[tilespmem:v4+s25+$0x0] =	vst.idx.add.f32.msk $0xffff, v29  }
0x13b: {  	v61 =	vand.u32 $0x380, v42;
	v3 =	vor.u32 v7, v3;
	v2 =	vor.u32 v60, v15;
	[tilespmem:v8+s25+$0x0] =	vst.idx.add.f32.msk $0xffff, v19  }
0x13c: {  	v3 =	vor.u32 v61, v3;
	[tilespmem:v63+s25+$0x0] =	vst.idx.add.f32.msk $0xffff, v11  }
0x13d: {  	v59 =	vsub.f32 $0.0e+00, v17;
	[tilespmem:v9+s25+$0x0] =	vst.idx.add.f32.msk $0xffff, v17  }
0x13e: {  	[tilespmem:v5+s25+$0x0] =	vst.idx.add.f32.msk $0xffff, v16  }
0x13f: {  	[tilespmem:v6+s25+$0x0] =	vst.idx.add.f32.msk $0xffff, v59  }
0x140: {  	[tilespmem:v2+s25+$0x0] =	vst.idx.add.f32.msk $0xffff, v13  }
0x141: {  	[tilespmem:v3+s25+$0x0] =	vst.idx.add.f32.msk $0xffff, v14  }
.LBB2_11:
0x142: {  	s20 =	sshra.s32 s19, $0x2  }
0x143: {  	v2 =	vld [tilespmem:s20+$0x1CB00];
	_ =	sdelay $0x1  }
0x144: {  	v3 =	vld [tilespmem:s20+$0x1D300];
	_ =	sdelay $0x4  }
0x145: {  	v4 =	vld [tilespmem:s20+$0x1E300];
	v5 =	vshll.u32 v3, $0x3  }
0x146: {  	v7 =	vshrl.u32 v3, $0x1;
	v3 =	vand.u32 $0xFFFFF87F, v3;
	v61 =	vshll.u32 v2, $0x3;
	v6 =	vld.idx.msk [tilespmem:v2+s7+$0x0], $0xffff  }
0x147: {  	v8 =	vshrl.u32 v2, $0x1;
	v5 =	vand.u32 $0x400, v5;
	v7 =	vand.u32 $0x380, v7  }
0x148: {  	v3 =	vor.u32 v5, v3;
	v5 =	vand.u32 $0x400, v61;
	v2 =	vand.u32 $0xFFFFF87F, v2  }
0x149: {  	v62 =	vand.u32 $0x380, v8;
	v3 =	vor.u32 v7, v3;
	v2 =	vor.u32 v5, v2  }
0x14a: {  	p0 =	sne.s32 s19, $0x100;
	v2 =	vor.u32 v62, v2  }
.Ltmp4:
0x14b: {  	v4 =	vmul.f32 v6, v4;
	(pc) =	sbr.rel @p0 .LBB2_11-.Ltmp4, $4  }
0x14c: {  	_ = 	snop  }
0x14d: {  	v63 =	vsub.f32 $0.0e+00, v4  }
0x14e: {  	[tilespmem:v3+s25+$0x0] =	vst.idx.add.f32.msk $0xffff, v4  }
0x14f: {  	s19 =	sadd.s32 $0x40, s19;
	[tilespmem:v2+s25+$0x0] =	vst.idx.add.f32.msk $0xffff, v63  }
0x150: {  	s18 =	sadd.s32 $0x1, s18  }
0x151: {  	p0 =	sne.s32 s18, $0x19  }
.Ltmp5:
0x152: {  	_ = 	snop;
	(pc) =	sbr.rel @p0 .LBB2_4-.Ltmp5, $1  }
0x153: {  	_ =	sdelay $0x3  }
0x154: {  	_ =	swait.ge [sflag:s24], $0x7D0  }
0x155: {  	[sflag:s24] =	ssyncset.done $0x0  }
0x156: {  	[sflag:s24] =	ssyncadd.s32 $0xFFFFF830  }
0x157: {  	_ =	swait.ge [sflag:s24], $0x7D0  }
0x158: {  	[sflag:s24] =	ssyncset.done $0x0  }
0x159: {  	[sflag:s24] =	ssyncadd.s32 $0xFFFFF830  }
0x15a: {  	_ =	swait.ge [sflag:s24], $0x7D0  }
0x15b: {  	[sflag:s24] =	ssyncset.done $0x0  }
0x15c: {  	s17 =	simm.s32 $0x0;
	s18 =	rddreg [dreg:$0xd];
	[sflag:s24] =	ssyncadd.s32 $0xFFFFF830  }
0x15d: {  	[tilespmem:s28], [sflag:$0x1] =	stream.linear.gather [hbm4b:s18+s17], $0x7D0, $0x38;
	[tilespmem:$0x1E480] =	vst v63  }
0x15e: {  	s22 =	rddreg [dreg:$0xe]  }
0x15f: {  	[tilespmem:s29], [sflag:$0x1] =	stream.linear.gather [hbm4b:s22+s17], $0x7D0, $0x38;
	[tilespmem:$0x1E480] =	vst v63  }
0x160: {  	s23 =	rddreg [dreg:$0xf]  }
0x161: {  	[tilespmem:s12], [sflag:$0x1] =	stream.linear.gather [hbm4b:s23+s17], $0x7D0, $0x38;
	[tilespmem:$0x1E480] =	vst v63  }
0x162: {  	s26 =	rddreg [dreg:$0x10];
	s18 =	simm.s32 $0x0  }
0x163: {  	[tilespmem:s30], [sflag:$0x1] =	stream.linear.gather [hbm4b:s26+s17], $0x7D0, $0x38;
	[tilespmem:$0x1E480] =	vst v63  }
.LBB2_14:
0x164: {  	s19 =	smul.u32 $0xFA0, s18;
	_ =	sdelay $0x1  }
0x165: {  	s19 =	sadd.s32 s19, s15  }
0x166: {  	s20 =	sshrl.u32 s19, $0x3  }
0x167: {  	s21 =	sadd.s32 s3, s20  }
0x168: {  	[tilespmem:s31], [sflag:$0x2] =	stream.linear.gather [hbm4b:s21+s7], $0x7D0, $0x38;
	[tilespmem:$0x1E480] =	vst v63  }
0x169: {  	s19 =	sadd.s32 s10, s19;
	s23 =	sadd.s32 s4, s20  }
0x16a: {  	[tilespmem:s2], [sflag:$0x2] =	stream.linear.gather [hbm4b:s23+s7], $0x7D0, $0x38;
	[tilespmem:$0x1E480] =	vst v63  }
0x16b: {  	s20 =	sadd.s32 s5, s20;
	s19 =	sshrl.u32 s19, $0x3  }
0x16c: {  	[tilespmem:s13], [sflag:$0x2] =	stream.linear.gather [hbm4b:s20+s7], $0x7D0, $0x38;
	[tilespmem:$0x1E480] =	vst v63  }
0x16d: {  	s19 =	sadd.s32 s9, s19  }
0x16e: {  	[tilespmem:s6], [sflag:$0x2] =	stream.linear.gather [hbm4b:s19+s7], $0x7D0, $0x38;
	[tilespmem:$0x1E480] =	vst v63  }
0x16f: {  	_ =	swait.ge [sflag:s24], $0x7D0  }
0x170: {  	[sflag:s24] =	ssyncset.done $0x0  }
0x171: {  	[sflag:s24] =	ssyncadd.s32 $0xFFFFF830  }
0x172: {  	_ =	swait.ge [sflag:s24], $0x7D0  }
0x173: {  	[sflag:s24] =	ssyncset.done $0x0  }
0x174: {  	[sflag:s24] =	ssyncadd.s32 $0xFFFFF830  }
0x175: {  	_ =	swait.ge [sflag:s24], $0x7D0  }
0x176: {  	[sflag:s24] =	ssyncset.done $0x0  }
0x177: {  	[sflag:s24] =	ssyncadd.s32 $0xFFFFF830  }
0x178: {  	_ =	swait.ge [sflag:s24], $0x7D0  }
0x179: {  	[sflag:s24] =	ssyncset.done $0x0  }
0x17a: {  	s22 =	simm.s32 $0x1B3C0;
	[sflag:s24] =	ssyncadd.s32 $0xFFFFF830  }
0x17b: {  	v2 =	vld [tilespmem:s22+$0xFFFFFFF0]  }
0x17c: {  	v3 =	vld [tilespmem:s22+$0xFFFFFFE0]  }
0x17d: {  	v4 =	vld [tilespmem:s22+$0xFFFFFFD0]  }
0x17e: {  	v5 =	vld [tilespmem:s22+$0x10]  }
0x17f: {  	v6 =	vld [tilespmem:s22+$0x20]  }
0x180: {  	s19 =	simm.s32 $0x1ABC0;
	v9 =	vld [tilespmem:s22+$0x30]  }
0x181: {  	v63 =	vld [tilespmem:s19+$0xFFFFFFD0]  }
0x182: {  	v22 =	vld [tilespmem:s22+$0xFFFFFFC0]  }
0x183: {  	v27 =	vld [tilespmem:s19+$0xFFFFFFF0]  }
0x184: {  	v31 =	vld [tilespmem:s19+$0x0];
	v7 =	vshll.u32 v2, $0x3;
	v8 =	vand.u32 $0xFFFFF87F, v2;
	v10 =	vshrl.u32 v2, $0x1  }
0x185: {  	s20 =	simm.s32 $0x1A3C0;
	v54 =	vld [tilespmem:s19+$0x30];
	v11 =	vshrl.u32 v3, $0x1;
	v13 =	vshll.u32 v4, $0x3;
	v21 =	vshrl.u32 v4, $0x1  }
0x186: {  	s26 =	simm.s32 $0x1BBC0;
	v33 =	vld [tilespmem:s20+$0x10];
	v4 =	vand.u32 $0xFFFFF87F, v4;
	v46 =	vshll.u32 v5, $0x3;
	v25 =	vshrl.u32 v5, $0x1  }
0x187: {  	v14 =	vld [tilespmem:s26+$0xFFFFFFE0];
	v5 =	vand.u32 $0xFFFFF87F, v5;
	v47 =	vshll.u32 v6, $0x3;
	v48 =	vshrl.u32 v6, $0x1  }
0x188: {  	v23 =	vld [tilespmem:s26+$0x0];
	v6 =	vand.u32 $0xFFFFF87F, v6;
	v49 =	vshll.u32 v9, $0x3;
	v58 =	vshll.u32 v63, $0x3  }
0x189: {  	v16 =	vld [tilespmem:s26+$0x10];
	v51 =	vshll.u32 v22, $0x3;
	v53 =	vand.u32 $0xFFFFF87F, v22;
	v34 =	vshrl.u32 v27, $0x1  }
0x18a: {  	v15 =	vld [tilespmem:s26+$0x20];
	v40 =	vand.u32 $0xFFFFF87F, v27;
	v41 =	vshrl.u32 v31, $0x1;
	v55 =	vand.u32 $0xFFFFF87F, v54  }
0x18b: {  	v20 =	vld [tilespmem:s26+$0x30];
	v45 =	vshll.u32 v33, $0x3;
	v56 =	vshrl.u32 v54, $0x1;
	v7 =	vand.u32 $0x400, v7  }
0x18c: {  	v26 =	vld [tilespmem:s19+$0x20];
	v13 =	vand.u32 $0x400, v13;
	v10 =	vand.u32 $0x380, v10;
	v52 =	vand.u32 $0x400, v51  }
0x18d: {  	v19 =	vld [tilespmem:s20+$0xFFFFFFD0];
	v11 =	vand.u32 $0x380, v11;
	v45 =	vand.u32 $0x400, v45;
	v51 =	vand.u32 $0xFFFFF87F, v33  }
0x18e: {  	v36 =	vld [tilespmem:s20+$0x30];
	v7 =	vor.u32 v7, v8;
	v8 =	vshll.u32 v3, $0x3;
	v3 =	vand.u32 $0xFFFFF87F, v3  }
0x18f: {  	v39 =	vld [tilespmem:s20+$0x20];
	v24 =	vor.u32 v13, v4;
	v4 =	vand.u32 $0x400, v46;
	v13 =	vand.u32 $0x400, v49  }
0x190: {  	v2 =	vld [tilespmem:s19+$0xFFFFFFE0];
	v51 =	vor.u32 v45, v51;
	v8 =	vand.u32 $0x400, v8;
	v61 =	vor.u32 v10, v7  }
0x191: {  	v29 =	vld [tilespmem:s20+$0xFFFFFFC0];
	v28 =	vor.u32 v4, v5;
	v4 =	vand.u32 $0x400, v47;
	v5 =	vand.u32 $0x380, v48  }
0x192: {  	v44 =	vld [tilespmem:s20+$0x0];
	v10 =	vshrl.u32 v9, $0x1;
	v9 =	vand.u32 $0xFFFFF87F, v9;
	v8 =	vor.u32 v8, v3  }
0x193: {  	v30 =	vld [tilespmem:s20+$0xFFFFFFE0];
	v6 =	vor.u32 v4, v6;
	v10 =	vand.u32 $0x380, v10;
	v50 =	vor.u32 v13, v9  }
0x194: {  	v32 =	vld [tilespmem:s19+$0xFFFFFFC0];
	v9 =	vshrl.u32 v22, $0x1;
	v35 =	vor.u32 v5, v6;
	v37 =	vor.u32 v10, v50  }
0x195: {  	v42 =	vld.idx.msk [tilespmem:v31+s17+$0x0], $0xffff;
	v9 =	vand.u32 $0x380, v9;
	v10 =	vor.u32 v52, v53;
	v60 =	vshll.u32 v2, $0x3  }
0x196: {  	v43 =	vld.idx.msk [tilespmem:v36+s17+$0x0], $0xffff;
	v59 =	vand.u32 $0xFFFFF87F, v2;
	v46 =	vor.u32 v11, v8;
	v11 =	vand.u32 $0x380, v21  }
0x197: {  	v48 =	vld.idx.msk [tilespmem:v39+s17+$0x0], $0xffff;
	v21 =	vshll.u32 v31, $0x3;
	v31 =	vand.u32 $0xFFFFF87F, v31;
	v38 =	vor.u32 v9, v10  }
0x198: {  	v57 =	vld.idx.msk [tilespmem:v33+s17+$0x0], $0xffff;
	v9 =	vshll.u32 v27, $0x3;
	v10 =	vshrl.u32 v19, $0x1;
	v21 =	vand.u32 $0x400, v21  }
0x199: {  	v22 =	vld [tilespmem:s19+$0x10];
	v47 =	vor.u32 v11, v24;
	v9 =	vand.u32 $0x400, v9;
	v11 =	vor.u32 v21, v31  }
0x19a: {  	v4 =	vld.idx.msk [tilespmem:v44+s17+$0x0], $0xffff;
	v21 =	vand.u32 $0x380, v25;
	v31 =	vand.u32 $0xFFFFF87F, v29;
	v62 =	vor.u32 v9, v40  }
0x19b: {  	v13 =	vld [tilespmem:s20+$0xFFFFFFF0];
	v9 =	vand.u32 $0x380, v34;
	v50 =	vor.u32 v21, v28;
	v21 =	vshll.u32 v29, $0x3  }
0x19c: {  	v53 =	vld.idx.msk [tilespmem:v30+s17+$0x0], $0xffff;
	v34 =	vand.u32 $0x380, v56;
	v43 =	vmul.f32 v43, v20;
	v20 =	vand.u32 $0xFFFFF87F, v26  }
0x19d: {  	v18 =	vld [tilespmem:s26+$0xFFFFFFC0];
	v48 =	vmul.f32 v48, v15;
	v45 =	vmul.f32 v57, v16;
	v16 =	vand.u32 $0x380, v41  }
0x19e: {  	v28 =	vld.idx.msk [tilespmem:v29+s17+$0x0], $0xffff;
	v29 =	vshrl.u32 v29, $0x1;
	v56 =	vshll.u32 v36, $0x3;
	v25 =	vshll.u32 v22, $0x3  }
0x19f: {  	v40 =	vld.idx.msk [tilespmem:v54+s17+$0x0], $0xffff;
	v21 =	vand.u32 $0x400, v21;
	v15 =	vshrl.u32 v22, $0x1;
	v23 =	vmul.f32 v4, v23  }
0x1a0: {  	v24 =	vld.idx.msk [tilespmem:v32+s17+$0x0], $0xffff;
	v4 =	vand.u32 $0xFFFFF87F, v36;
	v21 =	vor.u32 v21, v31;
	v31 =	vshll.u32 v54, $0x3  }
0x1a1: {  	v17 =	vld [tilespmem:s26+$0xFFFFFFF0];
	v54 =	vand.u32 $0xFFFFF87F, v19;
	v14 =	vmul.f32 v53, v14;
	v31 =	vand.u32 $0x400, v31  }
0x1a2: {  	v23 =	vmul.f32 v42, v23;
	v42 =	vand.u32 $0x380, v29;
	v49 =	vld.idx.msk [tilespmem:v22+s17+$0x0], $0xffff;
	v31 =	vor.u32 v31, v55  }
0x1a3: {  	v5 =	vld.idx.msk [tilespmem:v13+s17+$0x0], $0xffff;
	v55 =	vshrl.u32 v44, $0x1;
	v28 =	vmul.f32 v28, v18;
	v18 =	vshll.u32 v26, $0x3  }
0x1a4: {  	v12 =	vld [tilespmem:s26+$0xFFFFFFD0];
	v41 =	vmul.f32 v40, v43;
	v40 =	vand.u32 $0x380, v55;
	v52 =	vand.u32 $0x400, v18  }
0x1a5: {  	v27 =	vld.idx.msk [tilespmem:v27+s17+$0x0], $0xffff;
	v18 =	vor.u32 v34, v31;
	v31 =	vmul.f32 v24, v28;
	v24 =	vshrl.u32 v26, $0x1  }
0x1a6: {  	v28 =	vld.idx.msk [tilespmem:v26+s17+$0x0], $0xffff;
	v26 =	vor.u32 v52, v20;
	v20 =	vand.u32 $0xFFFFF87F, v22;
	v22 =	vand.u32 $0x380, v24  }
0x1a7: {  	[tilespmem:v37+s25+$0x0] =	vst.idx.add.f32.msk $0xffff, v41;
	v37 =	vand.u32 $0xFFFFF87F, v30;
	v24 =	vor.u32 v22, v26;
	v22 =	vand.u32 $0x400, v25  }
0x1a8: {  	v25 =	vld.idx.msk [tilespmem:v19+s17+$0x0], $0xffff;
	v26 =	vshll.u32 v32, $0x3;
	v6 =	vmul.f32 v5, v17;
	v17 =	vmul.f32 v49, v45  }
0x1a9: {  	v7 =	vld.idx.msk [tilespmem:v2+s17+$0x0], $0xffff;
	v49 =	vshrl.u32 v36, $0x1;
	v5 =	vshll.u32 v39, $0x3;
	v19 =	vshll.u32 v19, $0x3  }
0x1aa: {  	[tilespmem:v38+s25+$0x0] =	vst.idx.add.f32.msk $0xffff, v31;
	v38 =	vshll.u32 v13, $0x3;
	v45 =	vand.u32 $0x380, v49;
	v19 =	vand.u32 $0x400, v19  }
0x1ab: {  	v57 =	vld.idx.msk [tilespmem:v63+s17+$0x0], $0xffff;
	v34 =	vmul.f32 v28, v48;
	v28 =	vand.u32 $0xFFFFF87F, v32;
	v32 =	vshrl.u32 v32, $0x1  }
0x1ac: {  	v48 =	vand.u32 $0x400, v26;
	v36 =	vand.u32 $0x380, v32;
	v32 =	vshll.u32 v30, $0x3  }
0x1ad: {  	v30 =	vshrl.u32 v30, $0x1;
	v25 =	vmul.f32 v25, v12;
	v12 =	vmul.f32 v27, v6  }
0x1ae: {  	v27 =	vshrl.u32 v39, $0x1;
	v6 =	vmul.f32 v7, v14;
	v14 =	vand.u32 $0x400, v56  }
0x1af: {  	v39 =	vand.u32 $0xFFFFF87F, v39;
	v7 =	vshll.u32 v44, $0x3;
	v43 =	vor.u32 v14, v4  }
0x1b0: {  	[tilespmem:v50+s25+$0x0] =	vst.idx.add.f32.msk $0xffff, v17;
	v14 =	vshrl.u32 v33, $0x1;
	v29 =	vand.u32 $0x400, v7;
	v56 =	vmul.f32 v57, v25  }
0x1b1: {  	[tilespmem:v35+s25+$0x0] =	vst.idx.add.f32.msk $0xffff, v34;
	v57 =	vand.u32 $0xFFFFF87F, v44;
	v44 =	vand.u32 $0x380, v27;
	v25 =	vsub.f32 $0.0e+00, v23  }
0x1b2: {  	v14 =	vand.u32 $0x380, v14;
	v26 =	vsub.f32 $0.0e+00, v12;
	[tilespmem:v46+s25+$0x0] =	vst.idx.add.f32.msk $0xffff, v6;
	v27 =	vsub.f32 $0.0e+00, v6  }
0x1b3: {  	v46 =	vand.u32 $0xFFFFF87F, v13;
	v49 =	vor.u32 v14, v51;
	v14 =	vand.u32 $0x400, v5;
	[tilespmem:v47+s25+$0x0] =	vst.idx.add.f32.msk $0xffff, v56  }
0x1b4: {  	s21 =	simm.s32 $0x0;
	s23 =	simm.s32 $0x1BC40;
	v33 =	vor.u32 v29, v57;
	v47 =	vor.u32 v19, v54;
	v19 =	vld [tilespmem:s22+$0x0];
	v29 =	vsub.f32 $0.0e+00, v56;
	s22 =	simm.s32 $0x1B440  }
.LBB2_15:
0x1b5: {  	v35 =	vld [tilespmem:s22+$0xFFFFFFF0]  }
0x1b6: {  	v13 =	vshrl.u32 v13, $0x1;
	v0 =	vld [tilespmem:s23+$0xFFFFFFD0]  }
0x1b7: {  	v14 =	vor.u32 v14, v39;
	v56 =	vsub.f32 $0.0e+00, v17;
	v21 =	vor.u32 v42, v21;
	v17 =	vld [tilespmem:s23+$0x0]  }
0x1b8: {  	v28 =	vor.u32 v48, v28;
	v7 =	vand.u32 $0x380, v13;
	v13 =	vor.u32 v44, v14;
	v14 =	vld [tilespmem:s23+$0xFFFFFFE0]  }
0x1b9: {  	v31 =	vsub.f32 $0.0e+00, v31;
	v20 =	vor.u32 v22, v20;
	v22 =	vand.u32 $0x380, v30;
	[tilespmem:v49+s25+$0x0] =	vst.idx.add.f32.msk $0xffff, v56  }
0x1ba: {  	v30 =	vand.u32 $0x400, v38;
	v15 =	vand.u32 $0x380, v15;
	v28 =	vor.u32 v36, v28;
	[tilespmem:v61+s25+$0x0] =	vst.idx.add.f32.msk $0xffff, v12  }
0x1bb: {  	v10 =	vand.u32 $0x380, v10;
	v11 =	vor.u32 v16, v11;
	v15 =	vor.u32 v15, v20;
	v61 =	vld [tilespmem:s22+$0xFFFFFFE0]  }
0x1bc: {  	v34 =	vsub.f32 $0.0e+00, v34;
	v30 =	vor.u32 v30, v46;
	v10 =	vor.u32 v10, v47;
	[tilespmem:v21+s25+$0x0] =	vst.idx.add.f32.msk $0xffff, v31  }
0x1bd: {  	v55 =	vand.u32 $0xFFFFF87F, v19;
	v57 =	vshrl.u32 v19, $0x1;
	v16 =	vshll.u32 v19, $0x3;
	v19 =	vld [tilespmem:s23+$0xFFFFFFF0]  }
0x1be: {  	v7 =	vor.u32 v7, v30;
	v30 =	vor.u32 v45, v43;
	[tilespmem:v13+s25+$0x0] =	vst.idx.add.f32.msk $0xffff, v34  }
0x1bf: {  	[tilespmem:v28+s25+$0x0] =	vst.idx.add.f32.msk $0xffff, v31  }
0x1c0: {  	[tilespmem:v15+s25+$0x0] =	vst.idx.add.f32.msk $0xffff, v56  }
0x1c1: {  	v54 =	vsub.f32 $0.0e+00, v41;
	[tilespmem:v10+s25+$0x0] =	vst.idx.add.f32.msk $0xffff, v29  }
0x1c2: {  	v8 =	vor.u32 v9, v62;
	[tilespmem:v24+s25+$0x0] =	vst.idx.add.f32.msk $0xffff, v34  }
0x1c3: {  	[tilespmem:v30+s25+$0x0] =	vst.idx.add.f32.msk $0xffff, v54  }
0x1c4: {  	s20 =	sadd.s32 $0x80, s20;
	v32 =	vand.u32 $0x400, v32;
	[tilespmem:v7+s25+$0x0] =	vst.idx.add.f32.msk $0xffff, v26  }
0x1c5: {  	v6 =	vand.u32 $0x400, v60;
	v13 =	vor.u32 v32, v37;
	v32 =	vld [tilespmem:s20+$0xFFFFFFC0]  }
0x1c6: {  	v3 =	vshrl.u32 v2, $0x1;
	v5 =	vor.u32 v6, v59;
	v9 =	vshll.u32 v35, $0x3;
	[tilespmem:v18+s25+$0x0] =	vst.idx.add.f32.msk $0xffff, v54  }
0x1c7: {  	v3 =	vand.u32 $0x380, v3;
	v46 =	vand.u32 $0x400, v9;
	v9 =	vand.u32 $0xFFFFF87F, v35;
	[tilespmem:v8+s25+$0x0] =	vst.idx.add.f32.msk $0xffff, v26  }
0x1c8: {  	v3 =	vor.u32 v3, v5;
	v16 =	vand.u32 $0x400, v16;
	v5 =	vor.u32 v46, v9;
	v9 =	vld [tilespmem:s22+$0x20]  }
0x1c9: {  	s19 =	sadd.s32 $0x80, s19;
	v38 =	vand.u32 $0x380, v57;
	v16 =	vor.u32 v16, v55;
	v13 =	vor.u32 v22, v13;
	v54 =	vld [tilespmem:s22+$0xFFFFFFC0]  }
0x1ca: {  	v45 =	vor.u32 v38, v16;
	v31 =	vld [tilespmem:s19+$0x20]  }
0x1cb: {  	v20 =	vor.u32 v40, v33;
	v10 =	vld [tilespmem:s22+$0x30]  }
0x1cc: {  	v2 =	vshrl.u32 v63, $0x1;
	v4 =	vand.u32 $0x400, v58;
	v16 =	vand.u32 $0xFFFFF87F, v63;
	v22 =	vld [tilespmem:s19+$0xFFFFFFF0]  }
0x1cd: {  	v2 =	vand.u32 $0x380, v2;
	[tilespmem:$0x1FFB0] =	vst v0;
	v4 =	vor.u32 v4, v16;
	v7 =	vld [tilespmem:s20+$0x30]  }
0x1ce: {  	v2 =	vor.u32 v2, v4;
	[tilespmem:v13+s25+$0x0] =	vst.idx.add.f32.msk $0xffff, v27  }
0x1cf: {  	v16 =	vshrl.u32 v35, $0x1;
	v47 =	vshll.u32 v61, $0x3;
	v8 =	vshrl.u32 v61, $0x1;
	[tilespmem:v45+s25+$0x0] =	vst.idx.add.f32.msk $0xffff, v23  }
0x1d0: {  	v48 =	vand.u32 $0xFFFFF87F, v61;
	v52 =	vand.u32 $0x380, v16;
	v4 =	vand.u32 $0x400, v47;
	[tilespmem:v20+s25+$0x0] =	vst.idx.add.f32.msk $0xffff, v25  }
0x1d1: {  	v0 =	vor.u32 v52, v5;
	v8 =	vand.u32 $0x380, v8;
	v13 =	vor.u32 v4, v48;
	[tilespmem:v3+s25+$0x0] =	vst.idx.add.f32.msk $0xffff, v27  }
0x1d2: {  	v52 =	vshrl.u32 v32, $0x1;
	v3 =	vld [tilespmem:s22+$0x10];
	v55 =	vshll.u32 v9, $0x3;
	v56 =	vshrl.u32 v9, $0x1  }
0x1d3: {  	v9 =	vand.u32 $0xFFFFF87F, v9;
	v5 =	vand.u32 $0xFFFFF87F, v54;
	v35 =	vor.u32 v8, v13;
	[tilespmem:v2+s25+$0x0] =	vst.idx.add.f32.msk $0xffff, v29  }
0x1d4: {  	v48 =	vand.u32 $0xFFFFF87F, v31;
	v6 =	vand.u32 $0x380, v56;
	v57 =	vshll.u32 v10, $0x3;
	v2 =	vld [tilespmem:s22+$0xFFFFFFD0]  }
0x1d5: {  	v20 =	vshrl.u32 v10, $0x1;
	v10 =	vand.u32 $0xFFFFF87F, v10;
	v28 =	vshrl.u32 v22, $0x1;
	v12 =	vld [tilespmem:s19+$0xFFFFFFD0]  }
0x1d6: {  	v60 =	vand.u32 $0xFFFFF87F, v22;
	v26 =	vand.u32 $0x400, v57;
	v20 =	vand.u32 $0x380, v20;
	v30 =	vld [tilespmem:s20+$0xFFFFFFD0]  }
0x1d7: {  	v57 =	vshll.u32 v7, $0x3;
	v58 =	vor.u32 v26, v10;
	v10 =	vshrl.u32 v54, $0x1  }
0x1d8: {  	v34 =	vld [tilespmem:s20+$0x10];
	v53 =	vshll.u32 v3, $0x3;
	v16 =	vshrl.u32 v3, $0x1;
	v3 =	vand.u32 $0xFFFFF87F, v3  }
0x1d9: {  	v63 =	vld [tilespmem:s19+$0x30];
	v4 =	vand.u32 $0x400, v53;
	v16 =	vand.u32 $0x380, v16;
	v49 =	vshll.u32 v2, $0x3  }
0x1da: {  	[tilespmem:v11+s25+$0x0] =	vst.idx.add.f32.msk $0xffff, v25;
	v11 =	vshrl.u32 v2, $0x1;
	v51 =	vand.u32 $0xFFFFF87F, v2;
	v21 =	vor.u32 v4, v3  }
0x1db: {  	[tilespmem:$0x1FFD0] =	vst v0;
	v44 =	vld [tilespmem:s20+$0x0];
	v4 =	vand.u32 $0x400, v55;
	v0 =	vshll.u32 v12, $0x3;
	v3 =	vshrl.u32 v30, $0x1  }
0x1dc: {  	v18 =	vld [tilespmem:s23+$0xFFFFFFC0];
	v50 =	vand.u32 $0x400, v49;
	v9 =	vor.u32 v4, v9;
	v11 =	vand.u32 $0x380, v11  }
0x1dd: {  	s26 =	simm.s32 $0x0;
	v61 =	vld [tilespmem:s19+$0x10];
	v49 =	vor.u32 v16, v21;
	v21 =	vshll.u32 v31, $0x3;
	v4 =	vshrl.u32 v31, $0x1  }
0x1de: {  	v53 =	vld.idx.msk [tilespmem:v31+s26+$0x0], $0xffff;
	[tilespmem:$0x1FFC0] =	vst v0;
	v31 =	vand.u32 $0xFFFFF87F, v32;
	v15 =	vor.u32 v50, v51;
	v0 =	vor.u32 v6, v9  }
0x1df: {  	v36 =	vld [tilespmem:s20+$0x20];
	v9 =	vshll.u32 v54, $0x3;
	v37 =	vand.u32 $0x400, v21;
	v21 =	vshrl.u32 v63, $0x1  }
0x1e0: {  	v23 =	vld [tilespmem:s23+$0x10];
	v54 =	vand.u32 $0x380, v4;
	v4 =	vshrl.u32 v44, $0x1;
	[tilespmem:$0x1FFF0] =	vst v0;
	v0 =	vor.u32 v20, v58  }
0x1e1: {  	v33 =	vld [tilespmem:s20+$0xFFFFFFE0];
	v59 =	vand.u32 $0x400, v9;
	v9 =	vand.u32 $0x380, v10;
	v40 =	vor.u32 v11, v15  }
0x1e2: {  	v20 =	vld [tilespmem:s19+$0x0];
	v15 =	vshrl.u32 v61, $0x1;
	v51 =	vand.u32 $0x380, v21;
	v21 =	vshll.u32 v32, $0x3  }
0x1e3: {  	v38 =	vld.idx.msk [tilespmem:v32+s26+$0x0], $0xffff;
	v58 =	vshrl.u32 v7, $0x1;
	v10 =	vor.u32 v59, v5;
	v21 =	vand.u32 $0x400, v21  }
0x1e4: {  	v41 =	vld.idx.msk [tilespmem:v7+s26+$0x0], $0xffff;
	v5 =	vand.u32 $0xFFFFF87F, v63;
	v59 =	vand.u32 $0xFFFFF87F, v7;
	v7 =	vshll.u32 v34, $0x3  }
0x1e5: {  	v1 =	vld.idx.msk [tilespmem:v34+s26+$0x0], $0xffff;
	[tilespmem:$0x1FFE0] =	vst v0;
	v0 =	vshll.u32 v44, $0x3;
	v26 =	vor.u32 v9, v10;
	v9 =	vshll.u32 v22, $0x3  }
0x1e6: {  	v43 =	vld.idx.msk [tilespmem:v22+s26+$0x0], $0xffff;
	v21 =	vor.u32 v21, v31;
	v31 =	vshll.u32 v63, $0x3;
	v32 =	vand.u32 $0x400, v7  }
0x1e7: {  	v46 =	vld.idx.msk [tilespmem:v61+s26+$0x0], $0xffff;
	v9 =	vand.u32 $0x400, v9;
	v31 =	vand.u32 $0x400, v31;
	v62 =	vshrl.u32 v20, $0x1  }
0x1e8: {  	v10 =	vor.u32 v9, v60;
	v22 =	vshll.u32 v20, $0x3;
	v16 =	vand.u32 $0x380, v62;
	v62 =	vld.idx.msk [tilespmem:v44+s26+$0x0], $0xffff  }
0x1e9: {  	v6 =	vld [tilespmem:s19+$0xFFFFFFC0];
	v9 =	vand.u32 $0x380, v28;
	v28 =	vand.u32 $0xFFFFF87F, v20;
	v22 =	vand.u32 $0x400, v22  }
0x1ea: {  	v8 =	vld.idx.msk [tilespmem:v33+s26+$0x0], $0xffff;
	v7 =	vand.u32 $0xFFFFF87F, v44;
	v31 =	vor.u32 v31, v5;
	v11 =	vor.u32 v22, v28  }
0x1eb: {  	v22 =	vshll.u32 v61, $0x3;
	v45 =	vld.idx.msk [tilespmem:v20+s26+$0x0], $0xffff;
	v20 =	vand.u32 $0xFFFFF87F, v61;
	v61 =	vshrl.u32 v36, $0x1  }
0x1ec: {  	v44 =	vand.u32 $0x380, v61;
	v61 =	vmul.f32 v38, v18;
	v18 =	vor.u32 v51, v31;
	v51 =	vld.idx.msk [tilespmem:v30+s26+$0x0], $0xffff  }
0x1ed: {  	v1 =	vmul.f32 v1, v23;
	v23 =	vmul.f32 v62, v17;
	v62 =	vmovc v10;
	v10 =	vmov v3;
	v3 =	vld [tilespmem:$0x1FFB0]  }
0x1ee: {  	v13 =	vld [tilespmem:s20+$0xFFFFFFF0]  }
0x1ef: {  	v25 =	vld [tilespmem:s23+$0x30]  }
0x1f0: {  	v2 =	vld [tilespmem:s19+$0xFFFFFFE0]  }
0x1f1: {  	v55 =	vld.idx.msk [tilespmem:v63+s26+$0x0], $0xffff;
	v17 =	vmul.f32 v46, v1  }
0x1f2: {  	v1 =	vmul.f32 v8, v14;
	v14 =	vmul.f32 v51, v3;
	v3 =	vld [tilespmem:$0x1FFE0]  }
0x1f3: {  	v56 =	vld.idx.msk [tilespmem:v6+s26+$0x0], $0xffff  }
0x1f4: {  	v24 =	vld [tilespmem:s23+$0x20];
	v42 =	vand.u32 $0xFFFFF87F, v34;
	v39 =	vand.u32 $0xFFFFF87F, v36;
	v47 =	vand.u32 $0xFFFFF87F, v30  }
0x1f5: {  	v25 =	vmul.f32 v41, v25;
	v29 =	vshll.u32 v2, $0x3;
	v27 =	vand.u32 $0xFFFFF87F, v2;
	v63 =	vld.idx.msk [tilespmem:v36+s26+$0x0], $0xffff  }
0x1f6: {  	v50 =	vshll.u32 v6, $0x3;
	v28 =	vand.u32 $0xFFFFF87F, v6;
	v6 =	vshrl.u32 v6, $0x1  }
0x1f7: {  	v41 =	vmul.f32 v55, v25;
	v60 =	vshll.u32 v36, $0x3;
	v36 =	vand.u32 $0x380, v6;
	v6 =	vld.idx.msk [tilespmem:v13+s26+$0x0], $0xffff  }
0x1f8: {  	v0 =	vand.u32 $0x400, v0;
	v5 =	vor.u32 v32, v42;
	v31 =	vmul.f32 v56, v61;
	v56 =	vld.idx.msk [tilespmem:v2+s26+$0x0], $0xffff  }
0x1f9: {  	v32 =	vshll.u32 v33, $0x3;
	v42 =	vand.u32 $0x380, v52;
	v52 =	vshrl.u32 v34, $0x1;
	v61 =	vld.idx.msk [tilespmem:v12+s26+$0x0], $0xffff  }
0x1fa: {  	v34 =	vmul.f32 v63, v24;
	v24 =	vor.u32 v37, v48;
	v48 =	vand.u32 $0x400, v50;
	[tilespmem:v3+s25+$0x0] =	vst.idx.add.f32.msk $0xffff, v41  }
0x1fb: {  	v37 =	vand.u32 $0xFFFFF87F, v33;
	v22 =	vand.u32 $0x400, v22;
	v24 =	vor.u32 v54, v24;
	v3 =	vld [tilespmem:$0x1FFF0]  }
0x1fc: {  	v38 =	vshll.u32 v13, $0x3;
	v34 =	vmul.f32 v53, v34;
	v6 =	vmul.f32 v6, v19;
	v19 =	vld [tilespmem:s22+$0x0]  }
0x1fd: {  	s21 =	sadd.s32 $0x8, s21;
	v30 =	vshll.u32 v30, $0x3;
	v23 =	vmul.f32 v45, v23;
	v45 =	vand.u32 $0x380, v58;
	v58 =	vld [tilespmem:$0x1FFC0]  }
0x1fe: {  	p0 =	slt.u32 s21, $0x70;
	v8 =	vand.u32 $0x400, v57;
	v46 =	vand.u32 $0xFFFFF87F, v13;
	v57 =	vand.u32 $0x400, v30;
	[tilespmem:v49+s25+$0x0] =	vst.idx.add.f32.msk $0xffff, v17  }
.Ltmp6:
0x1ff: {  	v30 =	vshrl.u32 v33, $0x1;
	v33 =	vor.u32 v0, v7;
	[tilespmem:v26+s25+$0x0] =	vst.idx.add.f32.msk $0xffff, v31;
	v1 =	vmul.f32 v56, v1;
	(pc) =	sbr.rel @p0 .LBB2_15-.Ltmp6, $4  }
0x200: {  	v63 =	vmovc v12;
	v47 =	vor.u32 v57, v47;
	v12 =	vmul.f32 v43, v6;
	v56 =	vmul.f32 v61, v14;
	v61 =	vld [tilespmem:$0x1FFD0]  }
0x201: {  	v25 =	vsub.f32 $0.0e+00, v23;
	v43 =	vor.u32 v8, v59;
	v8 =	vand.u32 $0x380, v52;
	[tilespmem:v35+s25+$0x0] =	vst.idx.add.f32.msk $0xffff, v1  }
0x202: {  	v49 =	vor.u32 v8, v5;
	v26 =	vsub.f32 $0.0e+00, v12;
	v14 =	vand.u32 $0x400, v60;
	[tilespmem:v40+s25+$0x0] =	vst.idx.add.f32.msk $0xffff, v56  }
0x203: {  	s23 =	sadd.s32 $0x80, s23;
	s22 =	sadd.s32 $0x80, s22;
	v59 =	vmovc v27;
	v60 =	vmovc v29;
	v27 =	vsub.f32 $0.0e+00, v1;
	v29 =	vsub.f32 $0.0e+00, v56;
	v40 =	vand.u32 $0x380, v4;
	[tilespmem:v3+s25+$0x0] =	vst.idx.add.f32.msk $0xffff, v34  }
0x204: {  	_ =	sdelay $0x1  }
0x205: {  	v0 =	vor.u32 v14, v39;
	v1 =	vshrl.u32 v13, $0x1;
	v6 =	vor.u32 v42, v21  }
0x206: {  	v4 =	vor.u32 v48, v28;
	v5 =	vsub.f32 $0.0e+00, v41;
	v45 =	vor.u32 v45, v43  }
0x207: {  	v7 =	vand.u32 $0xFFFFF87F, v19;
	v8 =	vsub.f32 $0.0e+00, v17;
	v0 =	vor.u32 v44, v0  }
0x208: {  	v35 =	vsub.f32 $0.0e+00, v31;
	v39 =	vand.u32 $0x380, v30;
	v4 =	vor.u32 v36, v4;
	[tilespmem:v61+s25+$0x0] =	vst.idx.add.f32.msk $0xffff, v12  }
0x209: {  	v41 =	vsub.f32 $0.0e+00, v34;
	v42 =	vand.u32 $0x400, v38;
	v53 =	vand.u32 $0x380, v10;
	[tilespmem:v49+s25+$0x0] =	vst.idx.add.f32.msk $0xffff, v8  }
0x20a: {  	v48 =	vand.u32 $0x400, v32;
	v15 =	vand.u32 $0x380, v15;
	v54 =	vor.u32 v53, v47;
	[tilespmem:v6+s25+$0x0] =	vst.idx.add.f32.msk $0xffff, v35  }
0x20b: {  	v57 =	vand.u32 $0x400, v60;
	v36 =	vor.u32 v22, v20;
	v1 =	vand.u32 $0x380, v1;
	[tilespmem:v45+s25+$0x0] =	vst.idx.add.f32.msk $0xffff, v5  }
0x20c: {  	v52 =	vor.u32 v42, v46;
	v49 =	vshll.u32 v19, $0x3;
	v12 =	vor.u32 v15, v36;
	[tilespmem:v0+s25+$0x0] =	vst.idx.add.f32.msk $0xffff, v41  }
0x20d: {  	v44 =	vshrl.u32 v19, $0x1;
	v1 =	vor.u32 v1, v52;
	v0 =	vand.u32 $0x400, v49;
	[tilespmem:v4+s25+$0x0] =	vst.idx.add.f32.msk $0xffff, v35  }
0x20e: {  	v9 =	vor.u32 v9, v62;
	v51 =	vand.u32 $0x380, v44;
	[tilespmem:v18+s25+$0x0] =	vst.idx.add.f32.msk $0xffff, v5;
	v0 =	vor.u32 v0, v7  }
0x20f: {  	v3 =	vshrl.u32 v2, $0x1;
	v50 =	vor.u32 v48, v37;
	[tilespmem:v54+s25+$0x0] =	vst.idx.add.f32.msk $0xffff, v29;
	v0 =	vor.u32 v51, v0  }
0x210: {  	v59 =	vor.u32 v57, v59;
	v3 =	vand.u32 $0x380, v3;
	v6 =	vor.u32 v39, v50;
	[tilespmem:v24+s25+$0x0] =	vst.idx.add.f32.msk $0xffff, v41  }
0x211: {  	v55 =	vor.u32 v40, v33;
	v3 =	vor.u32 v3, v59;
	[tilespmem:v12+s25+$0x0] =	vst.idx.add.f32.msk $0xffff, v8  }
0x212: {  	v60 =	vand.u32 $0x400, v58;
	v62 =	vshrl.u32 v63, $0x1;
	v61 =	vand.u32 $0xFFFFF87F, v63;
	[tilespmem:v1+s25+$0x0] =	vst.idx.add.f32.msk $0xffff, v26  }
0x213: {  	v56 =	vor.u32 v16, v11;
	v2 =	vand.u32 $0x380, v62;
	v63 =	vor.u32 v60, v61;
	[tilespmem:v9+s25+$0x0] =	vst.idx.add.f32.msk $0xffff, v26  }
0x214: {  	[tilespmem:v0+s25+$0x0] =	vst.idx.add.f32.msk $0xffff, v23;
	v0 =	vor.u32 v2, v63  }
0x215: {  	[tilespmem:v6+s25+$0x0] =	vst.idx.add.f32.msk $0xffff, v27  }
0x216: {  	[tilespmem:v3+s25+$0x0] =	vst.idx.add.f32.msk $0xffff, v27  }
0x217: {  	[tilespmem:v55+s25+$0x0] =	vst.idx.add.f32.msk $0xffff, v25  }
0x218: {  	[tilespmem:v56+s25+$0x0] =	vst.idx.add.f32.msk $0xffff, v25  }
0x219: {  	[tilespmem:v0+s25+$0x0] =	vst.idx.add.f32.msk $0xffff, v29  }
.LBB2_17:
0x21a: {  	s19 =	sshra.s32 s26, $0x2  }
0x21b: {  	v0 =	vld [tilespmem:s19+$0x1AB00];
	_ =	sdelay $0x1  }
0x21c: {  	v1 =	vld [tilespmem:s19+$0x1B300]  }
0x21d: {  	v2 =	vld [tilespmem:s19+$0x1BB00];
	_ =	sdelay $0x3  }
0x21e: {  	v3 =	vld [tilespmem:s19+$0x1C300]  }
0x21f: {  	v5 =	vshll.u32 v2, $0x3;
	v6 =	vshrl.u32 v2, $0x1;
	v2 =	vand.u32 $0xFFFFF87F, v2;
	v4 =	vld.idx.msk [tilespmem:v0+s7+$0x0], $0xffff  }
0x220: {  	v60 =	vshll.u32 v0, $0x3;
	v61 =	vshrl.u32 v0, $0x1;
	v5 =	vand.u32 $0x400, v5  }
0x221: {  	v62 =	vshll.u32 v1, $0x3;
	v6 =	vand.u32 $0x380, v6;
	v2 =	vor.u32 v5, v2;
	v59 =	vld.idx.msk [tilespmem:v1+s7+$0x0], $0xffff  }
0x222: {  	v7 =	vshrl.u32 v1, $0x1;
	v5 =	vand.u32 $0x400, v60;
	v2 =	vor.u32 v6, v2  }
0x223: {  	v0 =	vand.u32 $0xFFFFF87F, v0;
	v6 =	vand.u32 $0x380, v61;
	v1 =	vand.u32 $0xFFFFF87F, v1  }
0x224: {  	v0 =	vor.u32 v5, v0;
	v5 =	vand.u32 $0x400, v62;
	v3 =	vmul.f32 v4, v3  }
0x225: {  	v63 =	vand.u32 $0x380, v7;
	v0 =	vor.u32 v6, v0;
	v1 =	vor.u32 v5, v1  }
0x226: {  	p0 =	sne.s32 s26, $0x100;
	v1 =	vor.u32 v63, v1;
	v3 =	vmul.f32 v59, v3  }
.Ltmp7:
0x227: {  	_ = 	snop;
	(pc) =	sbr.rel @p0 .LBB2_17-.Ltmp7, $4  }
0x228: {  	v4 =	vsub.f32 $0.0e+00, v3  }
0x229: {  	[tilespmem:v2+s25+$0x0] =	vst.idx.add.f32.msk $0xffff, v3  }
0x22a: {  	[tilespmem:v0+s25+$0x0] =	vst.idx.add.f32.msk $0xffff, v4  }
0x22b: {  	s26 =	sadd.s32 $0x40, s26;
	[tilespmem:v1+s25+$0x0] =	vst.idx.add.f32.msk $0xffff, v4  }
0x22c: {  	s19 =	sshll.u32 s18, $0x1  }
0x22d: {  	s19 =	smin.u32 s19, $0x2F  }
0x22e: {  	s19 =	smul.u32 $0x7D0, s19;
	_ =	sdelay $0x1  }
0x22f: {  	s19 =	sadd.s32 s19, s16  }
0x230: {  	s20 =	sshrl.u32 s19, $0x3  }
0x231: {  	s21 =	sadd.s32 s3, s20  }
0x232: {  	[tilespmem:s28], [sflag:$0x1] =	stream.linear.gather [hbm4b:s21+s7], $0x7D0, $0x38;
	[tilespmem:$0x1E480] =	vst v63  }
0x233: {  	s19 =	sadd.s32 s10, s19;
	s23 =	sadd.s32 s4, s20  }
0x234: {  	[tilespmem:s29], [sflag:$0x1] =	stream.linear.gather [hbm4b:s23+s7], $0x7D0, $0x38;
	[tilespmem:$0x1E480] =	vst v63  }
0x235: {  	s20 =	sadd.s32 s5, s20;
	s19 =	sshrl.u32 s19, $0x3  }
0x236: {  	[tilespmem:s12], [sflag:$0x1] =	stream.linear.gather [hbm4b:s20+s7], $0x7D0, $0x38;
	[tilespmem:$0x1E480] =	vst v63  }
0x237: {  	s19 =	sadd.s32 s9, s19  }
0x238: {  	[tilespmem:s30], [sflag:$0x1] =	stream.linear.gather [hbm4b:s19+s7], $0x7D0, $0x38;
	[tilespmem:$0x1E480] =	vst v63  }
0x239: {  	_ =	swait.ge [sflag:s11], $0x7D0  }
0x23a: {  	[sflag:s11] =	ssyncset.done $0x0  }
0x23b: {  	[sflag:s11] =	ssyncadd.s32 $0xFFFFF830  }
0x23c: {  	_ =	swait.ge [sflag:s11], $0x7D0  }
0x23d: {  	[sflag:s11] =	ssyncset.done $0x0  }
0x23e: {  	[sflag:s11] =	ssyncadd.s32 $0xFFFFF830  }
0x23f: {  	_ =	swait.ge [sflag:s11], $0x7D0  }
0x240: {  	[sflag:s11] =	ssyncset.done $0x0  }
0x241: {  	[sflag:s11] =	ssyncadd.s32 $0xFFFFF830  }
0x242: {  	_ =	swait.ge [sflag:s11], $0x7D0  }
0x243: {  	[sflag:s11] =	ssyncset.done $0x0  }
0x244: {  	s23 =	simm.s32 $0x1D3C0;
	[sflag:s11] =	ssyncadd.s32 $0xFFFFF830  }
0x245: {  	s26 =	simm.s32 $0x1DBC0;
	v0 =	vld [tilespmem:s23+$0xFFFFFFF0]  }
0x246: {  	v14 =	vld [tilespmem:s26+$0xFFFFFFE0]  }
0x247: {  	v23 =	vld [tilespmem:s26+$0x0]  }
0x248: {  	v1 =	vld [tilespmem:s23+$0xFFFFFFE0]  }
0x249: {  	v3 =	vld [tilespmem:s23+$0xFFFFFFD0]  }
0x24a: {  	v16 =	vld [tilespmem:s26+$0x10]  }
0x24b: {  	v4 =	vld [tilespmem:s23+$0x10]  }
0x24c: {  	v15 =	vld [tilespmem:s26+$0x20]  }
0x24d: {  	s20 =	simm.s32 $0x1CBC0;
	v5 =	vld [tilespmem:s23+$0x20]  }
0x24e: {  	v61 =	vld [tilespmem:s20+$0xFFFFFFD0]  }
0x24f: {  	v13 =	vld [tilespmem:s23+$0xFFFFFFC0]  }
0x250: {  	s21 =	simm.s32 $0x1C3C0;
	v25 =	vld [tilespmem:s20+$0xFFFFFFF0]  }
0x251: {  	v26 =	vld [tilespmem:s21+$0xFFFFFFC0]  }
0x252: {  	v27 =	vld [tilespmem:s20+$0x0];
	v2 =	vshll.u32 v0, $0x3;
	v6 =	vand.u32 $0xFFFFF87F, v0;
	v0 =	vshrl.u32 v0, $0x1  }
0x253: {  	v29 =	vld [tilespmem:s21+$0x10];
	v7 =	vshll.u32 v1, $0x3;
	v9 =	vshrl.u32 v1, $0x1;
	v1 =	vand.u32 $0xFFFFF87F, v1  }
0x254: {  	v20 =	vld [tilespmem:s26+$0x30];
	v10 =	vshll.u32 v3, $0x3;
	v11 =	vshrl.u32 v3, $0x1;
	v22 =	vshrl.u32 v4, $0x1  }
0x255: {  	v8 =	vld [tilespmem:s23+$0x30];
	v60 =	vshrl.u32 v5, $0x1;
	v58 =	vshll.u32 v61, $0x3;
	v62 =	vshll.u32 v13, $0x3  }
0x256: {  	v24 =	vld [tilespmem:s20+$0x20];
	v63 =	vand.u32 $0xFFFFF87F, v13;
	v31 =	vshrl.u32 v25, $0x1;
	v34 =	vand.u32 $0xFFFFF87F, v25  }
0x257: {  	v19 =	vld [tilespmem:s21+$0xFFFFFFD0];
	v39 =	vshll.u32 v27, $0x3;
	v40 =	vshrl.u32 v27, $0x1;
	v52 =	vand.u32 $0xFFFFF87F, v26  }
0x258: {  	v36 =	vld [tilespmem:s21+$0x30];
	v45 =	vshll.u32 v29, $0x3;
	v49 =	vand.u32 $0xFFFFF87F, v29;
	v2 =	vand.u32 $0x400, v2  }
0x259: {  	v38 =	vld [tilespmem:s21+$0x20];
	v7 =	vand.u32 $0x400, v7;
	v59 =	vand.u32 $0x400, v10;
	v10 =	vand.u32 $0xFFFFF87F, v3  }
0x25a: {  	v30 =	vld [tilespmem:s21+$0xFFFFFFE0];
	v0 =	vand.u32 $0x380, v0;
	v9 =	vand.u32 $0x380, v9;
	v11 =	vand.u32 $0x380, v11  }
0x25b: {  	v44 =	vld [tilespmem:s21+$0x0];
	v45 =	vand.u32 $0x400, v45;
	v6 =	vor.u32 v2, v6;
	v1 =	vor.u32 v7, v1  }
0x25c: {  	v32 =	vld [tilespmem:s20+$0xFFFFFFC0];
	v21 =	vor.u32 v59, v10;
	v2 =	vshll.u32 v4, $0x3;
	v4 =	vand.u32 $0xFFFFF87F, v4  }
0x25d: {  	v3 =	vld [tilespmem:s20+$0xFFFFFFE0];
	v49 =	vor.u32 v45, v49;
	v10 =	vor.u32 v0, v6;
	v0 =	vand.u32 $0x400, v2  }
0x25e: {  	s19 =	simm.s32 $0x0;
	v7 =	vld [tilespmem:s20+$0x30];
	v6 =	vand.u32 $0x380, v60;
	v2 =	vshrl.u32 v8, $0x1;
	v1 =	vor.u32 v9, v1  }
0x25f: {  	v42 =	vld.idx.msk [tilespmem:v27+s19+$0x0], $0xffff;
	v27 =	vand.u32 $0xFFFFF87F, v27;
	v46 =	vor.u32 v11, v21;
	v21 =	vand.u32 $0x380, v22  }
0x260: {  	v43 =	vld.idx.msk [tilespmem:v36+s19+$0x0], $0xffff;
	v0 =	vor.u32 v0, v4;
	v4 =	vshll.u32 v5, $0x3;
	v5 =	vand.u32 $0xFFFFF87F, v5  }
0x261: {  	v47 =	vld.idx.msk [tilespmem:v38+s19+$0x0], $0xffff;
	v2 =	vand.u32 $0x380, v2;
	v4 =	vand.u32 $0x400, v4;
	v0 =	vor.u32 v21, v0  }
0x262: {  	v55 =	vld.idx.msk [tilespmem:v29+s19+$0x0], $0xffff;
	v21 =	vshll.u32 v26, $0x3;
	v5 =	vor.u32 v4, v5;
	v4 =	vshll.u32 v8, $0x3  }
0x263: {  	v56 =	vld.idx.msk [tilespmem:v44+s19+$0x0], $0xffff;
	v8 =	vand.u32 $0xFFFFF87F, v8;
	v60 =	vshll.u32 v3, $0x3;
	v59 =	vand.u32 $0xFFFFF87F, v3  }
0x264: {  	v51 =	vld.idx.msk [tilespmem:v30+s19+$0x0], $0xffff;
	v21 =	vand.u32 $0x400, v21;
	v28 =	vand.u32 $0x400, v4;
	v33 =	vor.u32 v6, v5  }
0x265: {  	v41 =	vand.u32 $0xFFFFF87F, v7;
	v21 =	vor.u32 v21, v52;
	v53 =	vshll.u32 v7, $0x3  }
0x266: {  	v54 =	vshrl.u32 v7, $0x1;
	v52 =	vand.u32 $0xFFFFF87F, v19;
	v5 =	vor.u32 v28, v8  }
0x267: {  	v8 =	vshrl.u32 v13, $0x1;
	v57 =	vmul.f32 v43, v20;
	v20 =	vand.u32 $0xFFFFF87F, v24  }
0x268: {  	v18 =	vld [tilespmem:s26+$0xFFFFFFC0];
	v47 =	vmul.f32 v47, v15;
	v45 =	vmul.f32 v55, v16;
	v16 =	vand.u32 $0x380, v40  }
0x269: {  	v28 =	vld [tilespmem:s20+$0x10];
	v23 =	vmul.f32 v56, v23;
	v40 =	vshll.u32 v32, $0x3;
	v14 =	vmul.f32 v51, v14  }
0x26a: {  	v13 =	vld [tilespmem:s21+$0xFFFFFFF0];
	v35 =	vor.u32 v2, v5;
	v5 =	vand.u32 $0x400, v62;
	v8 =	vand.u32 $0x380, v8  }
0x26b: {  	v56 =	vld.idx.msk [tilespmem:v3+s19+$0x0], $0xffff;
	v2 =	vor.u32 v5, v63;
	v63 =	vand.u32 $0x380, v31;
	v31 =	vand.u32 $0x400, v39  }
0x26c: {  	v39 =	vand.u32 $0x400, v53;
	v23 =	vmul.f32 v42, v23;
	v11 =	vor.u32 v31, v27;
	v31 =	vld.idx.msk [tilespmem:v26+s19+$0x0], $0xffff  }
0x26d: {  	v17 =	vld [tilespmem:s26+$0xFFFFFFF0];
	v37 =	vor.u32 v8, v2;
	v8 =	vshll.u32 v25, $0x3;
	v2 =	vshrl.u32 v19, $0x1  }
0x26e: {  	v22 =	vld.idx.msk [tilespmem:v32+s19+$0x0], $0xffff;
	v39 =	vor.u32 v39, v41;
	v41 =	vand.u32 $0x380, v54;
	v8 =	vand.u32 $0x400, v8  }
0x26f: {  	v26 =	vshrl.u32 v26, $0x1;
	v54 =	vshll.u32 v44, $0x3;
	v62 =	vor.u32 v8, v34;
	v34 =	vld.idx.msk [tilespmem:v7+s19+$0x0], $0xffff  }
0x270: {  	v6 =	vld.idx.msk [tilespmem:v24+s19+$0x0], $0xffff;
	v42 =	vand.u32 $0x380, v26;
	v27 =	vshll.u32 v28, $0x3;
	v53 =	vmul.f32 v56, v14  }
0x271: {  	v15 =	vshrl.u32 v28, $0x1;
	v48 =	vld.idx.msk [tilespmem:v28+s19+$0x0], $0xffff;
	v31 =	vmul.f32 v31, v18;
	v18 =	vshll.u32 v24, $0x3  }
0x272: {  	[tilespmem:v1+s25+$0x0] =	vst.idx.add.f32.msk $0xffff, v53;
	v1 =	vand.u32 $0x400, v54;
	v50 =	vand.u32 $0x400, v18;
	v18 =	vor.u32 v41, v39  }
0x273: {  	v7 =	vld.idx.msk [tilespmem:v13+s19+$0x0], $0xffff;
	v39 =	vand.u32 $0xFFFFF87F, v38;
	v31 =	vmul.f32 v22, v31;
	v22 =	vshrl.u32 v24, $0x1  }
0x274: {  	v24 =	vor.u32 v50, v20;
	v20 =	vand.u32 $0xFFFFF87F, v28;
	v41 =	vmul.f32 v34, v57  }
0x275: {  	v12 =	vld [tilespmem:s26+$0xFFFFFFD0];
	v34 =	vmul.f32 v6, v47;
	v28 =	vand.u32 $0xFFFFF87F, v32;
	v50 =	vshrl.u32 v36, $0x1  }
0x276: {  	v25 =	vld.idx.msk [tilespmem:v25+s19+$0x0], $0xffff;
	v6 =	vand.u32 $0xFFFFF87F, v36;
	v32 =	vshrl.u32 v32, $0x1;
	v22 =	vand.u32 $0x380, v22  }
0x277: {  	v24 =	vor.u32 v22, v24;
	v22 =	vand.u32 $0x400, v27;
	[tilespmem:v37+s25+$0x0] =	vst.idx.add.f32.msk $0xffff, v31;
	v37 =	vand.u32 $0xFFFFF87F, v30  }
0x278: {  	v27 =	vld.idx.msk [tilespmem:v19+s19+$0x0], $0xffff;
	v55 =	vmul.f32 v7, v17;
	v17 =	vmul.f32 v48, v45;
	v45 =	vshll.u32 v36, $0x3  }
0x279: {  	v7 =	vshll.u32 v38, $0x3;
	v36 =	vand.u32 $0x380, v32;
	v32 =	vshll.u32 v30, $0x3  }
0x27a: {  	v57 =	vld.idx.msk [tilespmem:v61+s19+$0x0], $0xffff;
	v48 =	vand.u32 $0x400, v40;
	v30 =	vshrl.u32 v30, $0x1;
	v14 =	vand.u32 $0x400, v45  }
0x27b: {  	v43 =	vor.u32 v14, v6;
	v14 =	vshrl.u32 v29, $0x1;
	[tilespmem:v0+s25+$0x0] =	vst.idx.add.f32.msk $0xffff, v17;
	v0 =	vshll.u32 v19, $0x3  }
0x27c: {  	v45 =	vand.u32 $0x380, v50;
	v14 =	vand.u32 $0x380, v14;
	v0 =	vand.u32 $0x400, v0  }
0x27d: {  	v27 =	vmul.f32 v27, v12;
	v12 =	vmul.f32 v25, v55;
	v25 =	vshrl.u32 v38, $0x1  }
0x27e: {  	v55 =	vshrl.u32 v44, $0x1;
	v38 =	vshll.u32 v13, $0x3;
	v49 =	vor.u32 v14, v49  }
0x27f: {  	[tilespmem:v35+s25+$0x0] =	vst.idx.add.f32.msk $0xffff, v41;
	v14 =	vand.u32 $0x400, v7;
	v47 =	vor.u32 v0, v52;
	v56 =	vmul.f32 v57, v27  }
0x280: {  	[tilespmem:v33+s25+$0x0] =	vst.idx.add.f32.msk $0xffff, v34;
	v57 =	vand.u32 $0xFFFFF87F, v44;
	v44 =	vand.u32 $0x380, v25;
	v25 =	vsub.f32 $0.0e+00, v23  }
0x281: {  	v19 =	vld [tilespmem:s23+$0x0];
	v40 =	vand.u32 $0x380, v55;
	v26 =	vsub.f32 $0.0e+00, v12;
	v27 =	vsub.f32 $0.0e+00, v53  }
0x282: {  	s22 =	simm.s32 $0x0;
	s26 =	simm.s32 $0x1DC40;
	s23 =	simm.s32 $0x1D440;
	v33 =	vor.u32 v1, v57;
	[tilespmem:v46+s25+$0x0] =	vst.idx.add.f32.msk $0xffff, v56;
	v46 =	vand.u32 $0xFFFFF87F, v13;
	v29 =	vsub.f32 $0.0e+00, v56  }
.LBB2_19:
0x283: {  	v0 =	vld [tilespmem:s23+$0xFFFFFFF0]  }
0x284: {  	v1 =	vshrl.u32 v13, $0x1;
	v13 =	vor.u32 v14, v39;
	v4 =	vld [tilespmem:s26+$0xFFFFFFD0]  }
0x285: {  	v14 =	vor.u32 v48, v28;
	[tilespmem:v10+s25+$0x0] =	vst.idx.add.f32.msk $0xffff, v12;
	v21 =	vor.u32 v42, v21  }
0x286: {  	v54 =	vsub.f32 $0.0e+00, v17;
	v20 =	vor.u32 v22, v20;
	v56 =	vld [tilespmem:s23+$0xFFFFFFE0];
	v7 =	vor.u32 v44, v13  }
0x287: {  	v10 =	vand.u32 $0x380, v2;
	v15 =	vand.u32 $0x380, v15;
	v13 =	vor.u32 v36, v14;
	v2 =	vld [tilespmem:s26+$0xFFFFFFF0]  }
0x288: {  	v31 =	vsub.f32 $0.0e+00, v31;
	v22 =	vand.u32 $0x380, v30;
	v15 =	vor.u32 v15, v20;
	[tilespmem:v49+s25+$0x0] =	vst.idx.add.f32.msk $0xffff, v54  }
0x289: {  	v30 =	vand.u32 $0x400, v38;
	v34 =	vsub.f32 $0.0e+00, v34;
	v10 =	vor.u32 v10, v47;
	[tilespmem:$0x1FF80] =	vst v4;
	v4 =	vld [tilespmem:s26+$0xFFFFFFE0]  }
0x28a: {  	v1 =	vand.u32 $0x380, v1;
	v30 =	vor.u32 v30, v46;
	[tilespmem:v21+s25+$0x0] =	vst.idx.add.f32.msk $0xffff, v31  }
0x28b: {  	v1 =	vor.u32 v1, v30;
	v30 =	vor.u32 v45, v43;
	[tilespmem:v7+s25+$0x0] =	vst.idx.add.f32.msk $0xffff, v34  }
0x28c: {  	[tilespmem:v13+s25+$0x0] =	vst.idx.add.f32.msk $0xffff, v31  }
0x28d: {  	[tilespmem:v15+s25+$0x0] =	vst.idx.add.f32.msk $0xffff, v54  }
0x28e: {  	v35 =	vsub.f32 $0.0e+00, v41;
	[tilespmem:v10+s25+$0x0] =	vst.idx.add.f32.msk $0xffff, v29  }
0x28f: {  	[tilespmem:v24+s25+$0x0] =	vst.idx.add.f32.msk $0xffff, v34  }
0x290: {  	v8 =	vor.u32 v63, v62;
	[tilespmem:v30+s25+$0x0] =	vst.idx.add.f32.msk $0xffff, v35  }
0x291: {  	[tilespmem:v1+s25+$0x0] =	vst.idx.add.f32.msk $0xffff, v26  }
0x292: {  	s21 =	sadd.s32 $0x80, s21;
	v62 =	vld [tilespmem:s23+$0xFFFFFFC0]  }
0x293: {  	v32 =	vand.u32 $0x400, v32;
	v31 =	vld [tilespmem:s21+$0xFFFFFFC0]  }
0x294: {  	v11 =	vor.u32 v16, v11;
	v57 =	vor.u32 v32, v37;
	[tilespmem:v18+s25+$0x0] =	vst.idx.add.f32.msk $0xffff, v35  }
0x295: {  	v6 =	vand.u32 $0x400, v60;
	v16 =	vshll.u32 v19, $0x3;
	v7 =	vor.u32 v22, v57;
	[tilespmem:v8+s25+$0x0] =	vst.idx.add.f32.msk $0xffff, v26  }
0x296: {  	s20 =	sadd.s32 $0x80, s20;
	v28 =	vand.u32 $0xFFFFF87F, v19;
	v55 =	vshrl.u32 v19, $0x1;
	v16 =	vand.u32 $0x400, v16;
	[tilespmem:$0x1FF70] =	vst v4;
	v4 =	vld [tilespmem:s26+$0x0]  }
0x297: {  	v3 =	vshrl.u32 v3, $0x1;
	v38 =	vand.u32 $0x380, v55;
	v13 =	vor.u32 v16, v28;
	v21 =	vld [tilespmem:s20+$0x20]  }
0x298: {  	v5 =	vor.u32 v6, v59;
	v3 =	vand.u32 $0x380, v3;
	v59 =	vor.u32 v38, v13;
	v38 =	vld [tilespmem:s21+$0x20]  }
0x299: {  	v3 =	vor.u32 v3, v5;
	[tilespmem:$0x1FF60] =	vst v2;
	v10 =	vld [tilespmem:s23+$0x30]  }
0x29a: {  	v16 =	vor.u32 v40, v33;
	[tilespmem:v7+s25+$0x0] =	vst.idx.add.f32.msk $0xffff, v27  }
0x29b: {  	v2 =	vshrl.u32 v61, $0x1;
	v13 =	vand.u32 $0xFFFFF87F, v61;
	v20 =	vld [tilespmem:s20+$0xFFFFFFF0];
	[tilespmem:$0x1FF50] =	vst v4;
	v4 =	vand.u32 $0x400, v58  }
0x29c: {  	v2 =	vand.u32 $0x380, v2;
	v7 =	vld [tilespmem:s20+$0xFFFFFFC0];
	v4 =	vor.u32 v4, v13  }
0x29d: {  	[tilespmem:v59+s25+$0x0] =	vst.idx.add.f32.msk $0xffff, v23;
	v2 =	vor.u32 v2, v4  }
0x29e: {  	[tilespmem:v3+s25+$0x0] =	vst.idx.add.f32.msk $0xffff, v27  }
0x29f: {  	v9 =	vshll.u32 v0, $0x3;
	v3 =	vld [tilespmem:s23+$0x10]  }
0x2a0: {  	v5 =	vand.u32 $0x400, v9;
	[tilespmem:v16+s25+$0x0] =	vst.idx.add.f32.msk $0xffff, v25;
	v13 =	vshrl.u32 v0, $0x1;
	v0 =	vand.u32 $0xFFFFF87F, v0  }
0x2a1: {  	v8 =	vshrl.u32 v56, $0x1;
	v0 =	vor.u32 v5, v0;
	v5 =	vld [tilespmem:s23+$0x20]  }
0x2a2: {  	v8 =	vand.u32 $0x380, v8;
	v6 =	vand.u32 $0xFFFFF87F, v62;
	v51 =	vshrl.u32 v31, $0x1;
	[tilespmem:v2+s25+$0x0] =	vst.idx.add.f32.msk $0xffff, v29  }
0x2a3: {  	v48 =	vand.u32 $0xFFFFF87F, v21;
	v37 =	vshrl.u32 v38, $0x1;
	v16 =	vshrl.u32 v10, $0x1;
	v1 =	vld [tilespmem:s23+$0xFFFFFFD0]  }
0x2a4: {  	v63 =	vand.u32 $0xFFFFF87F, v20;
	v16 =	vand.u32 $0x380, v16;
	v49 =	vshll.u32 v7, $0x3;
	v12 =	vld [tilespmem:s20+$0xFFFFFFD0]  }
0x2a5: {  	v4 =	vand.u32 $0xFFFFF87F, v56;
	v61 =	vand.u32 $0x380, v13;
	v2 =	vshll.u32 v56, $0x3  }
0x2a6: {  	v36 =	vld [tilespmem:s20+$0x10];
	v15 =	vshrl.u32 v3, $0x1;
	v13 =	vshrl.u32 v5, $0x1;
	v2 =	vand.u32 $0x400, v2  }
0x2a7: {  	[tilespmem:v11+s25+$0x0] =	vst.idx.add.f32.msk $0xffff, v25;
	v19 =	vor.u32 v61, v0;
	v13 =	vand.u32 $0x380, v13;
	v11 =	vor.u32 v2, v4  }
0x2a8: {  	v34 =	vld [tilespmem:s21+$0x10];
	v35 =	vor.u32 v8, v11;
	v60 =	vshll.u32 v1, $0x3;
	v9 =	vshrl.u32 v1, $0x1  }
0x2a9: {  	v24 =	vld [tilespmem:s26+$0x20];
	v1 =	vand.u32 $0xFFFFF87F, v1;
	v2 =	vshll.u32 v12, $0x3;
	v4 =	vand.u32 $0x400, v60  }
0x2aa: {  	v18 =	vld [tilespmem:s26+$0xFFFFFFC0];
	v11 =	vand.u32 $0x380, v9;
	v1 =	vor.u32 v4, v1;
	v4 =	vshll.u32 v3, $0x3  }
0x2ab: {  	v23 =	vld [tilespmem:s26+$0x10];
	v60 =	vshrl.u32 v21, $0x1;
	v3 =	vand.u32 $0xFFFFF87F, v3;
	v0 =	vand.u32 $0x400, v4  }
0x2ac: {  	v33 =	vld [tilespmem:s21+$0xFFFFFFE0];
	v4 =	vshll.u32 v5, $0x3;
	v5 =	vand.u32 $0xFFFFF87F, v5;
	v40 =	vor.u32 v11, v1  }
0x2ad: {  	v25 =	vld [tilespmem:s26+$0x30];
	v1 =	vand.u32 $0x380, v15;
	v15 =	vshrl.u32 v36, $0x1;
	v4 =	vand.u32 $0x400, v4  }
0x2ae: {  	v46 =	vld.idx.msk [tilespmem:v36+s19+$0x0], $0xffff;
	v0 =	vor.u32 v0, v3;
	v5 =	vor.u32 v4, v5;
	v4 =	vshll.u32 v10, $0x3  }
0x2af: {  	v10 =	vand.u32 $0xFFFFF87F, v10;
	v0 =	vor.u32 v1, v0;
	v1 =	vld [tilespmem:s21+$0x30];
	v22 =	vand.u32 $0x400, v4  }
0x2b0: {  	v42 =	vld [tilespmem:s21+$0x0];
	[tilespmem:$0x1FF90] =	vst v2;
	v2 =	vor.u32 v13, v5;
	v5 =	vor.u32 v22, v10;
	v10 =	vshll.u32 v62, $0x3  }
0x2b1: {  	v13 =	vshrl.u32 v62, $0x1;
	v29 =	vor.u32 v16, v5;
	v5 =	vand.u32 $0x400, v10;
	v16 =	vld [tilespmem:s20+$0x0]  }
0x2b2: {  	v22 =	vshrl.u32 v20, $0x1;
	v10 =	vand.u32 $0x380, v13;
	v13 =	vor.u32 v5, v6;
	v6 =	vld [tilespmem:s20+$0x30]  }
0x2b3: {  	v52 =	vld.idx.msk [tilespmem:v21+s19+$0x0], $0xffff;
	v62 =	vshll.u32 v31, $0x3;
	v26 =	vor.u32 v10, v13;
	v10 =	vshll.u32 v20, $0x3  }
0x2b4: {  	v43 =	vld.idx.msk [tilespmem:v20+s19+$0x0], $0xffff;
	[tilespmem:$0x1FFA0] =	vst v2;
	v2 =	vand.u32 $0x380, v22;
	v56 =	vshll.u32 v1, $0x3;
	v28 =	vand.u32 $0x400, v10  }
0x2b5: {  	v13 =	vld [tilespmem:s21+$0xFFFFFFF0];
	v57 =	vshrl.u32 v1, $0x1;
	v58 =	vand.u32 $0xFFFFF87F, v1;
	v10 =	vor.u32 v28, v63  }
0x2b6: {  	v63 =	vand.u32 $0xFFFFF87F, v31;
	v31 =	vld.idx.msk [tilespmem:v31+s19+$0x0], $0xffff;
	v20 =	vshll.u32 v16, $0x3;
	v28 =	vshrl.u32 v16, $0x1  }
0x2b7: {  	v55 =	vld.idx.msk [tilespmem:v7+s19+$0x0], $0xffff;
	v22 =	vand.u32 $0xFFFFF87F, v16;
	v20 =	vand.u32 $0x400, v20;
	v61 =	vshrl.u32 v6, $0x1  }
0x2b8: {  	v30 =	vld [tilespmem:s21+$0xFFFFFFD0];
	v44 =	vand.u32 $0xFFFFF87F, v6;
	v32 =	vshll.u32 v6, $0x3;
	v11 =	vor.u32 v20, v22  }
0x2b9: {  	v20 =	vand.u32 $0xFFFFF87F, v36;
	v50 =	vand.u32 $0x380, v61;
	v45 =	vld.idx.msk [tilespmem:v16+s19+$0x0], $0xffff;
	v16 =	vshll.u32 v36, $0x3  }
0x2ba: {  	v32 =	vand.u32 $0x400, v32;
	v61 =	vld.idx.msk [tilespmem:v38+s19+$0x0], $0xffff;
	v22 =	vand.u32 $0x400, v16;
	v16 =	vand.u32 $0x380, v28  }
0x2bb: {  	v28 =	vshll.u32 v21, $0x3;
	v54 =	vld.idx.msk [tilespmem:v6+s19+$0x0], $0xffff;
	v6 =	vshrl.u32 v7, $0x1;
	v31 =	vmul.f32 v31, v18  }
0x2bc: {  	v1 =	vld.idx.msk [tilespmem:v1+s19+$0x0], $0xffff;
	v41 =	vand.u32 $0x400, v28;
	v28 =	vand.u32 $0xFFFFF87F, v7;
	v7 =	vshll.u32 v34, $0x3  }
0x2bd: {  	v21 =	vand.u32 $0x400, v62;
	v62 =	vor.u32 v32, v44;
	v32 =	vand.u32 $0x400, v7;
	v7 =	vld.idx.msk [tilespmem:v13+s19+$0x0], $0xffff  }
0x2be: {  	v44 =	vand.u32 $0xFFFFF87F, v34;
	v36 =	vand.u32 $0x380, v6;
	v31 =	vmul.f32 v55, v31;
	v55 =	vld.idx.msk [tilespmem:v12+s19+$0x0], $0xffff  }
0x2bf: {  	v6 =	vor.u32 v32, v44;
	v44 =	vand.u32 $0x380, v37;
	v37 =	vmul.f32 v61, v24;
	v61 =	vmovc v12;
	v12 =	vld [tilespmem:$0x1FF60]  }
0x2c0: {  	v9 =	vld.idx.msk [tilespmem:v33+s19+$0x0], $0xffff  }
0x2c1: {  	v53 =	vand.u32 $0x380, v60;
	v60 =	vld.idx.msk [tilespmem:v42+s19+$0x0], $0xffff  }
0x2c2: {  	v3 =	vld [tilespmem:s20+$0xFFFFFFE0]  }
0x2c3: {  	v21 =	vor.u32 v21, v63;
	v63 =	vld.idx.msk [tilespmem:v34+s19+$0x0], $0xffff;
	v1 =	vmul.f32 v1, v25  }
0x2c4: {  	v59 =	vshll.u32 v38, $0x3;
	v39 =	vand.u32 $0xFFFFF87F, v38;
	v7 =	vmul.f32 v7, v12;
	v12 =	vld [tilespmem:$0x1FF70]  }
0x2c5: {  	v18 =	vor.u32 v50, v62;
	v50 =	vld.idx.msk [tilespmem:v30+s19+$0x0], $0xffff;
	v24 =	vor.u32 v41, v48;
	v41 =	vmul.f32 v54, v1  }
0x2c6: {  	v8 =	vand.u32 $0xFFFFF87F, v42;
	v14 =	vshrl.u32 v30, $0x1;
	v47 =	vand.u32 $0xFFFFF87F, v30;
	v1 =	vld [tilespmem:$0x1FF50]  }
0x2c7: {  	v4 =	vshll.u32 v42, $0x3;
	v17 =	vshll.u32 v3, $0x3;
	v27 =	vand.u32 $0xFFFFF87F, v3;
	[tilespmem:v29+s25+$0x0] =	vst.idx.add.f32.msk $0xffff, v41  }
0x2c8: {  	v5 =	vshrl.u32 v42, $0x1;
	v42 =	vand.u32 $0x380, v51;
	v51 =	vshrl.u32 v34, $0x1;
	v29 =	vld [tilespmem:$0x1FFA0]  }
0x2c9: {  	v38 =	vshll.u32 v13, $0x3;
	v30 =	vshll.u32 v30, $0x3;
	v9 =	vmul.f32 v9, v12;
	v12 =	vld [tilespmem:$0x1FF80]  }
0x2ca: {  	v25 =	vld.idx.msk [tilespmem:v3+s19+$0x0], $0xffff;
	v32 =	vshll.u32 v33, $0x3;
	v48 =	vand.u32 $0x400, v49;
	v23 =	vmul.f32 v63, v23  }
0x2cb: {  	v24 =	vor.u32 v53, v24;
	v34 =	vmul.f32 v52, v37;
	v1 =	vmul.f32 v60, v1  }
0x2cc: {  	v62 =	vmovc v10;
	v37 =	vand.u32 $0xFFFFF87F, v33;
	v60 =	vmovc v17;
	v17 =	vmul.f32 v46, v23;
	v46 =	vand.u32 $0xFFFFF87F, v13  }
0x2cd: {  	s22 =	sadd.s32 $0x8, s22;
	[tilespmem:v26+s25+$0x0] =	vst.idx.add.f32.msk $0xffff, v31;
	v63 =	vmovc v2;
	v23 =	vmul.f32 v45, v1;
	v1 =	vand.u32 $0x400, v56;
	v45 =	vand.u32 $0x380, v57  }
0x2ce: {  	p0 =	slt.u32 s22, $0x70;
	v2 =	vmovc v14;
	[tilespmem:v0+s25+$0x0] =	vst.idx.add.f32.msk $0xffff, v17;
	v0 =	vand.u32 $0x400, v30;
	v30 =	vshrl.u32 v33, $0x1;
	v14 =	vmul.f32 v50, v12  }
.Ltmp8:
0x2cf: {  	v10 =	vmovc v19;
	v19 =	vld [tilespmem:s23+$0x0];
	v47 =	vor.u32 v0, v47;
	v54 =	vmul.f32 v25, v9;
	v12 =	vmul.f32 v43, v7;
	(pc) =	sbr.rel @p0 .LBB2_19-.Ltmp8, $4  }
0x2d0: {  	v9 =	vand.u32 $0x380, v51;
	[tilespmem:v29+s25+$0x0] =	vst.idx.add.f32.msk $0xffff, v34;
	v43 =	vor.u32 v1, v58;
	v1 =	vmul.f32 v55, v14  }
0x2d1: {  	v25 =	vsub.f32 $0.0e+00, v23;
	v49 =	vor.u32 v9, v6;
	[tilespmem:v35+s25+$0x0] =	vst.idx.add.f32.msk $0xffff, v54;
	v26 =	vsub.f32 $0.0e+00, v12  }
0x2d2: {  	v14 =	vand.u32 $0x400, v59;
	v29 =	vsub.f32 $0.0e+00, v1;
	[tilespmem:v40+s25+$0x0] =	vst.idx.add.f32.msk $0xffff, v1;
	v1 =	vand.u32 $0x400, v4  }
0x2d3: {  	s26 =	sadd.s32 $0x80, s26;
	s23 =	sadd.s32 $0x80, s23;
	v58 =	vld [tilespmem:$0x1FF90];
	v59 =	vmovc v27;
	v27 =	vsub.f32 $0.0e+00, v54;
	v40 =	vand.u32 $0x380, v5;
	v33 =	vor.u32 v1, v8  }
0x2d4: {  	v0 =	vor.u32 v14, v39  }
0x2d5: {  	v1 =	vshrl.u32 v13, $0x1;
	v4 =	vor.u32 v48, v28;
	v6 =	vor.u32 v42, v21  }
0x2d6: {  	v5 =	vsub.f32 $0.0e+00, v41;
	v7 =	vand.u32 $0xFFFFF87F, v19;
	v0 =	vor.u32 v44, v0  }
0x2d7: {  	v8 =	vsub.f32 $0.0e+00, v17;
	v9 =	vsub.f32 $0.0e+00, v31;
	v4 =	vor.u32 v36, v4  }
0x2d8: {  	[tilespmem:v10+s25+$0x0] =	vst.idx.add.f32.msk $0xffff, v12;
	v35 =	vor.u32 v22, v20;
	v15 =	vand.u32 $0x380, v15;
	v44 =	vor.u32 v45, v43  }
0x2d9: {  	v39 =	vsub.f32 $0.0e+00, v34;
	v52 =	vand.u32 $0x380, v2;
	v12 =	vor.u32 v15, v35;
	[tilespmem:v49+s25+$0x0] =	vst.idx.add.f32.msk $0xffff, v8  }
0x2da: {  	v41 =	vand.u32 $0x400, v38;
	v42 =	vshrl.u32 v19, $0x1;
	v53 =	vor.u32 v52, v47;
	[tilespmem:v6+s25+$0x0] =	vst.idx.add.f32.msk $0xffff, v9  }
0x2db: {  	v48 =	vshll.u32 v19, $0x3;
	v56 =	vand.u32 $0x400, v60;
	v3 =	vshrl.u32 v3, $0x1;
	[tilespmem:v0+s25+$0x0] =	vst.idx.add.f32.msk $0xffff, v39  }
0x2dc: {  	v45 =	vand.u32 $0x400, v32;
	v1 =	vand.u32 $0x380, v1;
	v51 =	vor.u32 v41, v46;
	[tilespmem:v4+s25+$0x0] =	vst.idx.add.f32.msk $0xffff, v9  }
0x2dd: {  	v57 =	vor.u32 v56, v59;
	v1 =	vor.u32 v1, v51;
	v0 =	vand.u32 $0x400, v48;
	[tilespmem:v44+s25+$0x0] =	vst.idx.add.f32.msk $0xffff, v5  }
0x2de: {  	v50 =	vand.u32 $0x380, v42;
	v59 =	vor.u32 v63, v62;
	[tilespmem:v12+s25+$0x0] =	vst.idx.add.f32.msk $0xffff, v8;
	v0 =	vor.u32 v0, v7  }
0x2df: {  	v36 =	vand.u32 $0x380, v30;
	v49 =	vor.u32 v45, v37;
	[tilespmem:v53+s25+$0x0] =	vst.idx.add.f32.msk $0xffff, v29;
	v0 =	vor.u32 v50, v0  }
0x2e0: {  	v3 =	vand.u32 $0x380, v3;
	v6 =	vor.u32 v36, v49;
	[tilespmem:v24+s25+$0x0] =	vst.idx.add.f32.msk $0xffff, v39  }
0x2e1: {  	v54 =	vor.u32 v40, v33;
	v3 =	vor.u32 v3, v57;
	[tilespmem:v18+s25+$0x0] =	vst.idx.add.f32.msk $0xffff, v5  }
0x2e2: {  	v60 =	vand.u32 $0xFFFFF87F, v61;
	v62 =	vshrl.u32 v61, $0x1;
	v58 =	vand.u32 $0x400, v58;
	[tilespmem:v1+s25+$0x0] =	vst.idx.add.f32.msk $0xffff, v26  }
0x2e3: {  	v55 =	vor.u32 v16, v11;
	v2 =	vand.u32 $0x380, v62;
	v63 =	vor.u32 v58, v60;
	[tilespmem:v59+s25+$0x0] =	vst.idx.add.f32.msk $0xffff, v26  }
0x2e4: {  	[tilespmem:v0+s25+$0x0] =	vst.idx.add.f32.msk $0xffff, v23;
	v0 =	vor.u32 v2, v63  }
0x2e5: {  	[tilespmem:v6+s25+$0x0] =	vst.idx.add.f32.msk $0xffff, v27  }
0x2e6: {  	[tilespmem:v3+s25+$0x0] =	vst.idx.add.f32.msk $0xffff, v27  }
0x2e7: {  	[tilespmem:v54+s25+$0x0] =	vst.idx.add.f32.msk $0xffff, v25  }
0x2e8: {  	[tilespmem:v55+s25+$0x0] =	vst.idx.add.f32.msk $0xffff, v25  }
0x2e9: {  	[tilespmem:v0+s25+$0x0] =	vst.idx.add.f32.msk $0xffff, v29  }
.LBB2_21:
0x2ea: {  	s20 =	sshra.s32 s19, $0x2  }
0x2eb: {  	v0 =	vld [tilespmem:s20+$0x1CB00];
	_ =	sdelay $0x1  }
0x2ec: {  	v1 =	vld [tilespmem:s20+$0x1D300]  }
0x2ed: {  	v2 =	vld [tilespmem:s20+$0x1DB00];
	_ =	sdelay $0x3  }
0x2ee: {  	v3 =	vld [tilespmem:s20+$0x1E300]  }
0x2ef: {  	v5 =	vshll.u32 v2, $0x3;
	v6 =	vshrl.u32 v2, $0x1;
	v2 =	vand.u32 $0xFFFFF87F, v2;
	v4 =	vld.idx.msk [tilespmem:v0+s7+$0x0], $0xffff  }
0x2f0: {  	v60 =	vshll.u32 v0, $0x3;
	v61 =	vshrl.u32 v0, $0x1;
	v5 =	vand.u32 $0x400, v5  }
0x2f1: {  	v62 =	vshll.u32 v1, $0x3;
	v6 =	vand.u32 $0x380, v6;
	v2 =	vor.u32 v5, v2;
	v59 =	vld.idx.msk [tilespmem:v1+s7+$0x0], $0xffff  }
0x2f2: {  	v7 =	vshrl.u32 v1, $0x1;
	v5 =	vand.u32 $0x400, v60;
	v2 =	vor.u32 v6, v2  }
0x2f3: {  	v0 =	vand.u32 $0xFFFFF87F, v0;
	v6 =	vand.u32 $0x380, v61;
	v1 =	vand.u32 $0xFFFFF87F, v1  }
0x2f4: {  	v0 =	vor.u32 v5, v0;
	v5 =	vand.u32 $0x400, v62;
	v3 =	vmul.f32 v4, v3  }
0x2f5: {  	v63 =	vand.u32 $0x380, v7;
	v0 =	vor.u32 v6, v0;
	v1 =	vor.u32 v5, v1  }
0x2f6: {  	p0 =	sne.s32 s19, $0x100;
	v1 =	vor.u32 v63, v1;
	v3 =	vmul.f32 v59, v3  }
.Ltmp9:
0x2f7: {  	_ = 	snop;
	(pc) =	sbr.rel @p0 .LBB2_21-.Ltmp9, $4  }
0x2f8: {  	v4 =	vsub.f32 $0.0e+00, v3  }
0x2f9: {  	[tilespmem:v2+s25+$0x0] =	vst.idx.add.f32.msk $0xffff, v3  }
0x2fa: {  	[tilespmem:v0+s25+$0x0] =	vst.idx.add.f32.msk $0xffff, v4  }
0x2fb: {  	s19 =	sadd.s32 $0x40, s19;
	[tilespmem:v1+s25+$0x0] =	vst.idx.add.f32.msk $0xffff, v4  }
0x2fc: {  	s18 =	sadd.s32 $0x1, s18  }
0x2fd: {  	p0 =	sne.s32 s18, $0x19  }
.Ltmp10:
0x2fe: {  	_ = 	snop;
	(pc) =	sbr.rel @p0 .LBB2_14-.Ltmp10, $1  }
0x2ff: {  	_ =	sdelay $0x3  }
0x300: {  	_ =	swait.ge [sflag:s24], $0x7D0  }
0x301: {  	[sflag:s24] =	ssyncset.done $0x0  }
0x302: {  	[sflag:s24] =	ssyncadd.s32 $0xFFFFF830  }
0x303: {  	_ =	swait.ge [sflag:s24], $0x7D0  }
0x304: {  	[sflag:s24] =	ssyncset.done $0x0  }
0x305: {  	[sflag:s24] =	ssyncadd.s32 $0xFFFFF830  }
0x306: {  	_ =	swait.ge [sflag:s24], $0x7D0  }
0x307: {  	[sflag:s24] =	ssyncset.done $0x0  }
0x308: {  	s17 =	simm.s32 $0x6210;
	[sflag:s24] =	ssyncadd.s32 $0xFFFFF830  }
0x309: {  	v0 =	vimm.f32 $0.0e+00;
	v1 =	vlaneseq.u32;
	s18 =	simm.s32 $0x6200;
	s19 =	simm.s32 $0x61E0;
	_ =	swait.ge [sflag:s24], $0x7D0  }
0x30a: {  	s20 =	simm.s32 $0x61F0;
	s22 =	simm.s32 $0x61D0;
	v2 =	vadd.s32 $0xFFFF9E58, v1;
	v1 =	vmul.u32 $0xFFFFFFFF, v1;
	v4 =	vmov s17;
	[sflag:s24] =	ssyncset.done $0x0  }
0x30b: {  	s23 =	simm.s32 $0x61B0;
	s21 =	simm.s32 $0x61C0;
	v5 =	vmov s18;
	v9 =	vmov s19;
	v10 =	vmov s20;
	[sflag:s24] =	ssyncadd.s32 $0xFFFFF830  }
0x30c: {  	s26 =	simm.s32 $0x61A0;
	v12 =	vmov s22;
	v16 =	vmov s23;
	v17 =	vmov s21;
	v8 =	vld [tilespmem:s17+$0xFFFFFF90]  }
0x30d: {  	v19 =	vmov s26;
	v6 =	vadd.s32 s18, v2;
	v7 =	vadd.s32 s17, v2  }
0x30e: {  	v11 =	vadd.s32 s20, v2;
	v13 =	vadd.s32 s22, v2;
	v14 =	vadd.s32 s19, v2;
	v15 =	vld [tilespmem:s17+$0xFFFFFFA0]  }
0x30f: {  	v18 =	vadd.s32 s21, v2;
	v20 =	vadd.s32 s26, v2;
	v3 =	vadd.s32 $0x927B, v1  }
0x310: {  	vm0 =	vlt.u32 v20, $0x30D4;
	v1 =	vadd.s32 s23, v2;
	vm1 =	vgt.u32 v19, v3;
	v52 =	vld [tilespmem:s17+$0xFFFFFFB0]  }
0x311: {  	vm14 =	vlt.u32 v1, $0x30D4;
	v20 =	vnsel vm0, $0x0, v8;
	v8 =	vnsel vm1, $0x0, v8  }
0x312: {  	vm15 =	vgt.u32 v16, v3;
	v53 =	vld [tilespmem:s17+$0xFFFFFFC0];
	v1 =	vadd.f32 v20, v0;
	v0 =	vadd.f32 v8, v0  }
0x313: {  	vm4 =	vlt.u32 v18, $0x30D4;
	v54 =	vnsel vm14, $0x0, v15;
	v15 =	vnsel vm15, $0x0, v15  }
0x314: {  	vm5 =	vgt.u32 v17, v3;
	v55 =	vld [tilespmem:s17+$0xFFFFFFD0];
	v1 =	vadd.f32 v54, v1;
	v0 =	vadd.f32 v15, v0  }
0x315: {  	vm6 =	vlt.u32 v13, $0x30D4;
	v56 =	vnsel vm4, $0x0, v52;
	v17 =	vnsel vm5, $0x0, v52  }
0x316: {  	vm7 =	vgt.u32 v12, v3;
	v57 =	vld [tilespmem:s17+$0xFFFFFFE0];
	v1 =	vadd.f32 v56, v1;
	v0 =	vadd.f32 v17, v0  }
0x317: {  	vm8 =	vlt.u32 v14, $0x30D4;
	v13 =	vnsel vm6, $0x0, v53;
	v8 =	vnsel vm7, $0x0, v53  }
0x318: {  	vm9 =	vgt.u32 v9, v3;
	v58 =	vld [tilespmem:s17+$0xFFFFFFF0];
	v1 =	vadd.f32 v13, v1;
	v0 =	vadd.f32 v8, v0  }
0x319: {  	vm10 =	vlt.u32 v11, $0x30D4;
	v59 =	vnsel vm8, $0x0, v55;
	v60 =	vnsel vm9, $0x0, v55  }
0x31a: {  	vm11 =	vgt.u32 v10, v3;
	v61 =	vld [tilespmem:s17+$0x0];
	v1 =	vadd.f32 v59, v1;
	v0 =	vadd.f32 v60, v0  }
0x31b: {  	vm12 =	vlt.u32 v6, $0x30D4;
	v62 =	vnsel vm10, $0x0, v57;
	v63 =	vnsel vm11, $0x0, v57  }
0x31c: {  	vm13 =	vgt.u32 v5, v3;
	v1 =	vadd.f32 v62, v1;
	v0 =	vadd.f32 v63, v0  }
0x31d: {  	v5 =	vnsel vm12, $0x0, v58;
	v6 =	vnsel vm13, $0x0, v58;
	vm14 =	vlt.u32 v7, $0x30D4  }
0x31e: {  	vm15 =	vgt.u32 v4, v3;
	v1 =	vadd.f32 v5, v1;
	v0 =	vadd.f32 v6, v0  }
0x31f: {  	v4 =	vnsel vm14, $0x0, v61;
	v5 =	vnsel vm15, $0x0, v61  }
0x320: {  	s18 =	simm.s32 $0x61A;
	s19 =	simm.s32 $0x6290;
	v4 =	vadd.f32 v4, v1;
	v5 =	vadd.f32 v5, v0  }
.LBB2_24:
0x321: {  	s20 =	sadd.s32 $0xFFFFFFF0, s19;
	v0 =	vmov s19  }
0x322: {  	s21 =	sadd.s32 $0xFFFFFFD0, s19;
	s22 =	sadd.s32 $0xFFFFFFE0, s19;
	v7 =	vadd.s32 s19, v2;
	s17 =	sadd.s32 $0x80, s17;
	v1 =	vmov s20;
	v6 =	vadd.s32 s20, v2  }
0x323: {  	s18 =	sadd.s32 $0x8, s18;
	s20 =	sadd.s32 $0xFFFFFFC0, s19;
	v9 =	vmov s21;
	v10 =	vmov s22;
	v11 =	vadd.s32 s22, v2;
	v8 =	vld [tilespmem:s17+$0xFFFFFF90]  }
0x324: {  	s23 =	sadd.s32 $0xFFFFFFB0, s19;
	s22 =	sadd.s32 $0xFFFFFFA0, s19;
	v14 =	vadd.s32 s21, v2;
	p0 =	slt.u32 s18, $0xC2A;
	v12 =	vmov s20;
	v13 =	vadd.s32 s20, v2  }
0x325: {  	v17 =	vmov s23;
	v18 =	vadd.s32 s23, v2;
	s20 =	sadd.s32 $0xFFFFFF90, s19;
	v16 =	vmov s22;
	v15 =	vld [tilespmem:s17+$0xFFFFFFA0]  }
0x326: {  	v19 =	vmov s20;
	v20 =	vadd.s32 s20, v2  }
0x327: {  	vm0 =	vlt.u32 v20, $0x30D4;
	vm1 =	vgt.u32 v19, v3;
	v19 =	vadd.s32 s22, v2;
	v20 =	vld [tilespmem:s17+$0xFFFFFFB0]  }
0x328: {  	v21 =	vnsel vm0, $0x0, v8;
	v8 =	vnsel vm1, $0x0, v8;
	vm0 =	vlt.u32 v19, $0x30D4  }
0x329: {  	vm1 =	vgt.u32 v16, v3;
	v4 =	vadd.f32 v21, v4;
	v5 =	vadd.f32 v8, v5;
	v8 =	vld [tilespmem:s17+$0xFFFFFFC0]  }
0x32a: {  	v16 =	vnsel vm0, $0x0, v15;
	v15 =	vnsel vm1, $0x0, v15;
	vm0 =	vlt.u32 v18, $0x30D4  }
0x32b: {  	vm1 =	vgt.u32 v17, v3;
	v4 =	vadd.f32 v16, v4;
	v5 =	vadd.f32 v15, v5;
	v15 =	vld [tilespmem:s17+$0xFFFFFFD0]  }
0x32c: {  	v16 =	vnsel vm0, $0x0, v20;
	v17 =	vnsel vm1, $0x0, v20;
	vm0 =	vlt.u32 v13, $0x30D4  }
0x32d: {  	vm1 =	vgt.u32 v12, v3;
	v4 =	vadd.f32 v16, v4;
	v5 =	vadd.f32 v17, v5;
	v12 =	vld [tilespmem:s17+$0xFFFFFFE0]  }
0x32e: {  	v13 =	vnsel vm0, $0x0, v8;
	v8 =	vnsel vm1, $0x0, v8;
	vm0 =	vlt.u32 v14, $0x30D4  }
0x32f: {  	vm1 =	vgt.u32 v9, v3;
	v4 =	vadd.f32 v13, v4;
	v5 =	vadd.f32 v8, v5;
	v8 =	vld [tilespmem:s17+$0xFFFFFFF0]  }
0x330: {  	v9 =	vnsel vm0, $0x0, v15;
	v13 =	vnsel vm1, $0x0, v15;
	vm0 =	vlt.u32 v11, $0x30D4  }
0x331: {  	vm1 =	vgt.u32 v10, v3;
	v4 =	vadd.f32 v9, v4;
	v5 =	vadd.f32 v13, v5;
	v9 =	vld [tilespmem:s17+$0x0]  }
0x332: {  	v10 =	vnsel vm0, $0x0, v12;
	v11 =	vnsel vm1, $0x0, v12;
	vm0 =	vlt.u32 v6, $0x30D4  }
.Ltmp11:
0x333: {  	vm1 =	vgt.u32 v1, v3;
	v4 =	vadd.f32 v10, v4;
	v5 =	vadd.f32 v11, v5;
	(pc) =	sbr.rel @p0 .LBB2_24-.Ltmp11, $4  }
0x334: {  	v1 =	vnsel vm0, $0x0, v8;
	v6 =	vnsel vm1, $0x0, v8;
	vm0 =	vlt.u32 v7, $0x30D4  }
0x335: {  	vm1 =	vgt.u32 v0, v3;
	v1 =	vadd.f32 v1, v4;
	v5 =	vadd.f32 v6, v5  }
0x336: {  	v0 =	vnsel vm0, $0x0, v9;
	v6 =	vnsel vm1, $0x0, v9  }
0x337: {  	s19 =	sadd.s32 $0x80, s19;
	v4 =	vadd.f32 v0, v1;
	v5 =	vadd.f32 v6, v5  }
0x338: {  	v0 =	vld [tilespmem:$0xC320];
	_ =	sdelay $0x1  }
0x339: {  	v1 =	vld [tilespmem:$0xC330];
	_ =	sdelay $0x1  }
0x33a: {  	v2 =	vld [tilespmem:$0xC340]  }
0x33b: {  	v0 =	vadd.f32 v0, v5;
	_ =	sdelay $0x1  }
0x33c: {  	v0 =	vadd.f32 v1, v0  }
0x33d: {  	v1 =	vadd.f32 $0.0e+00, v4  }
0x33e: {  	v0 =	vadd.f32 v2, v0  }
0x33f: {  	[tilespmem:$0x1E380] =	vst v1  }
0x340: {  	s17 =	rddreg [dreg:$0x11];
	s18 =	simm.s32 $0x1E380;
	s23 =	simm.s32 $0x3;
	[tilespmem:$0x1E400] =	vst v0  }
0x341: {  	[hbm4b:s17+s7] =	stream.linear.scatter [tilespmem:s18], [sflag:$0x3], $0x100, $0x38;
	[tilespmem:$0x1E480] =	vst v63  }
0x342: {  	_ =	swait.ge [sflag:s23], $0x100  }
0x343: {  	[sflag:s23] =	ssyncset.done $0x0  }
0x344: {  	s22 =	rddreg [dreg:$0x12];
	[sflag:s23] =	ssyncadd.s32 $0xFFFFFF00  }
0x345: {  	[hbm4b:s22+s7] =	stream.linear.scatter [tilespmem:s25], [sflag:$0x3], $0xE000, $0x38;
	[tilespmem:$0x1E480] =	vst v63  }
0x346: {  	_ =	swait.ge [sflag:s23], $0xE000  }
0x347: {  	s14 =	sadd.s32 $0x1, s14;
	s26 =	rddreg [dreg:$0x13]  }
0x348: {  	p0 =	sne.s32 s14, s26  }
.Ltmp12:
0x349: {  	_ = 	snop;
	(pc) =	sbr.rel @p0 .LBB2_1-.Ltmp12, $3  }
0x34a: {  	_ =	sdelay $0x1  }
0x34b: {  	[sflag:s23] =	ssyncset.done $0x0  }
0x34c: {  	v0 =	vimm.f32 $0.0e+00;
	[sflag:s23] =	ssyncadd.s32 $0xFFFF2000  }
0x34d: {  	_ =	sfence.sel $0x180000  }
0x34e: {  	[bflag:$0x0] =	sbarrier.arrive $0xFFFF  }
0x34f: {  	_ =	strace $0x90000047  }
0x350: {  	s0 =	stileid.u32;
	[bflag:$0x2] =	sbarrier.arrive $0xFFFF  }
0x351: {  	p0 =	sne.s32 s0, $0x0;
	s0 =	rddreg [dreg:$0x8]  }
0x352: {  	s0 =	sadd.s32 @!p0 $0x100000, s0  }
0x353: {  	[sflag:s0] =	ssyncadd.tile.s32 @!p0 $0x1;
	_ =	shalt  }
.Lfunc_end2:
_tile_overlayer_lowered:
.L_overlay_start_2:
0x354: {  	(tag) =	ssettag $0x2  }
0x355: {  	s0 =	rddreg [dreg:$0x0];
	s2 =	stileid.u32  }
0x356: {  	s1 =	rddreg [dreg:$0x1];
	p0 =	sne.s32 s2, $0x0  }
0x357: {  	s3 =	rddreg [dreg:$0x2];
	[bflag:$0x3] =	sbarrier.arrive $0xFFFF;
	s2 =	simm.s32 @!p0 $0x1C03  }
0x358: {  	[timem:s3], [sflag:s2] =	dma.local @!p0 [hbm:s0], s1  }
0x359: {  	s0 =	simm.s32 @!p0 $0x3  }
0x35a: {  	_ =	swait.ge @!p0 [sflag:s0], s1  }
0x35b: {  	s1 =	ssub.s32 @!p0 $0x0, s1;
	[sflag:s0] =	ssyncset.done @!p0 $0x0  }
0x35c: {  	[sflag:s0] =	ssyncadd.s32 @!p0 s1  }
0x35d: {  	[bflag:$0x3] =	sbarrier.arrive $0xFFFF  }
0x35e: {  	_ =	shalt  }

</sc_bundles>
